<compile_context>
chip_gen: v7x
topology: tpu7x:2x2x1
jax: 0.10.2.dev20260603
libtpu: 0.0.44.dev20260713+nightly
codegen_flags: <defaults>
</compile_context>

<pallas_src>
import functools

import jax
import jax.numpy as jnp
from jax import lax
from jax.experimental import pallas as pl
from jax.experimental.pallas import tpu as pltpu
from jax.experimental.pallas import tpu_sc as plsc

N = 10000
E = 320000
D = 128
G = 64
O = 64

NC, NS = 2, 16
NW = NC * NS
NP = 10240
RPT = NP // NS
C = 120
NCH = 84
EPT = NCH * C
EPAD = EPT * NW



@functools.cache
def _sc_kernels():
    mesh = plsc.VectorSubcoreMesh(core_axis_name="c", subcore_axis_name="s",
                                  num_cores=NC, num_subcores=NS)

    @functools.partial(
        pl.kernel,
        out_type=jax.ShapeDtypeStruct((NC, NP, D), jnp.float32),
        mesh=mesh,
        scratch_types=[
            pltpu.VMEM((2, C), jnp.int32),
            pltpu.VMEM((2, C), jnp.int32),
            pltpu.VMEM((C, D), jnp.float32),
            pltpu.SemaphoreType.DMA,
            pltpu.SemaphoreType.DMA,
            pltpu.VMEM_SHARED((NP, D), jnp.float32),
        ],
    )
    def deg_kernel(eidx_hbm, ones_hbm, zeros_hbm, out_hbm, ib0, ib1, onesv,
                   isem0, isem1, acc):
        cid = lax.axis_index("c")
        sid = lax.axis_index("s")
        pltpu.sync_copy(ones_hbm, onesv)
        pltpu.sync_copy(zeros_hbm.at[pl.ds(sid * RPT, RPT)],
                        acc.at[pl.ds(sid * RPT, RPT)])
        pltpu.async_copy(eidx_hbm.at[cid, sid, 0], ib0, isem0)
        pltpu.async_copy(eidx_hbm.at[cid, sid, 1], ib1, isem1)
        plsc.subcore_barrier()

        def half(j, ibA, isemA):
            pltpu.make_async_copy(eidx_hbm.at[cid, sid, j], ibA, isemA).wait()
            pltpu.sync_copy(onesv, acc.at[ibA.at[1]], add=True)

            @pl.when(j + 2 < NCH)
            def _():
                pltpu.async_copy(eidx_hbm.at[cid, sid, j + 2], ibA, isemA)

        def body(i, carry):
            half(2 * i, ib0, isem0)
            half(2 * i + 1, ib1, isem1)
            return carry

        lax.fori_loop(0, NCH // 2, body, 0)
        plsc.subcore_barrier()
        pltpu.sync_copy(acc.at[pl.ds(sid * RPT, RPT)],
                        out_hbm.at[cid, pl.ds(sid * RPT, RPT)])

    @functools.partial(
        pl.kernel,
        out_type=jax.ShapeDtypeStruct((NC, NP, D), jnp.float32),
        mesh=mesh,
        scratch_types=[
            [pltpu.VMEM((2, C), jnp.int32) for _ in range(3)],
            [pltpu.VMEM((C, D), jnp.float32) for _ in range(3)],
            [pltpu.SemaphoreType.DMA for _ in range(3)],
            [pltpu.SemaphoreType.DMA for _ in range(3)],
            pltpu.VMEM_SHARED((NP, D), jnp.float32),
        ],
    )
    def edge_kernel(g_hbm, eidx_hbm, zeros_hbm, out_hbm,
                    ib, rows, isem, gsem, acc):
        cid = lax.axis_index("c")
        sid = lax.axis_index("s")
        pltpu.sync_copy(zeros_hbm.at[pl.ds(sid * RPT, RPT)],
                        acc.at[pl.ds(sid * RPT, RPT)])
        pltpu.async_copy(eidx_hbm.at[cid, sid, 0], ib[0], isem[0])
        pltpu.async_copy(eidx_hbm.at[cid, sid, 1], ib[1], isem[1])
        pltpu.async_copy(eidx_hbm.at[cid, sid, 2], ib[2], isem[2])
        pltpu.make_async_copy(eidx_hbm.at[cid, sid, 0], ib[0], isem[0]).wait()
        pltpu.async_copy(g_hbm.at[ib[0].at[0]], rows[0], gsem[0])
        pltpu.make_async_copy(eidx_hbm.at[cid, sid, 1], ib[1], isem[1]).wait()
        pltpu.async_copy(g_hbm.at[ib[1].at[0]], rows[1], gsem[1])
        plsc.subcore_barrier()

        def step(j, k):
            k2 = (k + 2) % 3

            @pl.when(j + 2 < NCH)
            def _():
                pltpu.make_async_copy(eidx_hbm.at[cid, sid, j + 2], ib[k2],
                                      isem[k2]).wait()
                pltpu.async_copy(g_hbm.at[ib[k2].at[0]], rows[k2], gsem[k2])

            pltpu.make_async_copy(g_hbm.at[ib[k].at[0]], rows[k],
                                  gsem[k]).wait()
            pltpu.sync_copy(rows[k], acc.at[ib[k].at[1]], add=True)

            @pl.when(j + 3 < NCH)
            def _():
                pltpu.async_copy(eidx_hbm.at[cid, sid, j + 3], ib[k], isem[k])

        def body(i, carry):
            for k in range(3):
                step(3 * i + k, k)
            return carry

        lax.fori_loop(0, NCH // 3, body, 0)
        plsc.subcore_barrier()
        pltpu.sync_copy(acc.at[pl.ds(sid * RPT, RPT)],
                        out_hbm.at[cid, pl.ds(sid * RPT, RPT)])

    return deg_kernel, edge_kernel



BN = 1000
GRID = N // BN


def _dinv_of(deg_ref):
    d = deg_ref[0, :, 0] + deg_ref[1, :, 0] + 1.0
    return lax.rsqrt(d)[:, None]


def _mm1_body(deg_ref, x_ref, w_ref, o_ref):
    h = jnp.dot(x_ref[...], w_ref[...], preferred_element_type=jnp.float32)
    o_ref[...] = _dinv_of(deg_ref) * h


def _mmn_body(deg_ref, acc_ref, g_ref, w_ref, b_ref, o_ref):
    dinv = _dinv_of(deg_ref)
    xin = dinv * (acc_ref[0] + acc_ref[1] + g_ref[...]) + b_ref[...]
    xin = jnp.maximum(xin, 0.0)
    o_ref[...] = dinv * jnp.dot(xin, w_ref[...],
                                preferred_element_type=jnp.float32)


def _pool_body(deg_ref, acc_ref, g_ref, b_ref, batch_ref,
               wo1_ref, bo1_ref, wo2_ref, bo2_ref, o_ref,
               sums_ref, cnt_ref):
    step = pl.program_id(0)

    @pl.when(step == 0)
    def _():
        sums_ref[...] = jnp.zeros_like(sums_ref)
        cnt_ref[...] = jnp.zeros_like(cnt_ref)

    dinv = _dinv_of(deg_ref)
    h3 = dinv * (acc_ref[0] + acc_ref[1] + g_ref[...]) + b_ref[...]
    gids = lax.broadcasted_iota(jnp.int32, (1, G), 1).astype(jnp.float32)
    mask = (batch_ref[...] == gids).astype(jnp.float32)
    sums_ref[...] += lax.dot_general(
        mask, h3, (((0,), (0,)), ((), ())),
        preferred_element_type=jnp.float32)
    cnt_ref[...] += jnp.sum(mask, axis=0)[None, :]

    @pl.when(step == GRID - 1)
    def _():
        pooled = sums_ref[...] / jnp.maximum(cnt_ref[...], 1.0)[0][:, None]
        z = jnp.maximum(
            jnp.dot(pooled, wo1_ref[...],
                    preferred_element_type=jnp.float32) + bo1_ref[...], 0.0)
        o_ref[...] = jnp.dot(z, wo2_ref[...],
                             preferred_element_type=jnp.float32) + bo2_ref[...]


_deg_spec = pl.BlockSpec((NC, BN, D), lambda i: (0, i, 0))
_acc_spec = pl.BlockSpec((NC, BN, D), lambda i: (0, i, 0))
_row_spec = pl.BlockSpec((BN, D), lambda i: (i, 0))


def _full(shape):
    return pl.BlockSpec(shape, lambda i: tuple(0 for _ in shape))


_mm1 = pl.pallas_call(
    _mm1_body,
    grid=(GRID,),
    in_specs=[_deg_spec, _row_spec, _full((D, D))],
    out_specs=_row_spec,
    out_shape=jax.ShapeDtypeStruct((N, D), jnp.float32),
)

_mmn = pl.pallas_call(
    _mmn_body,
    grid=(GRID,),
    in_specs=[_deg_spec, _acc_spec, _row_spec, _full((D, D)), _full((1, D))],
    out_specs=_row_spec,
    out_shape=jax.ShapeDtypeStruct((N, D), jnp.float32),
)

_pool = pl.pallas_call(
    _pool_body,
    grid=(GRID,),
    in_specs=[_deg_spec, _acc_spec, _row_spec, _full((1, D)),
              pl.BlockSpec((BN, 1), lambda i: (i, 0)),
              _full((D, G)), _full((1, G)), _full((G, O)), _full((1, O))],
    out_specs=_full((G, O)),
    out_shape=jax.ShapeDtypeStruct((G, O), jnp.float32),
    scratch_shapes=[pltpu.VMEM((G, D), jnp.float32),
                    pltpu.VMEM((1, G), jnp.float32)],
)



def kernel(x, edge_index, batch, W1, b1, W2, b2, W3, b3, Wo1, bo1, Wo2, bo2):
    src = edge_index[0].astype(jnp.int32)
    dst = edge_index[1].astype(jnp.int32)
    pad = EPAD - E
    src = jnp.concatenate([src, jnp.zeros((pad,), jnp.int32)])
    dst = jnp.concatenate([dst, jnp.full((pad,), NP - 1, jnp.int32)])
    eidx = jnp.stack([src.reshape(NC, NS, NCH, C),
                      dst.reshape(NC, NS, NCH, C)], axis=3)

    zerosD = jnp.zeros((NP, D), jnp.float32)
    batchf = batch.astype(jnp.float32).reshape(N, 1)
    b1r = b1.reshape(1, D)
    b2r = b2.reshape(1, D)
    b3r = b3.reshape(1, D)
    bo1r = bo1.reshape(1, G)
    bo2r = bo2.reshape(1, O)

    deg_kernel, edge_kernel = _sc_kernels()
    deg = deg_kernel(eidx, jnp.ones((C, D), jnp.float32), zerosD)
    g1 = _mm1(deg, x, W1)
    acc1 = edge_kernel(g1, eidx, zerosD)
    g2 = _mmn(deg, acc1, g1, W2, b1r)
    acc2 = edge_kernel(g2, eidx, zerosD)
    g3 = _mmn(deg, acc2, g2, W3, b2r)
    acc3 = edge_kernel(g3, eidx, zerosD)
    return _pool(deg, acc3, g3, b3r, batchf, Wo1, bo1r, Wo2, bo2r)

# --- scband reference (transcript-rebuilt; emitter-appended) ---
"""Pipeline reference for scband-basic-gcn-78005196030504 (READ-ONLY COPY).

The authoritative reference and input builder live on the scoring server;
editing this copy changes nothing except your own understanding.
"""

import jax, jax.numpy as jnp
import numpy as np

N = 10000
E = 320000
D = 128
H = 128
O = 64
G = 64


def setup_inputs(seed: int = 0) -> dict:
    key = jax.random.key(seed)
    ks = jax.random.split(key, 16)
    x = jax.random.normal(ks[0], (N, D), dtype=jnp.float32)
    edge_index = jax.random.randint(ks[1], (2, E), 0, N, dtype=jnp.int64)
    batch = jnp.sort(jax.random.randint(ks[2], (N,), 0, G, dtype=jnp.int64))
    s = 0.05
    W1 = jax.random.normal(ks[3], (D, H), dtype=jnp.float32) * s
    b1 = jnp.zeros((H,), dtype=jnp.float32)
    W2 = jax.random.normal(ks[4], (H, H), dtype=jnp.float32) * s
    b2 = jnp.zeros((H,), dtype=jnp.float32)
    W3 = jax.random.normal(ks[5], (H, H), dtype=jnp.float32) * s
    b3 = jnp.zeros((H,), dtype=jnp.float32)
    Wo1 = jax.random.normal(ks[6], (H, H // 2), dtype=jnp.float32) * s
    bo1 = jnp.zeros((H // 2,), dtype=jnp.float32)
    Wo2 = jax.random.normal(ks[7], (H // 2, O), dtype=jnp.float32) * s
    bo2 = jnp.zeros((O,), dtype=jnp.float32)
    return {"x": x, "edge_index": edge_index, "batch": batch,
            "W1": W1, "b1": b1, "W2": W2, "b2": b2, "W3": W3, "b3": b3,
            "Wo1": Wo1, "bo1": bo1, "Wo2": Wo2, "bo2": bo2}


def _gcn_conv(x, edge_index, W, b):
    # PyG GCNConv: add self loops, sym-normalize, linear transform, aggregate, add bias
    n = x.shape[0]
    loops = jnp.arange(n, dtype=edge_index.dtype)
    src = jnp.concatenate([edge_index[0], loops])
    dst = jnp.concatenate([edge_index[1], loops])
    deg = jax.ops.segment_sum(jnp.ones_like(src, dtype=x.dtype), dst, num_segments=n)
    dinv = jnp.where(deg > 0, deg ** -0.5, 0.0)
    norm = dinv[src] * dinv[dst]
    h = x @ W
    msg = h[src] * norm[:, None]
    out = jax.ops.segment_sum(msg, dst, num_segments=n)
    return out + b


def reference(x, edge_index, batch, W1, b1, W2, b2, W3, b3, Wo1, bo1, Wo2, bo2):
    # conv stack: relu+(dropout skipped, eval) between convs, none after last
    h = _gcn_conv(x, edge_index, W1, b1)
    h = jax.nn.relu(h)
    h = _gcn_conv(h, edge_index, W2, b2)
    h = jax.nn.relu(h)
    h = _gcn_conv(h, edge_index, W3, b3)
    # global mean pool over batch assignment
    sums = jax.ops.segment_sum(h, batch, num_segments=G)
    counts = jax.ops.segment_sum(jnp.ones((h.shape[0],), dtype=h.dtype), batch, num_segments=G)
    pooled = sums / jnp.maximum(counts, 1.0)[:, None]
    # output MLP (dropout skipped, eval)
    z = jax.nn.relu(pooled @ Wo1 + bo1)
    out = z @ Wo2 + bo2
    return out

if __name__ == "__main__":
    import jax
    _d = setup_inputs()
    print(jax.jit(kernel)(*tuple(_d.values())))

</pallas_src>

<mosaic_0001>
#map = affine_map<(d0, d1) -> (0, 0)>
#map1 = affine_map<(d0, d1) -> (0, 0, 0, 0, 0)>
#map2 = affine_map<(d0, d1) -> (0, 0, 0)>
module attributes {stable_mosaic.version = 14 : i64} {
  func.func @edge_kernel(%arg0: i32, %arg1: i32, %arg2: memref<10000x128xf32, #tpu.memory_space<hbm>>, %arg3: memref<2x16x84x2x120xi32, #tpu.memory_space<hbm>>, %arg4: memref<10240x128xf32, #tpu.memory_space<hbm>>, %arg5: memref<2x10240x128xf32, #tpu.memory_space<hbm>>, %arg6: memref<2x120xi32, #tpu.memory_space<vmem>>, %arg7: memref<2x120xi32, #tpu.memory_space<vmem>>, %arg8: memref<2x120xi32, #tpu.memory_space<vmem>>, %arg9: memref<120x128xf32, #tpu.memory_space<vmem>>, %arg10: memref<120x128xf32, #tpu.memory_space<vmem>>, %arg11: memref<120x128xf32, #tpu.memory_space<vmem>>, %arg12: memref<!tpu.dma_semaphore, #tpu.memory_space<semaphore_mem>>, %arg13: memref<!tpu.dma_semaphore, #tpu.memory_space<semaphore_mem>>, %arg14: memref<!tpu.dma_semaphore, #tpu.memory_space<semaphore_mem>>, %arg15: memref<!tpu.dma_semaphore, #tpu.memory_space<semaphore_mem>>, %arg16: memref<!tpu.dma_semaphore, #tpu.memory_space<semaphore_mem>>, %arg17: memref<!tpu.dma_semaphore, #tpu.memory_space<semaphore_mem>>, %arg18: memref<10240x128xf32, #tpu.memory_space<vmem_shared>>) attributes {dimension_semantics = [#tpu.dimension_semantics<core_parallel>, #tpu.dimension_semantics<subcore_parallel>], iteration_bounds = array<i64: 2, 16>, scalar_prefetch = 0 : i64, scratch_operands = 13 : i64, tpu.core_type = #tpu.core_type<sc_vector_subcore>, window_params = [{transform_indices = #map}, {transform_indices = #map1}, {transform_indices = #map}, {transform_indices = #map2}]} {
    %mul3A = arith.constant 640 : i32
    %mul3A_0 = arith.muli %arg1, %mul3A : i32
    %mul3A_1 = arith.constant 640 : i32
    %mul3A_2 = arith.muli %arg1, %mul3A_1 : i32
    "tpu.region"() ({
      %run_scoped3A = tpu.sem_alloc : memref<!tpu.dma_semaphore, #tpu.memory_space<semaphore_mem>>
      %dma_start3A_70 = arith.constant 0 : i32
      %dma_start3A_71 = tpu.memref_slice %arg18[%mul3A_2, %dma_start3A_70] : memref<10240x128xf32, #tpu.memory_space<vmem_shared>> -> memref<640x128xf32, #tpu.memory_space<vmem_shared>>
      %dma_start3A_72 = arith.constant 0 : i32
      %dma_start3A_73 = tpu.memref_slice %arg4[%mul3A_0, %dma_start3A_72] : memref<10240x128xf32, #tpu.memory_space<hbm>> -> memref<640x128xf32, #tpu.memory_space<hbm>>
      tpu.enqueue_dma source(%dma_start3A_73 : memref<640x128xf32, #tpu.memory_space<hbm>>) target(%dma_start3A_71 : memref<640x128xf32, #tpu.memory_space<vmem_shared>>) target_semaphore(%run_scoped3A : memref<!tpu.dma_semaphore, #tpu.memory_space<semaphore_mem>>)
      %dma_wait3A_74 = arith.constant 0 : i32
      %dma_wait3A_75 = tpu.memref_slice %arg18[%mul3A_2, %dma_wait3A_74] : memref<10240x128xf32, #tpu.memory_space<vmem_shared>> -> memref<640x128xf32, #tpu.memory_space<vmem_shared>>
      %dma_wait3A_76 = arith.constant 0 : i32
      %dma_wait3A_77 = tpu.memref_slice %arg4[%mul3A_0, %dma_wait3A_76] : memref<10240x128xf32, #tpu.memory_space<hbm>> -> memref<640x128xf32, #tpu.memory_space<hbm>>
      tpu.wait_dma2 semaphore(%run_scoped3A : memref<!tpu.dma_semaphore, #tpu.memory_space<semaphore_mem>>) src(%dma_wait3A_77 : memref<640x128xf32, #tpu.memory_space<hbm>>) dst(%dma_wait3A_75 : memref<640x128xf32, #tpu.memory_space<vmem_shared>>)
      tpu.yield
    }) : () -> ()
    %dma_start3A = arith.constant 0 : i32
    %dma_start3A_3 = arith.constant 0 : i32
    %dma_start3A_4 = arith.constant 0 : i32
    %dma_start3A_5 = tpu.memref_slice %arg3[%arg0, %arg1, %dma_start3A, %dma_start3A_3, %dma_start3A_4] : memref<2x16x84x2x120xi32, #tpu.memory_space<hbm>> -> memref<1x1x1x2x120xi32, #tpu.memory_space<hbm>>
    %dma_start3A_6 = tpu.memref_squeeze %dma_start3A_5 : memref<1x1x1x2x120xi32, #tpu.memory_space<hbm>> -> memref<2x120xi32, #tpu.memory_space<hbm>>
    %dma_start3A_7 = arith.constant 0 : i32
    %dma_start3A_8 = arith.constant 0 : i32
    %dma_start3A_9 = tpu.memref_slice %arg3[%arg0, %arg1, %dma_start3A, %dma_start3A_7, %dma_start3A_8] : memref<2x16x84x2x120xi32, #tpu.memory_space<hbm>> -> memref<1x1x1x2x120xi32, #tpu.memory_space<hbm>>
    %dma_start3A_10 = tpu.memref_squeeze %dma_start3A_9 : memref<1x1x1x2x120xi32, #tpu.memory_space<hbm>> -> memref<2x120xi32, #tpu.memory_space<hbm>>
    tpu.enqueue_dma source(%dma_start3A_10 : memref<2x120xi32, #tpu.memory_space<hbm>>) target(%arg6 : memref<2x120xi32, #tpu.memory_space<vmem>>) target_semaphore(%arg12 : memref<!tpu.dma_semaphore, #tpu.memory_space<semaphore_mem>>)
    %dma_start3A_11 = arith.constant 1 : i32
    %dma_start3A_12 = arith.constant 0 : i32
    %dma_start3A_13 = arith.constant 0 : i32
    %dma_start3A_14 = tpu.memref_slice %arg3[%arg0, %arg1, %dma_start3A_11, %dma_start3A_12, %dma_start3A_13] : memref<2x16x84x2x120xi32, #tpu.memory_space<hbm>> -> memref<1x1x1x2x120xi32, #tpu.memory_space<hbm>>
    %dma_start3A_15 = tpu.memref_squeeze %dma_start3A_14 : memref<1x1x1x2x120xi32, #tpu.memory_space<hbm>> -> memref<2x120xi32, #tpu.memory_space<hbm>>
    %dma_start3A_16 = arith.constant 0 : i32
    %dma_start3A_17 = arith.constant 0 : i32
    %dma_start3A_18 = tpu.memref_slice %arg3[%arg0, %arg1, %dma_start3A_11, %dma_start3A_16, %dma_start3A_17] : memref<2x16x84x2x120xi32, #tpu.memory_space<hbm>> -> memref<1x1x1x2x120xi32, #tpu.memory_space<hbm>>
    %dma_start3A_19 = tpu.memref_squeeze %dma_start3A_18 : memref<1x1x1x2x120xi32, #tpu.memory_space<hbm>> -> memref<2x120xi32, #tpu.memory_space<hbm>>
    tpu.enqueue_dma source(%dma_start3A_19 : memref<2x120xi32, #tpu.memory_space<hbm>>) target(%arg7 : memref<2x120xi32, #tpu.memory_space<vmem>>) target_semaphore(%arg13 : memref<!tpu.dma_semaphore, #tpu.memory_space<semaphore_mem>>)
    %dma_start3A_20 = arith.constant 2 : i32
    %dma_start3A_21 = arith.constant 0 : i32
    %dma_start3A_22 = arith.constant 0 : i32
    %dma_start3A_23 = tpu.memref_slice %arg3[%arg0, %arg1, %dma_start3A_20, %dma_start3A_21, %dma_start3A_22] : memref<2x16x84x2x120xi32, #tpu.memory_space<hbm>> -> memref<1x1x1x2x120xi32, #tpu.memory_space<hbm>>
    %dma_start3A_24 = tpu.memref_squeeze %dma_start3A_23 : memref<1x1x1x2x120xi32, #tpu.memory_space<hbm>> -> memref<2x120xi32, #tpu.memory_space<hbm>>
    %dma_start3A_25 = arith.constant 0 : i32
    %dma_start3A_26 = arith.constant 0 : i32
    %dma_start3A_27 = tpu.memref_slice %arg3[%arg0, %arg1, %dma_start3A_20, %dma_start3A_25, %dma_start3A_26] : memref<2x16x84x2x120xi32, #tpu.memory_space<hbm>> -> memref<1x1x1x2x120xi32, #tpu.memory_space<hbm>>
    %dma_start3A_28 = tpu.memref_squeeze %dma_start3A_27 : memref<1x1x1x2x120xi32, #tpu.memory_space<hbm>> -> memref<2x120xi32, #tpu.memory_space<hbm>>
    tpu.enqueue_dma source(%dma_start3A_28 : memref<2x120xi32, #tpu.memory_space<hbm>>) target(%arg8 : memref<2x120xi32, #tpu.memory_space<vmem>>) target_semaphore(%arg14 : memref<!tpu.dma_semaphore, #tpu.memory_space<semaphore_mem>>)
    %dma_wait3A = arith.constant 0 : i32
    %dma_wait3A_29 = arith.constant 0 : i32
    %dma_wait3A_30 = arith.constant 0 : i32
    %dma_wait3A_31 = tpu.memref_slice %arg3[%arg0, %arg1, %dma_wait3A, %dma_wait3A_29, %dma_wait3A_30] : memref<2x16x84x2x120xi32, #tpu.memory_space<hbm>> -> memref<1x1x1x2x120xi32, #tpu.memory_space<hbm>>
    %dma_wait3A_32 = tpu.memref_squeeze %dma_wait3A_31 : memref<1x1x1x2x120xi32, #tpu.memory_space<hbm>> -> memref<2x120xi32, #tpu.memory_space<hbm>>
    %dma_wait3A_33 = arith.constant 0 : i32
    %dma_wait3A_34 = arith.constant 0 : i32
    %dma_wait3A_35 = tpu.memref_slice %arg3[%arg0, %arg1, %dma_wait3A, %dma_wait3A_33, %dma_wait3A_34] : memref<2x16x84x2x120xi32, #tpu.memory_space<hbm>> -> memref<1x1x1x2x120xi32, #tpu.memory_space<hbm>>
    %dma_wait3A_36 = tpu.memref_squeeze %dma_wait3A_35 : memref<1x1x1x2x120xi32, #tpu.memory_space<hbm>> -> memref<2x120xi32, #tpu.memory_space<hbm>>
    tpu.wait_dma2 semaphore(%arg12 : memref<!tpu.dma_semaphore, #tpu.memory_space<semaphore_mem>>) src(%dma_wait3A_36 : memref<2x120xi32, #tpu.memory_space<hbm>>) dst(%arg6 : memref<2x120xi32, #tpu.memory_space<vmem>>)
    %dma_start3A_37 = arith.constant 0 : i32
    %dma_start3A_38 = arith.constant 0 : i32
    %dma_start3A_39 = tpu.memref_slice %arg6[%dma_start3A_37, %dma_start3A_38] : memref<2x120xi32, #tpu.memory_space<vmem>> -> memref<1x120xi32, #tpu.memory_space<vmem>>
    %dma_start3A_40 = tpu.memref_squeeze %dma_start3A_39 : memref<1x120xi32, #tpu.memory_space<vmem>> -> memref<120xi32, #tpu.memory_space<vmem>>
    %dma_start3A_41 = arith.constant 0 : i32
    %dma_start3A_42 = arith.constant 0 : i32
    %dma_start3A_43 = tpu.memref_slice %arg2[%dma_start3A_41, %dma_start3A_42] : memref<10000x128xf32, #tpu.memory_space<hbm>> -> memref<10000x128xf32, #tpu.memory_space<hbm>>
    tpu.enqueue_indirect_dma source(%dma_start3A_43 : memref<10000x128xf32, #tpu.memory_space<hbm>>) target(%arg9 : memref<120x128xf32, #tpu.memory_space<vmem>>) offsets(%dma_start3A_40 : memref<120xi32, #tpu.memory_space<vmem>>) semaphore(%arg15 : memref<!tpu.dma_semaphore, #tpu.memory_space<semaphore_mem>>)
    %dma_wait3A_44 = arith.constant 1 : i32
    %dma_wait3A_45 = arith.constant 0 : i32
    %dma_wait3A_46 = arith.constant 0 : i32
    %dma_wait3A_47 = tpu.memref_slice %arg3[%arg0, %arg1, %dma_wait3A_44, %dma_wait3A_45, %dma_wait3A_46] : memref<2x16x84x2x120xi32, #tpu.memory_space<hbm>> -> memref<1x1x1x2x120xi32, #tpu.memory_space<hbm>>
    %dma_wait3A_48 = tpu.memref_squeeze %dma_wait3A_47 : memref<1x1x1x2x120xi32, #tpu.memory_space<hbm>> -> memref<2x120xi32, #tpu.memory_space<hbm>>
    %dma_wait3A_49 = arith.constant 0 : i32
    %dma_wait3A_50 = arith.constant 0 : i32
    %dma_wait3A_51 = tpu.memref_slice %arg3[%arg0, %arg1, %dma_wait3A_44, %dma_wait3A_49, %dma_wait3A_50] : memref<2x16x84x2x120xi32, #tpu.memory_space<hbm>> -> memref<1x1x1x2x120xi32, #tpu.memory_space<hbm>>
    %dma_wait3A_52 = tpu.memref_squeeze %dma_wait3A_51 : memref<1x1x1x2x120xi32, #tpu.memory_space<hbm>> -> memref<2x120xi32, #tpu.memory_space<hbm>>
    tpu.wait_dma2 semaphore(%arg13 : memref<!tpu.dma_semaphore, #tpu.memory_space<semaphore_mem>>) src(%dma_wait3A_52 : memref<2x120xi32, #tpu.memory_space<hbm>>) dst(%arg7 : memref<2x120xi32, #tpu.memory_space<vmem>>)
    %dma_start3A_53 = arith.constant 0 : i32
    %dma_start3A_54 = arith.constant 0 : i32
    %dma_start3A_55 = tpu.memref_slice %arg7[%dma_start3A_53, %dma_start3A_54] : memref<2x120xi32, #tpu.memory_space<vmem>> -> memref<1x120xi32, #tpu.memory_space<vmem>>
    %dma_start3A_56 = tpu.memref_squeeze %dma_start3A_55 : memref<1x120xi32, #tpu.memory_space<vmem>> -> memref<120xi32, #tpu.memory_space<vmem>>
    %dma_start3A_57 = arith.constant 0 : i32
    %dma_start3A_58 = arith.constant 0 : i32
    %dma_start3A_59 = tpu.memref_slice %arg2[%dma_start3A_57, %dma_start3A_58] : memref<10000x128xf32, #tpu.memory_space<hbm>> -> memref<10000x128xf32, #tpu.memory_space<hbm>>
    tpu.enqueue_indirect_dma source(%dma_start3A_59 : memref<10000x128xf32, #tpu.memory_space<hbm>>) target(%arg10 : memref<120x128xf32, #tpu.memory_space<vmem>>) offsets(%dma_start3A_56 : memref<120xi32, #tpu.memory_space<vmem>>) semaphore(%arg16 : memref<!tpu.dma_semaphore, #tpu.memory_space<semaphore_mem>>)
    %barrier3A = arith.constant 0 : index
    tpu.barrier barrier_id(%barrier3A)
    %scan3A = arith.constant 0 : i32
    %scan3A_60 = arith.constant 0 : i32
    %scan3A_61 = arith.constant 28 : i32
    %scan3A_62 = arith.addi %scan3A_60, %scan3A_61 : i32
    %scan3A_63 = arith.constant 1 : i32
    scf.for %scan3A_70 = %scan3A_60 to %scan3A_62 step %scan3A_63  : i32 {
      %mul3A_71 = arith.constant 3 : i32
      %mul3A_72 = arith.muli %mul3A_71, %scan3A_70 : i32
      %add3A = arith.constant 0 : i32
      %add3A_73 = arith.addi %mul3A_72, %add3A : i32
      %add3A_74 = arith.constant 2 : i32
      %add3A_75 = arith.addi %add3A_73, %add3A_74 : i32
      %lt3A = arith.constant 84 : i32
      %lt3A_76 = arith.cmpi slt, %add3A_75, %lt3A : i32
      %convert_element_type3A = arith.extui %lt3A_76 : i1 to i32
      %cond3A = arith.constant 0 : i32
      %cond3A_77 = arith.cmpi ne, %convert_element_type3A, %cond3A : i32
      scf.if %cond3A_77 {
        %add3A_144 = arith.constant 2 : i32
        %add3A_145 = arith.addi %add3A_73, %add3A_144 : i32
        %dma_wait3A_146 = arith.constant 0 : i32
        %dma_wait3A_147 = arith.constant 0 : i32
        %dma_wait3A_148 = tpu.memref_slice %arg3[%arg0, %arg1, %add3A_145, %dma_wait3A_146, %dma_wait3A_147] : memref<2x16x84x2x120xi32, #tpu.memory_space<hbm>> -> memref<1x1x1x2x120xi32, #tpu.memory_space<hbm>>
        %dma_wait3A_149 = tpu.memref_squeeze %dma_wait3A_148 : memref<1x1x1x2x120xi32, #tpu.memory_space<hbm>> -> memref<2x120xi32, #tpu.memory_space<hbm>>
        %dma_wait3A_150 = arith.constant 0 : i32
        %dma_wait3A_151 = arith.constant 0 : i32
        %dma_wait3A_152 = tpu.memref_slice %arg3[%arg0, %arg1, %add3A_145, %dma_wait3A_150, %dma_wait3A_151] : memref<2x16x84x2x120xi32, #tpu.memory_space<hbm>> -> memref<1x1x1x2x120xi32, #tpu.memory_space<hbm>>
        %dma_wait3A_153 = tpu.memref_squeeze %dma_wait3A_152 : memref<1x1x1x2x120xi32, #tpu.memory_space<hbm>> -> memref<2x120xi32, #tpu.memory_space<hbm>>
        tpu.wait_dma2 semaphore(%arg14 : memref<!tpu.dma_semaphore, #tpu.memory_space<semaphore_mem>>) src(%dma_wait3A_153 : memref<2x120xi32, #tpu.memory_space<hbm>>) dst(%arg8 : memref<2x120xi32, #tpu.memory_space<vmem>>)
        %dma_start3A_154 = arith.constant 0 : i32
        %dma_start3A_155 = arith.constant 0 : i32
        %dma_start3A_156 = tpu.memref_slice %arg8[%dma_start3A_154, %dma_start3A_155] : memref<2x120xi32, #tpu.memory_space<vmem>> -> memref<1x120xi32, #tpu.memory_space<vmem>>
        %dma_start3A_157 = tpu.memref_squeeze %dma_start3A_156 : memref<1x120xi32, #tpu.memory_space<vmem>> -> memref<120xi32, #tpu.memory_space<vmem>>
        %dma_start3A_158 = arith.constant 0 : i32
        %dma_start3A_159 = arith.constant 0 : i32
        %dma_start3A_160 = tpu.memref_slice %arg2[%dma_start3A_158, %dma_start3A_159] : memref<10000x128xf32, #tpu.memory_space<hbm>> -> memref<10000x128xf32, #tpu.memory_space<hbm>>
        tpu.enqueue_indirect_dma source(%dma_start3A_160 : memref<10000x128xf32, #tpu.memory_space<hbm>>) target(%arg11 : memref<120x128xf32, #tpu.memory_space<vmem>>) offsets(%dma_start3A_157 : memref<120xi32, #tpu.memory_space<vmem>>) semaphore(%arg17 : memref<!tpu.dma_semaphore, #tpu.memory_space<semaphore_mem>>)
      } else {
      }
      %dma_wait3A_78 = arith.constant 0 : i32
      %dma_wait3A_79 = arith.constant 0 : i32
      %dma_wait3A_80 = tpu.memref_slice %arg6[%dma_wait3A_78, %dma_wait3A_79] : memref<2x120xi32, #tpu.memory_space<vmem>> -> memref<1x120xi32, #tpu.memory_space<vmem>>
      %dma_wait3A_81 = tpu.memref_squeeze %dma_wait3A_80 : memref<1x120xi32, #tpu.memory_space<vmem>> -> memref<120xi32, #tpu.memory_space<vmem>>
      %dma_wait3A_82 = arith.constant 0 : i32
      %dma_wait3A_83 = arith.constant 0 : i32
      %dma_wait3A_84 = tpu.memref_slice %arg2[%dma_wait3A_82, %dma_wait3A_83] : memref<10000x128xf32, #tpu.memory_space<hbm>> -> memref<10000x128xf32, #tpu.memory_space<hbm>>
      tpu.wait_indirect_dma semaphore(%arg15 : memref<!tpu.dma_semaphore, #tpu.memory_space<semaphore_mem>>) src(%dma_wait3A_84 : memref<10000x128xf32, #tpu.memory_space<hbm>>) dst(%arg9 : memref<120x128xf32, #tpu.memory_space<vmem>>)
      %run_scoped3A = arith.constant 1 : i32
      "tpu.region"() ({
        %run_scoped3A_144 = tpu.sem_alloc : memref<!tpu.dma_semaphore, #tpu.memory_space<semaphore_mem>>
        %dma_start3A_145 = arith.constant 0 : i32
        %dma_start3A_146 = tpu.memref_slice %arg6[%run_scoped3A, %dma_start3A_145] : memref<2x120xi32, #tpu.memory_space<vmem>> -> memref<1x120xi32, #tpu.memory_space<vmem>>
        %dma_start3A_147 = tpu.memref_squeeze %dma_start3A_146 : memref<1x120xi32, #tpu.memory_space<vmem>> -> memref<120xi32, #tpu.memory_space<vmem>>
        %dma_start3A_148 = arith.constant 0 : i32
        %dma_start3A_149 = arith.constant 0 : i32
        %dma_start3A_150 = tpu.memref_slice %arg18[%dma_start3A_148, %dma_start3A_149] : memref<10240x128xf32, #tpu.memory_space<vmem_shared>> -> memref<10240x128xf32, #tpu.memory_space<vmem_shared>>
        tpu.enqueue_indirect_dma source(%arg9 : memref<120x128xf32, #tpu.memory_space<vmem>>) target(%dma_start3A_150 : memref<10240x128xf32, #tpu.memory_space<vmem_shared>>) offsets(%dma_start3A_147 : memref<120xi32, #tpu.memory_space<vmem>>) semaphore(%run_scoped3A_144 : memref<!tpu.dma_semaphore, #tpu.memory_space<semaphore_mem>>) {add = true}
        %dma_wait3A_151 = arith.constant 0 : i32
        %dma_wait3A_152 = tpu.memref_slice %arg6[%run_scoped3A, %dma_wait3A_151] : memref<2x120xi32, #tpu.memory_space<vmem>> -> memref<1x120xi32, #tpu.memory_space<vmem>>
        %dma_wait3A_153 = tpu.memref_squeeze %dma_wait3A_152 : memref<1x120xi32, #tpu.memory_space<vmem>> -> memref<120xi32, #tpu.memory_space<vmem>>
        %dma_wait3A_154 = arith.constant 0 : i32
        %dma_wait3A_155 = arith.constant 0 : i32
        %dma_wait3A_156 = tpu.memref_slice %arg18[%dma_wait3A_154, %dma_wait3A_155] : memref<10240x128xf32, #tpu.memory_space<vmem_shared>> -> memref<10240x128xf32, #tpu.memory_space<vmem_shared>>
        tpu.wait_indirect_dma semaphore(%run_scoped3A_144 : memref<!tpu.dma_semaphore, #tpu.memory_space<semaphore_mem>>) src(%arg9 : memref<120x128xf32, #tpu.memory_space<vmem>>) dst(%dma_wait3A_156 : memref<10240x128xf32, #tpu.memory_space<vmem_shared>>)
        tpu.yield
      }) : () -> ()
      %add3A_85 = arith.constant 3 : i32
      %add3A_86 = arith.addi %add3A_73, %add3A_85 : i32
      %lt3A_87 = arith.constant 84 : i32
      %lt3A_88 = arith.cmpi slt, %add3A_86, %lt3A_87 : i32
      %convert_element_type3A_89 = arith.extui %lt3A_88 : i1 to i32
      %cond3A_90 = arith.constant 0 : i32
      %cond3A_91 = arith.cmpi ne, %convert_element_type3A_89, %cond3A_90 : i32
      scf.if %cond3A_91 {
        %add3A_144 = arith.constant 3 : i32
        %add3A_145 = arith.addi %add3A_73, %add3A_144 : i32
        %dma_start3A_146 = arith.constant 0 : i32
        %dma_start3A_147 = arith.constant 0 : i32
        %dma_start3A_148 = tpu.memref_slice %arg3[%arg0, %arg1, %add3A_145, %dma_start3A_146, %dma_start3A_147] : memref<2x16x84x2x120xi32, #tpu.memory_space<hbm>> -> memref<1x1x1x2x120xi32, #tpu.memory_space<hbm>>
        %dma_start3A_149 = tpu.memref_squeeze %dma_start3A_148 : memref<1x1x1x2x120xi32, #tpu.memory_space<hbm>> -> memref<2x120xi32, #tpu.memory_space<hbm>>
        %dma_start3A_150 = arith.constant 0 : i32
        %dma_start3A_151 = arith.constant 0 : i32
        %dma_start3A_152 = tpu.memref_slice %arg3[%arg0, %arg1, %add3A_145, %dma_start3A_150, %dma_start3A_151] : memref<2x16x84x2x120xi32, #tpu.memory_space<hbm>> -> memref<1x1x1x2x120xi32, #tpu.memory_space<hbm>>
        %dma_start3A_153 = tpu.memref_squeeze %dma_start3A_152 : memref<1x1x1x2x120xi32, #tpu.memory_space<hbm>> -> memref<2x120xi32, #tpu.memory_space<hbm>>
        tpu.enqueue_dma source(%dma_start3A_153 : memref<2x120xi32, #tpu.memory_space<hbm>>) target(%arg6 : memref<2x120xi32, #tpu.memory_space<vmem>>) target_semaphore(%arg12 : memref<!tpu.dma_semaphore, #tpu.memory_space<semaphore_mem>>)
      } else {
      }
      %mul3A_92 = arith.constant 3 : i32
      %mul3A_93 = arith.muli %mul3A_92, %scan3A_70 : i32
      %add3A_94 = arith.constant 1 : i32
      %add3A_95 = arith.addi %mul3A_93, %add3A_94 : i32
      %add3A_96 = arith.constant 2 : i32
      %add3A_97 = arith.addi %add3A_95, %add3A_96 : i32
      %lt3A_98 = arith.constant 84 : i32
      %lt3A_99 = arith.cmpi slt, %add3A_97, %lt3A_98 : i32
      %convert_element_type3A_100 = arith.extui %lt3A_99 : i1 to i32
      %cond3A_101 = arith.constant 0 : i32
      %cond3A_102 = arith.cmpi ne, %convert_element_type3A_100, %cond3A_101 : i32
      scf.if %cond3A_102 {
        %add3A_144 = arith.constant 2 : i32
        %add3A_145 = arith.addi %add3A_95, %add3A_144 : i32
        %dma_wait3A_146 = arith.constant 0 : i32
        %dma_wait3A_147 = arith.constant 0 : i32
        %dma_wait3A_148 = tpu.memref_slice %arg3[%arg0, %arg1, %add3A_145, %dma_wait3A_146, %dma_wait3A_147] : memref<2x16x84x2x120xi32, #tpu.memory_space<hbm>> -> memref<1x1x1x2x120xi32, #tpu.memory_space<hbm>>
        %dma_wait3A_149 = tpu.memref_squeeze %dma_wait3A_148 : memref<1x1x1x2x120xi32, #tpu.memory_space<hbm>> -> memref<2x120xi32, #tpu.memory_space<hbm>>
        %dma_wait3A_150 = arith.constant 0 : i32
        %dma_wait3A_151 = arith.constant 0 : i32
        %dma_wait3A_152 = tpu.memref_slice %arg3[%arg0, %arg1, %add3A_145, %dma_wait3A_150, %dma_wait3A_151] : memref<2x16x84x2x120xi32, #tpu.memory_space<hbm>> -> memref<1x1x1x2x120xi32, #tpu.memory_space<hbm>>
        %dma_wait3A_153 = tpu.memref_squeeze %dma_wait3A_152 : memref<1x1x1x2x120xi32, #tpu.memory_space<hbm>> -> memref<2x120xi32, #tpu.memory_space<hbm>>
        tpu.wait_dma2 semaphore(%arg12 : memref<!tpu.dma_semaphore, #tpu.memory_space<semaphore_mem>>) src(%dma_wait3A_153 : memref<2x120xi32, #tpu.memory_space<hbm>>) dst(%arg6 : memref<2x120xi32, #tpu.memory_space<vmem>>)
        %dma_start3A_154 = arith.constant 0 : i32
        %dma_start3A_155 = arith.constant 0 : i32
        %dma_start3A_156 = tpu.memref_slice %arg6[%dma_start3A_154, %dma_start3A_155] : memref<2x120xi32, #tpu.memory_space<vmem>> -> memref<1x120xi32, #tpu.memory_space<vmem>>
        %dma_start3A_157 = tpu.memref_squeeze %dma_start3A_156 : memref<1x120xi32, #tpu.memory_space<vmem>> -> memref<120xi32, #tpu.memory_space<vmem>>
        %dma_start3A_158 = arith.constant 0 : i32
        %dma_start3A_159 = arith.constant 0 : i32
        %dma_start3A_160 = tpu.memref_slice %arg2[%dma_start3A_158, %dma_start3A_159] : memref<10000x128xf32, #tpu.memory_space<hbm>> -> memref<10000x128xf32, #tpu.memory_space<hbm>>
        tpu.enqueue_indirect_dma source(%dma_start3A_160 : memref<10000x128xf32, #tpu.memory_space<hbm>>) target(%arg9 : memref<120x128xf32, #tpu.memory_space<vmem>>) offsets(%dma_start3A_157 : memref<120xi32, #tpu.memory_space<vmem>>) semaphore(%arg15 : memref<!tpu.dma_semaphore, #tpu.memory_space<semaphore_mem>>)
      } else {
      }
      %dma_wait3A_103 = arith.constant 0 : i32
      %dma_wait3A_104 = arith.constant 0 : i32
      %dma_wait3A_105 = tpu.memref_slice %arg7[%dma_wait3A_103, %dma_wait3A_104] : memref<2x120xi32, #tpu.memory_space<vmem>> -> memref<1x120xi32, #tpu.memory_space<vmem>>
      %dma_wait3A_106 = tpu.memref_squeeze %dma_wait3A_105 : memref<1x120xi32, #tpu.memory_space<vmem>> -> memref<120xi32, #tpu.memory_space<vmem>>
      %dma_wait3A_107 = arith.constant 0 : i32
      %dma_wait3A_108 = arith.constant 0 : i32
      %dma_wait3A_109 = tpu.memref_slice %arg2[%dma_wait3A_107, %dma_wait3A_108] : memref<10000x128xf32, #tpu.memory_space<hbm>> -> memref<10000x128xf32, #tpu.memory_space<hbm>>
      tpu.wait_indirect_dma semaphore(%arg16 : memref<!tpu.dma_semaphore, #tpu.memory_space<semaphore_mem>>) src(%dma_wait3A_109 : memref<10000x128xf32, #tpu.memory_space<hbm>>) dst(%arg10 : memref<120x128xf32, #tpu.memory_space<vmem>>)
      %run_scoped3A_110 = arith.constant 1 : i32
      "tpu.region"() ({
        %run_scoped3A_144 = tpu.sem_alloc : memref<!tpu.dma_semaphore, #tpu.memory_space<semaphore_mem>>
        %dma_start3A_145 = arith.constant 0 : i32
        %dma_start3A_146 = tpu.memref_slice %arg7[%run_scoped3A_110, %dma_start3A_145] : memref<2x120xi32, #tpu.memory_space<vmem>> -> memref<1x120xi32, #tpu.memory_space<vmem>>
        %dma_start3A_147 = tpu.memref_squeeze %dma_start3A_146 : memref<1x120xi32, #tpu.memory_space<vmem>> -> memref<120xi32, #tpu.memory_space<vmem>>
        %dma_start3A_148 = arith.constant 0 : i32
        %dma_start3A_149 = arith.constant 0 : i32
        %dma_start3A_150 = tpu.memref_slice %arg18[%dma_start3A_148, %dma_start3A_149] : memref<10240x128xf32, #tpu.memory_space<vmem_shared>> -> memref<10240x128xf32, #tpu.memory_space<vmem_shared>>
        tpu.enqueue_indirect_dma source(%arg10 : memref<120x128xf32, #tpu.memory_space<vmem>>) target(%dma_start3A_150 : memref<10240x128xf32, #tpu.memory_space<vmem_shared>>) offsets(%dma_start3A_147 : memref<120xi32, #tpu.memory_space<vmem>>) semaphore(%run_scoped3A_144 : memref<!tpu.dma_semaphore, #tpu.memory_space<semaphore_mem>>) {add = true}
        %dma_wait3A_151 = arith.constant 0 : i32
        %dma_wait3A_152 = tpu.memref_slice %arg7[%run_scoped3A_110, %dma_wait3A_151] : memref<2x120xi32, #tpu.memory_space<vmem>> -> memref<1x120xi32, #tpu.memory_space<vmem>>
        %dma_wait3A_153 = tpu.memref_squeeze %dma_wait3A_152 : memref<1x120xi32, #tpu.memory_space<vmem>> -> memref<120xi32, #tpu.memory_space<vmem>>
        %dma_wait3A_154 = arith.constant 0 : i32
        %dma_wait3A_155 = arith.constant 0 : i32
        %dma_wait3A_156 = tpu.memref_slice %arg18[%dma_wait3A_154, %dma_wait3A_155] : memref<10240x128xf32, #tpu.memory_space<vmem_shared>> -> memref<10240x128xf32, #tpu.memory_space<vmem_shared>>
        tpu.wait_indirect_dma semaphore(%run_scoped3A_144 : memref<!tpu.dma_semaphore, #tpu.memory_space<semaphore_mem>>) src(%arg10 : memref<120x128xf32, #tpu.memory_space<vmem>>) dst(%dma_wait3A_156 : memref<10240x128xf32, #tpu.memory_space<vmem_shared>>)
        tpu.yield
      }) : () -> ()
      %add3A_111 = arith.constant 3 : i32
      %add3A_112 = arith.addi %add3A_95, %add3A_111 : i32
      %lt3A_113 = arith.constant 84 : i32
      %lt3A_114 = arith.cmpi slt, %add3A_112, %lt3A_113 : i32
      %convert_element_type3A_115 = arith.extui %lt3A_114 : i1 to i32
      %cond3A_116 = arith.constant 0 : i32
      %cond3A_117 = arith.cmpi ne, %convert_element_type3A_115, %cond3A_116 : i32
      scf.if %cond3A_117 {
        %add3A_144 = arith.constant 3 : i32
        %add3A_145 = arith.addi %add3A_95, %add3A_144 : i32
        %dma_start3A_146 = arith.constant 0 : i32
        %dma_start3A_147 = arith.constant 0 : i32
        %dma_start3A_148 = tpu.memref_slice %arg3[%arg0, %arg1, %add3A_145, %dma_start3A_146, %dma_start3A_147] : memref<2x16x84x2x120xi32, #tpu.memory_space<hbm>> -> memref<1x1x1x2x120xi32, #tpu.memory_space<hbm>>
        %dma_start3A_149 = tpu.memref_squeeze %dma_start3A_148 : memref<1x1x1x2x120xi32, #tpu.memory_space<hbm>> -> memref<2x120xi32, #tpu.memory_space<hbm>>
        %dma_start3A_150 = arith.constant 0 : i32
        %dma_start3A_151 = arith.constant 0 : i32
        %dma_start3A_152 = tpu.memref_slice %arg3[%arg0, %arg1, %add3A_145, %dma_start3A_150, %dma_start3A_151] : memref<2x16x84x2x120xi32, #tpu.memory_space<hbm>> -> memref<1x1x1x2x120xi32, #tpu.memory_space<hbm>>
        %dma_start3A_153 = tpu.memref_squeeze %dma_start3A_152 : memref<1x1x1x2x120xi32, #tpu.memory_space<hbm>> -> memref<2x120xi32, #tpu.memory_space<hbm>>
        tpu.enqueue_dma source(%dma_start3A_153 : memref<2x120xi32, #tpu.memory_space<hbm>>) target(%arg7 : memref<2x120xi32, #tpu.memory_space<vmem>>) target_semaphore(%arg13 : memref<!tpu.dma_semaphore, #tpu.memory_space<semaphore_mem>>)
      } else {
      }
      %mul3A_118 = arith.constant 3 : i32
      %mul3A_119 = arith.muli %mul3A_118, %scan3A_70 : i32
      %add3A_120 = arith.constant 2 : i32
      %add3A_121 = arith.addi %mul3A_119, %add3A_120 : i32
      %add3A_122 = arith.constant 2 : i32
      %add3A_123 = arith.addi %add3A_121, %add3A_122 : i32
      %lt3A_124 = arith.constant 84 : i32
      %lt3A_125 = arith.cmpi slt, %add3A_123, %lt3A_124 : i32
      %convert_element_type3A_126 = arith.extui %lt3A_125 : i1 to i32
      %cond3A_127 = arith.constant 0 : i32
      %cond3A_128 = arith.cmpi ne, %convert_element_type3A_126, %cond3A_127 : i32
      scf.if %cond3A_128 {
        %add3A_144 = arith.constant 2 : i32
        %add3A_145 = arith.addi %add3A_121, %add3A_144 : i32
        %dma_wait3A_146 = arith.constant 0 : i32
        %dma_wait3A_147 = arith.constant 0 : i32
        %dma_wait3A_148 = tpu.memref_slice %arg3[%arg0, %arg1, %add3A_145, %dma_wait3A_146, %dma_wait3A_147] : memref<2x16x84x2x120xi32, #tpu.memory_space<hbm>> -> memref<1x1x1x2x120xi32, #tpu.memory_space<hbm>>
        %dma_wait3A_149 = tpu.memref_squeeze %dma_wait3A_148 : memref<1x1x1x2x120xi32, #tpu.memory_space<hbm>> -> memref<2x120xi32, #tpu.memory_space<hbm>>
        %dma_wait3A_150 = arith.constant 0 : i32
        %dma_wait3A_151 = arith.constant 0 : i32
        %dma_wait3A_152 = tpu.memref_slice %arg3[%arg0, %arg1, %add3A_145, %dma_wait3A_150, %dma_wait3A_151] : memref<2x16x84x2x120xi32, #tpu.memory_space<hbm>> -> memref<1x1x1x2x120xi32, #tpu.memory_space<hbm>>
        %dma_wait3A_153 = tpu.memref_squeeze %dma_wait3A_152 : memref<1x1x1x2x120xi32, #tpu.memory_space<hbm>> -> memref<2x120xi32, #tpu.memory_space<hbm>>
        tpu.wait_dma2 semaphore(%arg13 : memref<!tpu.dma_semaphore, #tpu.memory_space<semaphore_mem>>) src(%dma_wait3A_153 : memref<2x120xi32, #tpu.memory_space<hbm>>) dst(%arg7 : memref<2x120xi32, #tpu.memory_space<vmem>>)
        %dma_start3A_154 = arith.constant 0 : i32
        %dma_start3A_155 = arith.constant 0 : i32
        %dma_start3A_156 = tpu.memref_slice %arg7[%dma_start3A_154, %dma_start3A_155] : memref<2x120xi32, #tpu.memory_space<vmem>> -> memref<1x120xi32, #tpu.memory_space<vmem>>
        %dma_start3A_157 = tpu.memref_squeeze %dma_start3A_156 : memref<1x120xi32, #tpu.memory_space<vmem>> -> memref<120xi32, #tpu.memory_space<vmem>>
        %dma_start3A_158 = arith.constant 0 : i32
        %dma_start3A_159 = arith.constant 0 : i32
        %dma_start3A_160 = tpu.memref_slice %arg2[%dma_start3A_158, %dma_start3A_159] : memref<10000x128xf32, #tpu.memory_space<hbm>> -> memref<10000x128xf32, #tpu.memory_space<hbm>>
        tpu.enqueue_indirect_dma source(%dma_start3A_160 : memref<10000x128xf32, #tpu.memory_space<hbm>>) target(%arg10 : memref<120x128xf32, #tpu.memory_space<vmem>>) offsets(%dma_start3A_157 : memref<120xi32, #tpu.memory_space<vmem>>) semaphore(%arg16 : memref<!tpu.dma_semaphore, #tpu.memory_space<semaphore_mem>>)
      } else {
      }
      %dma_wait3A_129 = arith.constant 0 : i32
      %dma_wait3A_130 = arith.constant 0 : i32
      %dma_wait3A_131 = tpu.memref_slice %arg8[%dma_wait3A_129, %dma_wait3A_130] : memref<2x120xi32, #tpu.memory_space<vmem>> -> memref<1x120xi32, #tpu.memory_space<vmem>>
      %dma_wait3A_132 = tpu.memref_squeeze %dma_wait3A_131 : memref<1x120xi32, #tpu.memory_space<vmem>> -> memref<120xi32, #tpu.memory_space<vmem>>
      %dma_wait3A_133 = arith.constant 0 : i32
      %dma_wait3A_134 = arith.constant 0 : i32
      %dma_wait3A_135 = tpu.memref_slice %arg2[%dma_wait3A_133, %dma_wait3A_134] : memref<10000x128xf32, #tpu.memory_space<hbm>> -> memref<10000x128xf32, #tpu.memory_space<hbm>>
      tpu.wait_indirect_dma semaphore(%arg17 : memref<!tpu.dma_semaphore, #tpu.memory_space<semaphore_mem>>) src(%dma_wait3A_135 : memref<10000x128xf32, #tpu.memory_space<hbm>>) dst(%arg11 : memref<120x128xf32, #tpu.memory_space<vmem>>)
      %run_scoped3A_136 = arith.constant 1 : i32
      "tpu.region"() ({
        %run_scoped3A_144 = tpu.sem_alloc : memref<!tpu.dma_semaphore, #tpu.memory_space<semaphore_mem>>
        %dma_start3A_145 = arith.constant 0 : i32
        %dma_start3A_146 = tpu.memref_slice %arg8[%run_scoped3A_136, %dma_start3A_145] : memref<2x120xi32, #tpu.memory_space<vmem>> -> memref<1x120xi32, #tpu.memory_space<vmem>>
        %dma_start3A_147 = tpu.memref_squeeze %dma_start3A_146 : memref<1x120xi32, #tpu.memory_space<vmem>> -> memref<120xi32, #tpu.memory_space<vmem>>
        %dma_start3A_148 = arith.constant 0 : i32
        %dma_start3A_149 = arith.constant 0 : i32
        %dma_start3A_150 = tpu.memref_slice %arg18[%dma_start3A_148, %dma_start3A_149] : memref<10240x128xf32, #tpu.memory_space<vmem_shared>> -> memref<10240x128xf32, #tpu.memory_space<vmem_shared>>
        tpu.enqueue_indirect_dma source(%arg11 : memref<120x128xf32, #tpu.memory_space<vmem>>) target(%dma_start3A_150 : memref<10240x128xf32, #tpu.memory_space<vmem_shared>>) offsets(%dma_start3A_147 : memref<120xi32, #tpu.memory_space<vmem>>) semaphore(%run_scoped3A_144 : memref<!tpu.dma_semaphore, #tpu.memory_space<semaphore_mem>>) {add = true}
        %dma_wait3A_151 = arith.constant 0 : i32
        %dma_wait3A_152 = tpu.memref_slice %arg8[%run_scoped3A_136, %dma_wait3A_151] : memref<2x120xi32, #tpu.memory_space<vmem>> -> memref<1x120xi32, #tpu.memory_space<vmem>>
        %dma_wait3A_153 = tpu.memref_squeeze %dma_wait3A_152 : memref<1x120xi32, #tpu.memory_space<vmem>> -> memref<120xi32, #tpu.memory_space<vmem>>
        %dma_wait3A_154 = arith.constant 0 : i32
        %dma_wait3A_155 = arith.constant 0 : i32
        %dma_wait3A_156 = tpu.memref_slice %arg18[%dma_wait3A_154, %dma_wait3A_155] : memref<10240x128xf32, #tpu.memory_space<vmem_shared>> -> memref<10240x128xf32, #tpu.memory_space<vmem_shared>>
        tpu.wait_indirect_dma semaphore(%run_scoped3A_144 : memref<!tpu.dma_semaphore, #tpu.memory_space<semaphore_mem>>) src(%arg11 : memref<120x128xf32, #tpu.memory_space<vmem>>) dst(%dma_wait3A_156 : memref<10240x128xf32, #tpu.memory_space<vmem_shared>>)
        tpu.yield
      }) : () -> ()
      %add3A_137 = arith.constant 3 : i32
      %add3A_138 = arith.addi %add3A_121, %add3A_137 : i32
      %lt3A_139 = arith.constant 84 : i32
      %lt3A_140 = arith.cmpi slt, %add3A_138, %lt3A_139 : i32
      %convert_element_type3A_141 = arith.extui %lt3A_140 : i1 to i32
      %cond3A_142 = arith.constant 0 : i32
      %cond3A_143 = arith.cmpi ne, %convert_element_type3A_141, %cond3A_142 : i32
      scf.if %cond3A_143 {
        %add3A_144 = arith.constant 3 : i32
        %add3A_145 = arith.addi %add3A_121, %add3A_144 : i32
        %dma_start3A_146 = arith.constant 0 : i32
        %dma_start3A_147 = arith.constant 0 : i32
        %dma_start3A_148 = tpu.memref_slice %arg3[%arg0, %arg1, %add3A_145, %dma_start3A_146, %dma_start3A_147] : memref<2x16x84x2x120xi32, #tpu.memory_space<hbm>> -> memref<1x1x1x2x120xi32, #tpu.memory_space<hbm>>
        %dma_start3A_149 = tpu.memref_squeeze %dma_start3A_148 : memref<1x1x1x2x120xi32, #tpu.memory_space<hbm>> -> memref<2x120xi32, #tpu.memory_space<hbm>>
        %dma_start3A_150 = arith.constant 0 : i32
        %dma_start3A_151 = arith.constant 0 : i32
        %dma_start3A_152 = tpu.memref_slice %arg3[%arg0, %arg1, %add3A_145, %dma_start3A_150, %dma_start3A_151] : memref<2x16x84x2x120xi32, #tpu.memory_space<hbm>> -> memref<1x1x1x2x120xi32, #tpu.memory_space<hbm>>
        %dma_start3A_153 = tpu.memref_squeeze %dma_start3A_152 : memref<1x1x1x2x120xi32, #tpu.memory_space<hbm>> -> memref<2x120xi32, #tpu.memory_space<hbm>>
        tpu.enqueue_dma source(%dma_start3A_153 : memref<2x120xi32, #tpu.memory_space<hbm>>) target(%arg8 : memref<2x120xi32, #tpu.memory_space<vmem>>) target_semaphore(%arg14 : memref<!tpu.dma_semaphore, #tpu.memory_space<semaphore_mem>>)
      } else {
      }
    }
    %scan3A_64 = arith.constant 28 : i32
    %barrier3A_65 = arith.constant 0 : index
    tpu.barrier barrier_id(%barrier3A_65)
    %mul3A_66 = arith.constant 640 : i32
    %mul3A_67 = arith.muli %arg1, %mul3A_66 : i32
    %mul3A_68 = arith.constant 640 : i32
    %mul3A_69 = arith.muli %arg1, %mul3A_68 : i32
    "tpu.region"() ({
      %run_scoped3A = tpu.sem_alloc : memref<!tpu.dma_semaphore, #tpu.memory_space<semaphore_mem>>
      %dma_start3A_70 = arith.constant 0 : i32
      %dma_start3A_71 = tpu.memref_slice %arg5[%arg0, %mul3A_69, %dma_start3A_70] : memref<2x10240x128xf32, #tpu.memory_space<hbm>> -> memref<1x640x128xf32, #tpu.memory_space<hbm>>
      %dma_start3A_72 = tpu.memref_squeeze %dma_start3A_71 : memref<1x640x128xf32, #tpu.memory_space<hbm>> -> memref<640x128xf32, #tpu.memory_space<hbm>>
      %dma_start3A_73 = arith.constant 0 : i32
      %dma_start3A_74 = tpu.memref_slice %arg18[%mul3A_67, %dma_start3A_73] : memref<10240x128xf32, #tpu.memory_space<vmem_shared>> -> memref<640x128xf32, #tpu.memory_space<vmem_shared>>
      tpu.enqueue_dma source(%dma_start3A_74 : memref<640x128xf32, #tpu.memory_space<vmem_shared>>) target(%dma_start3A_72 : memref<640x128xf32, #tpu.memory_space<hbm>>) target_semaphore(%run_scoped3A : memref<!tpu.dma_semaphore, #tpu.memory_space<semaphore_mem>>)
      %dma_wait3A_75 = arith.constant 0 : i32
      %dma_wait3A_76 = tpu.memref_slice %arg5[%arg0, %mul3A_69, %dma_wait3A_75] : memref<2x10240x128xf32, #tpu.memory_space<hbm>> -> memref<1x640x128xf32, #tpu.memory_space<hbm>>
      %dma_wait3A_77 = tpu.memref_squeeze %dma_wait3A_76 : memref<1x640x128xf32, #tpu.memory_space<hbm>> -> memref<640x128xf32, #tpu.memory_space<hbm>>
      %dma_wait3A_78 = arith.constant 0 : i32
      %dma_wait3A_79 = tpu.memref_slice %arg18[%mul3A_67, %dma_wait3A_78] : memref<10240x128xf32, #tpu.memory_space<vmem_shared>> -> memref<640x128xf32, #tpu.memory_space<vmem_shared>>
      tpu.wait_dma2 semaphore(%run_scoped3A : memref<!tpu.dma_semaphore, #tpu.memory_space<semaphore_mem>>) src(%dma_wait3A_79 : memref<640x128xf32, #tpu.memory_space<vmem_shared>>) dst(%dma_wait3A_77 : memref<640x128xf32, #tpu.memory_space<hbm>>)
      tpu.yield
    }) : () -> ()
    return
  }
}

#map = affine_map<(d0, d1) -> (0, 0, 0, 0, 0)>
#map1 = affine_map<(d0, d1) -> (0, 0)>
#map2 = affine_map<(d0, d1) -> (0, 0, 0)>
module attributes {stable_mosaic.version = 14 : i64} {
  func.func @deg_kernel(%arg0: i32, %arg1: i32, %arg2: memref<2x16x84x2x120xi32, #tpu.memory_space<hbm>>, %arg3: memref<120x128xf32, #tpu.memory_space<hbm>>, %arg4: memref<10240x128xf32, #tpu.memory_space<hbm>>, %arg5: memref<2x10240x128xf32, #tpu.memory_space<hbm>>, %arg6: memref<2x120xi32, #tpu.memory_space<vmem>>, %arg7: memref<2x120xi32, #tpu.memory_space<vmem>>, %arg8: memref<120x128xf32, #tpu.memory_space<vmem>>, %arg9: memref<!tpu.dma_semaphore, #tpu.memory_space<semaphore_mem>>, %arg10: memref<!tpu.dma_semaphore, #tpu.memory_space<semaphore_mem>>, %arg11: memref<10240x128xf32, #tpu.memory_space<vmem_shared>>) attributes {dimension_semantics = [#tpu.dimension_semantics<core_parallel>, #tpu.dimension_semantics<subcore_parallel>], iteration_bounds = array<i64: 2, 16>, scalar_prefetch = 0 : i64, scratch_operands = 6 : i64, tpu.core_type = #tpu.core_type<sc_vector_subcore>, window_params = [{transform_indices = #map}, {transform_indices = #map1}, {transform_indices = #map1}, {transform_indices = #map2}]} {
    "tpu.region"() ({
      %run_scoped3A = tpu.sem_alloc : memref<!tpu.dma_semaphore, #tpu.memory_space<semaphore_mem>>
      tpu.enqueue_dma source(%arg3 : memref<120x128xf32, #tpu.memory_space<hbm>>) target(%arg8 : memref<120x128xf32, #tpu.memory_space<vmem>>) target_semaphore(%run_scoped3A : memref<!tpu.dma_semaphore, #tpu.memory_space<semaphore_mem>>)
      tpu.wait_dma2 semaphore(%run_scoped3A : memref<!tpu.dma_semaphore, #tpu.memory_space<semaphore_mem>>) src(%arg3 : memref<120x128xf32, #tpu.memory_space<hbm>>) dst(%arg8 : memref<120x128xf32, #tpu.memory_space<vmem>>)
      tpu.yield
    }) : () -> ()
    %mul3A = arith.constant 640 : i32
    %mul3A_0 = arith.muli %arg1, %mul3A : i32
    %mul3A_1 = arith.constant 640 : i32
    %mul3A_2 = arith.muli %arg1, %mul3A_1 : i32
    "tpu.region"() ({
      %run_scoped3A = tpu.sem_alloc : memref<!tpu.dma_semaphore, #tpu.memory_space<semaphore_mem>>
      %dma_start3A_30 = arith.constant 0 : i32
      %dma_start3A_31 = tpu.memref_slice %arg11[%mul3A_2, %dma_start3A_30] : memref<10240x128xf32, #tpu.memory_space<vmem_shared>> -> memref<640x128xf32, #tpu.memory_space<vmem_shared>>
      %dma_start3A_32 = arith.constant 0 : i32
      %dma_start3A_33 = tpu.memref_slice %arg4[%mul3A_0, %dma_start3A_32] : memref<10240x128xf32, #tpu.memory_space<hbm>> -> memref<640x128xf32, #tpu.memory_space<hbm>>
      tpu.enqueue_dma source(%dma_start3A_33 : memref<640x128xf32, #tpu.memory_space<hbm>>) target(%dma_start3A_31 : memref<640x128xf32, #tpu.memory_space<vmem_shared>>) target_semaphore(%run_scoped3A : memref<!tpu.dma_semaphore, #tpu.memory_space<semaphore_mem>>)
      %dma_wait3A = arith.constant 0 : i32
      %dma_wait3A_34 = tpu.memref_slice %arg11[%mul3A_2, %dma_wait3A] : memref<10240x128xf32, #tpu.memory_space<vmem_shared>> -> memref<640x128xf32, #tpu.memory_space<vmem_shared>>
      %dma_wait3A_35 = arith.constant 0 : i32
      %dma_wait3A_36 = tpu.memref_slice %arg4[%mul3A_0, %dma_wait3A_35] : memref<10240x128xf32, #tpu.memory_space<hbm>> -> memref<640x128xf32, #tpu.memory_space<hbm>>
      tpu.wait_dma2 semaphore(%run_scoped3A : memref<!tpu.dma_semaphore, #tpu.memory_space<semaphore_mem>>) src(%dma_wait3A_36 : memref<640x128xf32, #tpu.memory_space<hbm>>) dst(%dma_wait3A_34 : memref<640x128xf32, #tpu.memory_space<vmem_shared>>)
      tpu.yield
    }) : () -> ()
    %dma_start3A = arith.constant 0 : i32
    %dma_start3A_3 = arith.constant 0 : i32
    %dma_start3A_4 = arith.constant 0 : i32
    %dma_start3A_5 = tpu.memref_slice %arg2[%arg0, %arg1, %dma_start3A, %dma_start3A_3, %dma_start3A_4] : memref<2x16x84x2x120xi32, #tpu.memory_space<hbm>> -> memref<1x1x1x2x120xi32, #tpu.memory_space<hbm>>
    %dma_start3A_6 = tpu.memref_squeeze %dma_start3A_5 : memref<1x1x1x2x120xi32, #tpu.memory_space<hbm>> -> memref<2x120xi32, #tpu.memory_space<hbm>>
    %dma_start3A_7 = arith.constant 0 : i32
    %dma_start3A_8 = arith.constant 0 : i32
    %dma_start3A_9 = tpu.memref_slice %arg2[%arg0, %arg1, %dma_start3A, %dma_start3A_7, %dma_start3A_8] : memref<2x16x84x2x120xi32, #tpu.memory_space<hbm>> -> memref<1x1x1x2x120xi32, #tpu.memory_space<hbm>>
    %dma_start3A_10 = tpu.memref_squeeze %dma_start3A_9 : memref<1x1x1x2x120xi32, #tpu.memory_space<hbm>> -> memref<2x120xi32, #tpu.memory_space<hbm>>
    tpu.enqueue_dma source(%dma_start3A_10 : memref<2x120xi32, #tpu.memory_space<hbm>>) target(%arg6 : memref<2x120xi32, #tpu.memory_space<vmem>>) target_semaphore(%arg9 : memref<!tpu.dma_semaphore, #tpu.memory_space<semaphore_mem>>)
    %dma_start3A_11 = arith.constant 1 : i32
    %dma_start3A_12 = arith.constant 0 : i32
    %dma_start3A_13 = arith.constant 0 : i32
    %dma_start3A_14 = tpu.memref_slice %arg2[%arg0, %arg1, %dma_start3A_11, %dma_start3A_12, %dma_start3A_13] : memref<2x16x84x2x120xi32, #tpu.memory_space<hbm>> -> memref<1x1x1x2x120xi32, #tpu.memory_space<hbm>>
    %dma_start3A_15 = tpu.memref_squeeze %dma_start3A_14 : memref<1x1x1x2x120xi32, #tpu.memory_space<hbm>> -> memref<2x120xi32, #tpu.memory_space<hbm>>
    %dma_start3A_16 = arith.constant 0 : i32
    %dma_start3A_17 = arith.constant 0 : i32
    %dma_start3A_18 = tpu.memref_slice %arg2[%arg0, %arg1, %dma_start3A_11, %dma_start3A_16, %dma_start3A_17] : memref<2x16x84x2x120xi32, #tpu.memory_space<hbm>> -> memref<1x1x1x2x120xi32, #tpu.memory_space<hbm>>
    %dma_start3A_19 = tpu.memref_squeeze %dma_start3A_18 : memref<1x1x1x2x120xi32, #tpu.memory_space<hbm>> -> memref<2x120xi32, #tpu.memory_space<hbm>>
    tpu.enqueue_dma source(%dma_start3A_19 : memref<2x120xi32, #tpu.memory_space<hbm>>) target(%arg7 : memref<2x120xi32, #tpu.memory_space<vmem>>) target_semaphore(%arg10 : memref<!tpu.dma_semaphore, #tpu.memory_space<semaphore_mem>>)
    %barrier3A = arith.constant 0 : index
    tpu.barrier barrier_id(%barrier3A)
    %scan3A = arith.constant 0 : i32
    %scan3A_20 = arith.constant 0 : i32
    %scan3A_21 = arith.constant 42 : i32
    %scan3A_22 = arith.addi %scan3A_20, %scan3A_21 : i32
    %scan3A_23 = arith.constant 1 : i32
    scf.for %scan3A_30 = %scan3A_20 to %scan3A_22 step %scan3A_23  : i32 {
      %mul3A_31 = arith.constant 2 : i32
      %mul3A_32 = arith.muli %mul3A_31, %scan3A_30 : i32
      %dma_wait3A = arith.constant 0 : i32
      %dma_wait3A_33 = arith.constant 0 : i32
      %dma_wait3A_34 = tpu.memref_slice %arg2[%arg0, %arg1, %mul3A_32, %dma_wait3A, %dma_wait3A_33] : memref<2x16x84x2x120xi32, #tpu.memory_space<hbm>> -> memref<1x1x1x2x120xi32, #tpu.memory_space<hbm>>
      %dma_wait3A_35 = tpu.memref_squeeze %dma_wait3A_34 : memref<1x1x1x2x120xi32, #tpu.memory_space<hbm>> -> memref<2x120xi32, #tpu.memory_space<hbm>>
      %dma_wait3A_36 = arith.constant 0 : i32
      %dma_wait3A_37 = arith.constant 0 : i32
      %dma_wait3A_38 = tpu.memref_slice %arg2[%arg0, %arg1, %mul3A_32, %dma_wait3A_36, %dma_wait3A_37] : memref<2x16x84x2x120xi32, #tpu.memory_space<hbm>> -> memref<1x1x1x2x120xi32, #tpu.memory_space<hbm>>
      %dma_wait3A_39 = tpu.memref_squeeze %dma_wait3A_38 : memref<1x1x1x2x120xi32, #tpu.memory_space<hbm>> -> memref<2x120xi32, #tpu.memory_space<hbm>>
      tpu.wait_dma2 semaphore(%arg9 : memref<!tpu.dma_semaphore, #tpu.memory_space<semaphore_mem>>) src(%dma_wait3A_39 : memref<2x120xi32, #tpu.memory_space<hbm>>) dst(%arg6 : memref<2x120xi32, #tpu.memory_space<vmem>>)
      %run_scoped3A = arith.constant 1 : i32
      "tpu.region"() ({
        %run_scoped3A_63 = tpu.sem_alloc : memref<!tpu.dma_semaphore, #tpu.memory_space<semaphore_mem>>
        %dma_start3A_64 = arith.constant 0 : i32
        %dma_start3A_65 = tpu.memref_slice %arg6[%run_scoped3A, %dma_start3A_64] : memref<2x120xi32, #tpu.memory_space<vmem>> -> memref<1x120xi32, #tpu.memory_space<vmem>>
        %dma_start3A_66 = tpu.memref_squeeze %dma_start3A_65 : memref<1x120xi32, #tpu.memory_space<vmem>> -> memref<120xi32, #tpu.memory_space<vmem>>
        %dma_start3A_67 = arith.constant 0 : i32
        %dma_start3A_68 = arith.constant 0 : i32
        %dma_start3A_69 = tpu.memref_slice %arg11[%dma_start3A_67, %dma_start3A_68] : memref<10240x128xf32, #tpu.memory_space<vmem_shared>> -> memref<10240x128xf32, #tpu.memory_space<vmem_shared>>
        tpu.enqueue_indirect_dma source(%arg8 : memref<120x128xf32, #tpu.memory_space<vmem>>) target(%dma_start3A_69 : memref<10240x128xf32, #tpu.memory_space<vmem_shared>>) offsets(%dma_start3A_66 : memref<120xi32, #tpu.memory_space<vmem>>) semaphore(%run_scoped3A_63 : memref<!tpu.dma_semaphore, #tpu.memory_space<semaphore_mem>>) {add = true}
        %dma_wait3A_70 = arith.constant 0 : i32
        %dma_wait3A_71 = tpu.memref_slice %arg6[%run_scoped3A, %dma_wait3A_70] : memref<2x120xi32, #tpu.memory_space<vmem>> -> memref<1x120xi32, #tpu.memory_space<vmem>>
        %dma_wait3A_72 = tpu.memref_squeeze %dma_wait3A_71 : memref<1x120xi32, #tpu.memory_space<vmem>> -> memref<120xi32, #tpu.memory_space<vmem>>
        %dma_wait3A_73 = arith.constant 0 : i32
        %dma_wait3A_74 = arith.constant 0 : i32
        %dma_wait3A_75 = tpu.memref_slice %arg11[%dma_wait3A_73, %dma_wait3A_74] : memref<10240x128xf32, #tpu.memory_space<vmem_shared>> -> memref<10240x128xf32, #tpu.memory_space<vmem_shared>>
        tpu.wait_indirect_dma semaphore(%run_scoped3A_63 : memref<!tpu.dma_semaphore, #tpu.memory_space<semaphore_mem>>) src(%arg8 : memref<120x128xf32, #tpu.memory_space<vmem>>) dst(%dma_wait3A_75 : memref<10240x128xf32, #tpu.memory_space<vmem_shared>>)
        tpu.yield
      }) : () -> ()
      %add3A = arith.constant 2 : i32
      %add3A_40 = arith.addi %mul3A_32, %add3A : i32
      %lt3A = arith.constant 84 : i32
      %lt3A_41 = arith.cmpi slt, %add3A_40, %lt3A : i32
      %convert_element_type3A = arith.extui %lt3A_41 : i1 to i32
      %cond3A = arith.constant 0 : i32
      %cond3A_42 = arith.cmpi ne, %convert_element_type3A, %cond3A : i32
      scf.if %cond3A_42 {
        %add3A_63 = arith.constant 2 : i32
        %add3A_64 = arith.addi %mul3A_32, %add3A_63 : i32
        %dma_start3A_65 = arith.constant 0 : i32
        %dma_start3A_66 = arith.constant 0 : i32
        %dma_start3A_67 = tpu.memref_slice %arg2[%arg0, %arg1, %add3A_64, %dma_start3A_65, %dma_start3A_66] : memref<2x16x84x2x120xi32, #tpu.memory_space<hbm>> -> memref<1x1x1x2x120xi32, #tpu.memory_space<hbm>>
        %dma_start3A_68 = tpu.memref_squeeze %dma_start3A_67 : memref<1x1x1x2x120xi32, #tpu.memory_space<hbm>> -> memref<2x120xi32, #tpu.memory_space<hbm>>
        %dma_start3A_69 = arith.constant 0 : i32
        %dma_start3A_70 = arith.constant 0 : i32
        %dma_start3A_71 = tpu.memref_slice %arg2[%arg0, %arg1, %add3A_64, %dma_start3A_69, %dma_start3A_70] : memref<2x16x84x2x120xi32, #tpu.memory_space<hbm>> -> memref<1x1x1x2x120xi32, #tpu.memory_space<hbm>>
        %dma_start3A_72 = tpu.memref_squeeze %dma_start3A_71 : memref<1x1x1x2x120xi32, #tpu.memory_space<hbm>> -> memref<2x120xi32, #tpu.memory_space<hbm>>
        tpu.enqueue_dma source(%dma_start3A_72 : memref<2x120xi32, #tpu.memory_space<hbm>>) target(%arg6 : memref<2x120xi32, #tpu.memory_space<vmem>>) target_semaphore(%arg9 : memref<!tpu.dma_semaphore, #tpu.memory_space<semaphore_mem>>)
      } else {
      }
      %mul3A_43 = arith.constant 2 : i32
      %mul3A_44 = arith.muli %mul3A_43, %scan3A_30 : i32
      %add3A_45 = arith.constant 1 : i32
      %add3A_46 = arith.addi %mul3A_44, %add3A_45 : i32
      %dma_wait3A_47 = arith.constant 0 : i32
      %dma_wait3A_48 = arith.constant 0 : i32
      %dma_wait3A_49 = tpu.memref_slice %arg2[%arg0, %arg1, %add3A_46, %dma_wait3A_47, %dma_wait3A_48] : memref<2x16x84x2x120xi32, #tpu.memory_space<hbm>> -> memref<1x1x1x2x120xi32, #tpu.memory_space<hbm>>
      %dma_wait3A_50 = tpu.memref_squeeze %dma_wait3A_49 : memref<1x1x1x2x120xi32, #tpu.memory_space<hbm>> -> memref<2x120xi32, #tpu.memory_space<hbm>>
      %dma_wait3A_51 = arith.constant 0 : i32
      %dma_wait3A_52 = arith.constant 0 : i32
      %dma_wait3A_53 = tpu.memref_slice %arg2[%arg0, %arg1, %add3A_46, %dma_wait3A_51, %dma_wait3A_52] : memref<2x16x84x2x120xi32, #tpu.memory_space<hbm>> -> memref<1x1x1x2x120xi32, #tpu.memory_space<hbm>>
      %dma_wait3A_54 = tpu.memref_squeeze %dma_wait3A_53 : memref<1x1x1x2x120xi32, #tpu.memory_space<hbm>> -> memref<2x120xi32, #tpu.memory_space<hbm>>
      tpu.wait_dma2 semaphore(%arg10 : memref<!tpu.dma_semaphore, #tpu.memory_space<semaphore_mem>>) src(%dma_wait3A_54 : memref<2x120xi32, #tpu.memory_space<hbm>>) dst(%arg7 : memref<2x120xi32, #tpu.memory_space<vmem>>)
      %run_scoped3A_55 = arith.constant 1 : i32
      "tpu.region"() ({
        %run_scoped3A_63 = tpu.sem_alloc : memref<!tpu.dma_semaphore, #tpu.memory_space<semaphore_mem>>
        %dma_start3A_64 = arith.constant 0 : i32
        %dma_start3A_65 = tpu.memref_slice %arg7[%run_scoped3A_55, %dma_start3A_64] : memref<2x120xi32, #tpu.memory_space<vmem>> -> memref<1x120xi32, #tpu.memory_space<vmem>>
        %dma_start3A_66 = tpu.memref_squeeze %dma_start3A_65 : memref<1x120xi32, #tpu.memory_space<vmem>> -> memref<120xi32, #tpu.memory_space<vmem>>
        %dma_start3A_67 = arith.constant 0 : i32
        %dma_start3A_68 = arith.constant 0 : i32
        %dma_start3A_69 = tpu.memref_slice %arg11[%dma_start3A_67, %dma_start3A_68] : memref<10240x128xf32, #tpu.memory_space<vmem_shared>> -> memref<10240x128xf32, #tpu.memory_space<vmem_shared>>
        tpu.enqueue_indirect_dma source(%arg8 : memref<120x128xf32, #tpu.memory_space<vmem>>) target(%dma_start3A_69 : memref<10240x128xf32, #tpu.memory_space<vmem_shared>>) offsets(%dma_start3A_66 : memref<120xi32, #tpu.memory_space<vmem>>) semaphore(%run_scoped3A_63 : memref<!tpu.dma_semaphore, #tpu.memory_space<semaphore_mem>>) {add = true}
        %dma_wait3A_70 = arith.constant 0 : i32
        %dma_wait3A_71 = tpu.memref_slice %arg7[%run_scoped3A_55, %dma_wait3A_70] : memref<2x120xi32, #tpu.memory_space<vmem>> -> memref<1x120xi32, #tpu.memory_space<vmem>>
        %dma_wait3A_72 = tpu.memref_squeeze %dma_wait3A_71 : memref<1x120xi32, #tpu.memory_space<vmem>> -> memref<120xi32, #tpu.memory_space<vmem>>
        %dma_wait3A_73 = arith.constant 0 : i32
        %dma_wait3A_74 = arith.constant 0 : i32
        %dma_wait3A_75 = tpu.memref_slice %arg11[%dma_wait3A_73, %dma_wait3A_74] : memref<10240x128xf32, #tpu.memory_space<vmem_shared>> -> memref<10240x128xf32, #tpu.memory_space<vmem_shared>>
        tpu.wait_indirect_dma semaphore(%run_scoped3A_63 : memref<!tpu.dma_semaphore, #tpu.memory_space<semaphore_mem>>) src(%arg8 : memref<120x128xf32, #tpu.memory_space<vmem>>) dst(%dma_wait3A_75 : memref<10240x128xf32, #tpu.memory_space<vmem_shared>>)
        tpu.yield
      }) : () -> ()
      %add3A_56 = arith.constant 2 : i32
      %add3A_57 = arith.addi %add3A_46, %add3A_56 : i32
      %lt3A_58 = arith.constant 84 : i32
      %lt3A_59 = arith.cmpi slt, %add3A_57, %lt3A_58 : i32
      %convert_element_type3A_60 = arith.extui %lt3A_59 : i1 to i32
      %cond3A_61 = arith.constant 0 : i32
      %cond3A_62 = arith.cmpi ne, %convert_element_type3A_60, %cond3A_61 : i32
      scf.if %cond3A_62 {
        %add3A_63 = arith.constant 2 : i32
        %add3A_64 = arith.addi %add3A_46, %add3A_63 : i32
        %dma_start3A_65 = arith.constant 0 : i32
        %dma_start3A_66 = arith.constant 0 : i32
        %dma_start3A_67 = tpu.memref_slice %arg2[%arg0, %arg1, %add3A_64, %dma_start3A_65, %dma_start3A_66] : memref<2x16x84x2x120xi32, #tpu.memory_space<hbm>> -> memref<1x1x1x2x120xi32, #tpu.memory_space<hbm>>
        %dma_start3A_68 = tpu.memref_squeeze %dma_start3A_67 : memref<1x1x1x2x120xi32, #tpu.memory_space<hbm>> -> memref<2x120xi32, #tpu.memory_space<hbm>>
        %dma_start3A_69 = arith.constant 0 : i32
        %dma_start3A_70 = arith.constant 0 : i32
        %dma_start3A_71 = tpu.memref_slice %arg2[%arg0, %arg1, %add3A_64, %dma_start3A_69, %dma_start3A_70] : memref<2x16x84x2x120xi32, #tpu.memory_space<hbm>> -> memref<1x1x1x2x120xi32, #tpu.memory_space<hbm>>
        %dma_start3A_72 = tpu.memref_squeeze %dma_start3A_71 : memref<1x1x1x2x120xi32, #tpu.memory_space<hbm>> -> memref<2x120xi32, #tpu.memory_space<hbm>>
        tpu.enqueue_dma source(%dma_start3A_72 : memref<2x120xi32, #tpu.memory_space<hbm>>) target(%arg7 : memref<2x120xi32, #tpu.memory_space<vmem>>) target_semaphore(%arg10 : memref<!tpu.dma_semaphore, #tpu.memory_space<semaphore_mem>>)
      } else {
      }
    }
    %scan3A_24 = arith.constant 42 : i32
    %barrier3A_25 = arith.constant 0 : index
    tpu.barrier barrier_id(%barrier3A_25)
    %mul3A_26 = arith.constant 640 : i32
    %mul3A_27 = arith.muli %arg1, %mul3A_26 : i32
    %mul3A_28 = arith.constant 640 : i32
    %mul3A_29 = arith.muli %arg1, %mul3A_28 : i32
    "tpu.region"() ({
      %run_scoped3A = tpu.sem_alloc : memref<!tpu.dma_semaphore, #tpu.memory_space<semaphore_mem>>
      %dma_start3A_30 = arith.constant 0 : i32
      %dma_start3A_31 = tpu.memref_slice %arg5[%arg0, %mul3A_29, %dma_start3A_30] : memref<2x10240x128xf32, #tpu.memory_space<hbm>> -> memref<1x640x128xf32, #tpu.memory_space<hbm>>
      %dma_start3A_32 = tpu.memref_squeeze %dma_start3A_31 : memref<1x640x128xf32, #tpu.memory_space<hbm>> -> memref<640x128xf32, #tpu.memory_space<hbm>>
      %dma_start3A_33 = arith.constant 0 : i32
      %dma_start3A_34 = tpu.memref_slice %arg11[%mul3A_27, %dma_start3A_33] : memref<10240x128xf32, #tpu.memory_space<vmem_shared>> -> memref<640x128xf32, #tpu.memory_space<vmem_shared>>
      tpu.enqueue_dma source(%dma_start3A_34 : memref<640x128xf32, #tpu.memory_space<vmem_shared>>) target(%dma_start3A_32 : memref<640x128xf32, #tpu.memory_space<hbm>>) target_semaphore(%run_scoped3A : memref<!tpu.dma_semaphore, #tpu.memory_space<semaphore_mem>>)
      %dma_wait3A = arith.constant 0 : i32
      %dma_wait3A_35 = tpu.memref_slice %arg5[%arg0, %mul3A_29, %dma_wait3A] : memref<2x10240x128xf32, #tpu.memory_space<hbm>> -> memref<1x640x128xf32, #tpu.memory_space<hbm>>
      %dma_wait3A_36 = tpu.memref_squeeze %dma_wait3A_35 : memref<1x640x128xf32, #tpu.memory_space<hbm>> -> memref<640x128xf32, #tpu.memory_space<hbm>>
      %dma_wait3A_37 = arith.constant 0 : i32
      %dma_wait3A_38 = tpu.memref_slice %arg11[%mul3A_27, %dma_wait3A_37] : memref<10240x128xf32, #tpu.memory_space<vmem_shared>> -> memref<640x128xf32, #tpu.memory_space<vmem_shared>>
      tpu.wait_dma2 semaphore(%run_scoped3A : memref<!tpu.dma_semaphore, #tpu.memory_space<semaphore_mem>>) src(%dma_wait3A_38 : memref<640x128xf32, #tpu.memory_space<vmem_shared>>) dst(%dma_wait3A_36 : memref<640x128xf32, #tpu.memory_space<hbm>>)
      tpu.yield
    }) : () -> ()
    return
  }
}

#map = affine_map<(d0, d1) -> (0, 0)>
#map1 = affine_map<(d0, d1) -> (0, 0, 0, 0, 0)>
#map2 = affine_map<(d0, d1) -> (0, 0, 0)>
module attributes {stable_mosaic.version = 14 : i64} {
  func.func @edge_kernel(%arg0: i32, %arg1: i32, %arg2: memref<10000x128xf32, #tpu.memory_space<hbm>>, %arg3: memref<2x16x84x2x120xi32, #tpu.memory_space<hbm>>, %arg4: memref<10240x128xf32, #tpu.memory_space<hbm>>, %arg5: memref<2x10240x128xf32, #tpu.memory_space<hbm>>, %arg6: memref<2x120xi32, #tpu.memory_space<vmem>>, %arg7: memref<2x120xi32, #tpu.memory_space<vmem>>, %arg8: memref<2x120xi32, #tpu.memory_space<vmem>>, %arg9: memref<120x128xf32, #tpu.memory_space<vmem>>, %arg10: memref<120x128xf32, #tpu.memory_space<vmem>>, %arg11: memref<120x128xf32, #tpu.memory_space<vmem>>, %arg12: memref<!tpu.dma_semaphore, #tpu.memory_space<semaphore_mem>>, %arg13: memref<!tpu.dma_semaphore, #tpu.memory_space<semaphore_mem>>, %arg14: memref<!tpu.dma_semaphore, #tpu.memory_space<semaphore_mem>>, %arg15: memref<!tpu.dma_semaphore, #tpu.memory_space<semaphore_mem>>, %arg16: memref<!tpu.dma_semaphore, #tpu.memory_space<semaphore_mem>>, %arg17: memref<!tpu.dma_semaphore, #tpu.memory_space<semaphore_mem>>, %arg18: memref<10240x128xf32, #tpu.memory_space<vmem_shared>>) attributes {dimension_semantics = [#tpu.dimension_semantics<core_parallel>, #tpu.dimension_semantics<subcore_parallel>], iteration_bounds = array<i64: 2, 16>, scalar_prefetch = 0 : i64, scratch_operands = 13 : i64, tpu.core_type = #tpu.core_type<sc_vector_subcore>, window_params = [{transform_indices = #map}, {transform_indices = #map1}, {transform_indices = #map}, {transform_indices = #map2}]} {
    %mul3A = arith.constant 640 : i32
    %mul3A_0 = arith.muli %arg1, %mul3A : i32
    %mul3A_1 = arith.constant 640 : i32
    %mul3A_2 = arith.muli %arg1, %mul3A_1 : i32
    "tpu.region"() ({
      %run_scoped3A = tpu.sem_alloc : memref<!tpu.dma_semaphore, #tpu.memory_space<semaphore_mem>>
      %dma_start3A_70 = arith.constant 0 : i32
      %dma_start3A_71 = tpu.memref_slice %arg18[%mul3A_2, %dma_start3A_70] : memref<10240x128xf32, #tpu.memory_space<vmem_shared>> -> memref<640x128xf32, #tpu.memory_space<vmem_shared>>
      %dma_start3A_72 = arith.constant 0 : i32
      %dma_start3A_73 = tpu.memref_slice %arg4[%mul3A_0, %dma_start3A_72] : memref<10240x128xf32, #tpu.memory_space<hbm>> -> memref<640x128xf32, #tpu.memory_space<hbm>>
      tpu.enqueue_dma source(%dma_start3A_73 : memref<640x128xf32, #tpu.memory_space<hbm>>) target(%dma_start3A_71 : memref<640x128xf32, #tpu.memory_space<vmem_shared>>) target_semaphore(%run_scoped3A : memref<!tpu.dma_semaphore, #tpu.memory_space<semaphore_mem>>)
      %dma_wait3A_74 = arith.constant 0 : i32
      %dma_wait3A_75 = tpu.memref_slice %arg18[%mul3A_2, %dma_wait3A_74] : memref<10240x128xf32, #tpu.memory_space<vmem_shared>> -> memref<640x128xf32, #tpu.memory_space<vmem_shared>>
      %dma_wait3A_76 = arith.constant 0 : i32
      %dma_wait3A_77 = tpu.memref_slice %arg4[%mul3A_0, %dma_wait3A_76] : memref<10240x128xf32, #tpu.memory_space<hbm>> -> memref<640x128xf32, #tpu.memory_space<hbm>>
      tpu.wait_dma2 semaphore(%run_scoped3A : memref<!tpu.dma_semaphore, #tpu.memory_space<semaphore_mem>>) src(%dma_wait3A_77 : memref<640x128xf32, #tpu.memory_space<hbm>>) dst(%dma_wait3A_75 : memref<640x128xf32, #tpu.memory_space<vmem_shared>>)
      tpu.yield
    }) : () -> ()
    %dma_start3A = arith.constant 0 : i32
    %dma_start3A_3 = arith.constant 0 : i32
    %dma_start3A_4 = arith.constant 0 : i32
    %dma_start3A_5 = tpu.memref_slice %arg3[%arg0, %arg1, %dma_start3A, %dma_start3A_3, %dma_start3A_4] : memref<2x16x84x2x120xi32, #tpu.memory_space<hbm>> -> memref<1x1x1x2x120xi32, #tpu.memory_space<hbm>>
    %dma_start3A_6 = tpu.memref_squeeze %dma_start3A_5 : memref<1x1x1x2x120xi32, #tpu.memory_space<hbm>> -> memref<2x120xi32, #tpu.memory_space<hbm>>
    %dma_start3A_7 = arith.constant 0 : i32
    %dma_start3A_8 = arith.constant 0 : i32
    %dma_start3A_9 = tpu.memref_slice %arg3[%arg0, %arg1, %dma_start3A, %dma_start3A_7, %dma_start3A_8] : memref<2x16x84x2x120xi32, #tpu.memory_space<hbm>> -> memref<1x1x1x2x120xi32, #tpu.memory_space<hbm>>
    %dma_start3A_10 = tpu.memref_squeeze %dma_start3A_9 : memref<1x1x1x2x120xi32, #tpu.memory_space<hbm>> -> memref<2x120xi32, #tpu.memory_space<hbm>>
    tpu.enqueue_dma source(%dma_start3A_10 : memref<2x120xi32, #tpu.memory_space<hbm>>) target(%arg6 : memref<2x120xi32, #tpu.memory_space<vmem>>) target_semaphore(%arg12 : memref<!tpu.dma_semaphore, #tpu.memory_space<semaphore_mem>>)
    %dma_start3A_11 = arith.constant 1 : i32
    %dma_start3A_12 = arith.constant 0 : i32
    %dma_start3A_13 = arith.constant 0 : i32
    %dma_start3A_14 = tpu.memref_slice %arg3[%arg0, %arg1, %dma_start3A_11, %dma_start3A_12, %dma_start3A_13] : memref<2x16x84x2x120xi32, #tpu.memory_space<hbm>> -> memref<1x1x1x2x120xi32, #tpu.memory_space<hbm>>
    %dma_start3A_15 = tpu.memref_squeeze %dma_start3A_14 : memref<1x1x1x2x120xi32, #tpu.memory_space<hbm>> -> memref<2x120xi32, #tpu.memory_space<hbm>>
    %dma_start3A_16 = arith.constant 0 : i32
    %dma_start3A_17 = arith.constant 0 : i32
    %dma_start3A_18 = tpu.memref_slice %arg3[%arg0, %arg1, %dma_start3A_11, %dma_start3A_16, %dma_start3A_17] : memref<2x16x84x2x120xi32, #tpu.memory_space<hbm>> -> memref<1x1x1x2x120xi32, #tpu.memory_space<hbm>>
    %dma_start3A_19 = tpu.memref_squeeze %dma_start3A_18 : memref<1x1x1x2x120xi32, #tpu.memory_space<hbm>> -> memref<2x120xi32, #tpu.memory_space<hbm>>
    tpu.enqueue_dma source(%dma_start3A_19 : memref<2x120xi32, #tpu.memory_space<hbm>>) target(%arg7 : memref<2x120xi32, #tpu.memory_space<vmem>>) target_semaphore(%arg13 : memref<!tpu.dma_semaphore, #tpu.memory_space<semaphore_mem>>)
    %dma_start3A_20 = arith.constant 2 : i32
    %dma_start3A_21 = arith.constant 0 : i32
    %dma_start3A_22 = arith.constant 0 : i32
    %dma_start3A_23 = tpu.memref_slice %arg3[%arg0, %arg1, %dma_start3A_20, %dma_start3A_21, %dma_start3A_22] : memref<2x16x84x2x120xi32, #tpu.memory_space<hbm>> -> memref<1x1x1x2x120xi32, #tpu.memory_space<hbm>>
    %dma_start3A_24 = tpu.memref_squeeze %dma_start3A_23 : memref<1x1x1x2x120xi32, #tpu.memory_space<hbm>> -> memref<2x120xi32, #tpu.memory_space<hbm>>
    %dma_start3A_25 = arith.constant 0 : i32
    %dma_start3A_26 = arith.constant 0 : i32
    %dma_start3A_27 = tpu.memref_slice %arg3[%arg0, %arg1, %dma_start3A_20, %dma_start3A_25, %dma_start3A_26] : memref<2x16x84x2x120xi32, #tpu.memory_space<hbm>> -> memref<1x1x1x2x120xi32, #tpu.memory_space<hbm>>
    %dma_start3A_28 = tpu.memref_squeeze %dma_start3A_27 : memref<1x1x1x2x120xi32, #tpu.memory_space<hbm>> -> memref<2x120xi32, #tpu.memory_space<hbm>>
    tpu.enqueue_dma source(%dma_start3A_28 : memref<2x120xi32, #tpu.memory_space<hbm>>) target(%arg8 : memref<2x120xi32, #tpu.memory_space<vmem>>) target_semaphore(%arg14 : memref<!tpu.dma_semaphore, #tpu.memory_space<semaphore_mem>>)
    %dma_wait3A = arith.constant 0 : i32
    %dma_wait3A_29 = arith.constant 0 : i32
    %dma_wait3A_30 = arith.constant 0 : i32
    %dma_wait3A_31 = tpu.memref_slice %arg3[%arg0, %arg1, %dma_wait3A, %dma_wait3A_29, %dma_wait3A_30] : memref<2x16x84x2x120xi32, #tpu.memory_space<hbm>> -> memref<1x1x1x2x120xi32, #tpu.memory_space<hbm>>
    %dma_wait3A_32 = tpu.memref_squeeze %dma_wait3A_31 : memref<1x1x1x2x120xi32, #tpu.memory_space<hbm>> -> memref<2x120xi32, #tpu.memory_space<hbm>>
    %dma_wait3A_33 = arith.constant 0 : i32
    %dma_wait3A_34 = arith.constant 0 : i32
    %dma_wait3A_35 = tpu.memref_slice %arg3[%arg0, %arg1, %dma_wait3A, %dma_wait3A_33, %dma_wait3A_34] : memref<2x16x84x2x120xi32, #tpu.memory_space<hbm>> -> memref<1x1x1x2x120xi32, #tpu.memory_space<hbm>>
    %dma_wait3A_36 = tpu.memref_squeeze %dma_wait3A_35 : memref<1x1x1x2x120xi32, #tpu.memory_space<hbm>> -> memref<2x120xi32, #tpu.memory_space<hbm>>
    tpu.wait_dma2 semaphore(%arg12 : memref<!tpu.dma_semaphore, #tpu.memory_space<semaphore_mem>>) src(%dma_wait3A_36 : memref<2x120xi32, #tpu.memory_space<hbm>>) dst(%arg6 : memref<2x120xi32, #tpu.memory_space<vmem>>)
    %dma_start3A_37 = arith.constant 0 : i32
    %dma_start3A_38 = arith.constant 0 : i32
    %dma_start3A_39 = tpu.memref_slice %arg6[%dma_start3A_37, %dma_start3A_38] : memref<2x120xi32, #tpu.memory_space<vmem>> -> memref<1x120xi32, #tpu.memory_space<vmem>>
    %dma_start3A_40 = tpu.memref_squeeze %dma_start3A_39 : memref<1x120xi32, #tpu.memory_space<vmem>> -> memref<120xi32, #tpu.memory_space<vmem>>
    %dma_start3A_41 = arith.constant 0 : i32
    %dma_start3A_42 = arith.constant 0 : i32
    %dma_start3A_43 = tpu.memref_slice %arg2[%dma_start3A_41, %dma_start3A_42] : memref<10000x128xf32, #tpu.memory_space<hbm>> -> memref<10000x128xf32, #tpu.memory_space<hbm>>
    tpu.enqueue_indirect_dma source(%dma_start3A_43 : memref<10000x128xf32, #tpu.memory_space<hbm>>) target(%arg9 : memref<120x128xf32, #tpu.memory_space<vmem>>) offsets(%dma_start3A_40 : memref<120xi32, #tpu.memory_space<vmem>>) semaphore(%arg15 : memref<!tpu.dma_semaphore, #tpu.memory_space<semaphore_mem>>)
    %dma_wait3A_44 = arith.constant 1 : i32
    %dma_wait3A_45 = arith.constant 0 : i32
    %dma_wait3A_46 = arith.constant 0 : i32
    %dma_wait3A_47 = tpu.memref_slice %arg3[%arg0, %arg1, %dma_wait3A_44, %dma_wait3A_45, %dma_wait3A_46] : memref<2x16x84x2x120xi32, #tpu.memory_space<hbm>> -> memref<1x1x1x2x120xi32, #tpu.memory_space<hbm>>
    %dma_wait3A_48 = tpu.memref_squeeze %dma_wait3A_47 : memref<1x1x1x2x120xi32, #tpu.memory_space<hbm>> -> memref<2x120xi32, #tpu.memory_space<hbm>>
    %dma_wait3A_49 = arith.constant 0 : i32
    %dma_wait3A_50 = arith.constant 0 : i32
    %dma_wait3A_51 = tpu.memref_slice %arg3[%arg0, %arg1, %dma_wait3A_44, %dma_wait3A_49, %dma_wait3A_50] : memref<2x16x84x2x120xi32, #tpu.memory_space<hbm>> -> memref<1x1x1x2x120xi32, #tpu.memory_space<hbm>>
    %dma_wait3A_52 = tpu.memref_squeeze %dma_wait3A_51 : memref<1x1x1x2x120xi32, #tpu.memory_space<hbm>> -> memref<2x120xi32, #tpu.memory_space<hbm>>
    tpu.wait_dma2 semaphore(%arg13 : memref<!tpu.dma_semaphore, #tpu.memory_space<semaphore_mem>>) src(%dma_wait3A_52 : memref<2x120xi32, #tpu.memory_space<hbm>>) dst(%arg7 : memref<2x120xi32, #tpu.memory_space<vmem>>)
    %dma_start3A_53 = arith.constant 0 : i32
    %dma_start3A_54 = arith.constant 0 : i32
    %dma_start3A_55 = tpu.memref_slice %arg7[%dma_start3A_53, %dma_start3A_54] : memref<2x120xi32, #tpu.memory_space<vmem>> -> memref<1x120xi32, #tpu.memory_space<vmem>>
    %dma_start3A_56 = tpu.memref_squeeze %dma_start3A_55 : memref<1x120xi32, #tpu.memory_space<vmem>> -> memref<120xi32, #tpu.memory_space<vmem>>
    %dma_start3A_57 = arith.constant 0 : i32
    %dma_start3A_58 = arith.constant 0 : i32
    %dma_start3A_59 = tpu.memref_slice %arg2[%dma_start3A_57, %dma_start3A_58] : memref<10000x128xf32, #tpu.memory_space<hbm>> -> memref<10000x128xf32, #tpu.memory_space<hbm>>
    tpu.enqueue_indirect_dma source(%dma_start3A_59 : memref<10000x128xf32, #tpu.memory_space<hbm>>) target(%arg10 : memref<120x128xf32, #tpu.memory_space<vmem>>) offsets(%dma_start3A_56 : memref<120xi32, #tpu.memory_space<vmem>>) semaphore(%arg16 : memref<!tpu.dma_semaphore, #tpu.memory_space<semaphore_mem>>)
    %barrier3A = arith.constant 0 : index
    tpu.barrier barrier_id(%barrier3A)
    %scan3A = arith.constant 0 : i32
    %scan3A_60 = arith.constant 0 : i32
    %scan3A_61 = arith.constant 28 : i32
    %scan3A_62 = arith.addi %scan3A_60, %scan3A_61 : i32
    %scan3A_63 = arith.constant 1 : i32
    scf.for %scan3A_70 = %scan3A_60 to %scan3A_62 step %scan3A_63  : i32 {
      %mul3A_71 = arith.constant 3 : i32
      %mul3A_72 = arith.muli %mul3A_71, %scan3A_70 : i32
      %add3A = arith.constant 0 : i32
      %add3A_73 = arith.addi %mul3A_72, %add3A : i32
      %add3A_74 = arith.constant 2 : i32
      %add3A_75 = arith.addi %add3A_73, %add3A_74 : i32
      %lt3A = arith.constant 84 : i32
      %lt3A_76 = arith.cmpi slt, %add3A_75, %lt3A : i32
      %convert_element_type3A = arith.extui %lt3A_76 : i1 to i32
      %cond3A = arith.constant 0 : i32
      %cond3A_77 = arith.cmpi ne, %convert_element_type3A, %cond3A : i32
      scf.if %cond3A_77 {
        %add3A_144 = arith.constant 2 : i32
        %add3A_145 = arith.addi %add3A_73, %add3A_144 : i32
        %dma_wait3A_146 = arith.constant 0 : i32
        %dma_wait3A_147 = arith.constant 0 : i32
        %dma_wait3A_148 = tpu.memref_slice %arg3[%arg0, %arg1, %add3A_145, %dma_wait3A_146, %dma_wait3A_147] : memref<2x16x84x2x120xi32, #tpu.memory_space<hbm>> -> memref<1x1x1x2x120xi32, #tpu.memory_space<hbm>>
        %dma_wait3A_149 = tpu.memref_squeeze %dma_wait3A_148 : memref<1x1x1x2x120xi32, #tpu.memory_space<hbm>> -> memref<2x120xi32, #tpu.memory_space<hbm>>
        %dma_wait3A_150 = arith.constant 0 : i32
        %dma_wait3A_151 = arith.constant 0 : i32
        %dma_wait3A_152 = tpu.memref_slice %arg3[%arg0, %arg1, %add3A_145, %dma_wait3A_150, %dma_wait3A_151] : memref<2x16x84x2x120xi32, #tpu.memory_space<hbm>> -> memref<1x1x1x2x120xi32, #tpu.memory_space<hbm>>
        %dma_wait3A_153 = tpu.memref_squeeze %dma_wait3A_152 : memref<1x1x1x2x120xi32, #tpu.memory_space<hbm>> -> memref<2x120xi32, #tpu.memory_space<hbm>>
        tpu.wait_dma2 semaphore(%arg14 : memref<!tpu.dma_semaphore, #tpu.memory_space<semaphore_mem>>) src(%dma_wait3A_153 : memref<2x120xi32, #tpu.memory_space<hbm>>) dst(%arg8 : memref<2x120xi32, #tpu.memory_space<vmem>>)
        %dma_start3A_154 = arith.constant 0 : i32
        %dma_start3A_155 = arith.constant 0 : i32
        %dma_start3A_156 = tpu.memref_slice %arg8[%dma_start3A_154, %dma_start3A_155] : memref<2x120xi32, #tpu.memory_space<vmem>> -> memref<1x120xi32, #tpu.memory_space<vmem>>
        %dma_start3A_157 = tpu.memref_squeeze %dma_start3A_156 : memref<1x120xi32, #tpu.memory_space<vmem>> -> memref<120xi32, #tpu.memory_space<vmem>>
        %dma_start3A_158 = arith.constant 0 : i32
        %dma_start3A_159 = arith.constant 0 : i32
        %dma_start3A_160 = tpu.memref_slice %arg2[%dma_start3A_158, %dma_start3A_159] : memref<10000x128xf32, #tpu.memory_space<hbm>> -> memref<10000x128xf32, #tpu.memory_space<hbm>>
        tpu.enqueue_indirect_dma source(%dma_start3A_160 : memref<10000x128xf32, #tpu.memory_space<hbm>>) target(%arg11 : memref<120x128xf32, #tpu.memory_space<vmem>>) offsets(%dma_start3A_157 : memref<120xi32, #tpu.memory_space<vmem>>) semaphore(%arg17 : memref<!tpu.dma_semaphore, #tpu.memory_space<semaphore_mem>>)
      } else {
      }
      %dma_wait3A_78 = arith.constant 0 : i32
      %dma_wait3A_79 = arith.constant 0 : i32
      %dma_wait3A_80 = tpu.memref_slice %arg6[%dma_wait3A_78, %dma_wait3A_79] : memref<2x120xi32, #tpu.memory_space<vmem>> -> memref<1x120xi32, #tpu.memory_space<vmem>>
      %dma_wait3A_81 = tpu.memref_squeeze %dma_wait3A_80 : memref<1x120xi32, #tpu.memory_space<vmem>> -> memref<120xi32, #tpu.memory_space<vmem>>
      %dma_wait3A_82 = arith.constant 0 : i32
      %dma_wait3A_83 = arith.constant 0 : i32
      %dma_wait3A_84 = tpu.memref_slice %arg2[%dma_wait3A_82, %dma_wait3A_83] : memref<10000x128xf32, #tpu.memory_space<hbm>> -> memref<10000x128xf32, #tpu.memory_space<hbm>>
      tpu.wait_indirect_dma semaphore(%arg15 : memref<!tpu.dma_semaphore, #tpu.memory_space<semaphore_mem>>) src(%dma_wait3A_84 : memref<10000x128xf32, #tpu.memory_space<hbm>>) dst(%arg9 : memref<120x128xf32, #tpu.memory_space<vmem>>)
      %run_scoped3A = arith.constant 1 : i32
      "tpu.region"() ({
        %run_scoped3A_144 = tpu.sem_alloc : memref<!tpu.dma_semaphore, #tpu.memory_space<semaphore_mem>>
        %dma_start3A_145 = arith.constant 0 : i32
        %dma_start3A_146 = tpu.memref_slice %arg6[%run_scoped3A, %dma_start3A_145] : memref<2x120xi32, #tpu.memory_space<vmem>> -> memref<1x120xi32, #tpu.memory_space<vmem>>
        %dma_start3A_147 = tpu.memref_squeeze %dma_start3A_146 : memref<1x120xi32, #tpu.memory_space<vmem>> -> memref<120xi32, #tpu.memory_space<vmem>>
        %dma_start3A_148 = arith.constant 0 : i32
        %dma_start3A_149 = arith.constant 0 : i32
        %dma_start3A_150 = tpu.memref_slice %arg18[%dma_start3A_148, %dma_start3A_149] : memref<10240x128xf32, #tpu.memory_space<vmem_shared>> -> memref<10240x128xf32, #tpu.memory_space<vmem_shared>>
        tpu.enqueue_indirect_dma source(%arg9 : memref<120x128xf32, #tpu.memory_space<vmem>>) target(%dma_start3A_150 : memref<10240x128xf32, #tpu.memory_space<vmem_shared>>) offsets(%dma_start3A_147 : memref<120xi32, #tpu.memory_space<vmem>>) semaphore(%run_scoped3A_144 : memref<!tpu.dma_semaphore, #tpu.memory_space<semaphore_mem>>) {add = true}
        %dma_wait3A_151 = arith.constant 0 : i32
        %dma_wait3A_152 = tpu.memref_slice %arg6[%run_scoped3A, %dma_wait3A_151] : memref<2x120xi32, #tpu.memory_space<vmem>> -> memref<1x120xi32, #tpu.memory_space<vmem>>
        %dma_wait3A_153 = tpu.memref_squeeze %dma_wait3A_152 : memref<1x120xi32, #tpu.memory_space<vmem>> -> memref<120xi32, #tpu.memory_space<vmem>>
        %dma_wait3A_154 = arith.constant 0 : i32
        %dma_wait3A_155 = arith.constant 0 : i32
        %dma_wait3A_156 = tpu.memref_slice %arg18[%dma_wait3A_154, %dma_wait3A_155] : memref<10240x128xf32, #tpu.memory_space<vmem_shared>> -> memref<10240x128xf32, #tpu.memory_space<vmem_shared>>
        tpu.wait_indirect_dma semaphore(%run_scoped3A_144 : memref<!tpu.dma_semaphore, #tpu.memory_space<semaphore_mem>>) src(%arg9 : memref<120x128xf32, #tpu.memory_space<vmem>>) dst(%dma_wait3A_156 : memref<10240x128xf32, #tpu.memory_space<vmem_shared>>)
        tpu.yield
      }) : () -> ()
      %add3A_85 = arith.constant 3 : i32
      %add3A_86 = arith.addi %add3A_73, %add3A_85 : i32
      %lt3A_87 = arith.constant 84 : i32
      %lt3A_88 = arith.cmpi slt, %add3A_86, %lt3A_87 : i32
      %convert_element_type3A_89 = arith.extui %lt3A_88 : i1 to i32
      %cond3A_90 = arith.constant 0 : i32
      %cond3A_91 = arith.cmpi ne, %convert_element_type3A_89, %cond3A_90 : i32
      scf.if %cond3A_91 {
        %add3A_144 = arith.constant 3 : i32
        %add3A_145 = arith.addi %add3A_73, %add3A_144 : i32
        %dma_start3A_146 = arith.constant 0 : i32
        %dma_start3A_147 = arith.constant 0 : i32
        %dma_start3A_148 = tpu.memref_slice %arg3[%arg0, %arg1, %add3A_145, %dma_start3A_146, %dma_start3A_147] : memref<2x16x84x2x120xi32, #tpu.memory_space<hbm>> -> memref<1x1x1x2x120xi32, #tpu.memory_space<hbm>>
        %dma_start3A_149 = tpu.memref_squeeze %dma_start3A_148 : memref<1x1x1x2x120xi32, #tpu.memory_space<hbm>> -> memref<2x120xi32, #tpu.memory_space<hbm>>
        %dma_start3A_150 = arith.constant 0 : i32
        %dma_start3A_151 = arith.constant 0 : i32
        %dma_start3A_152 = tpu.memref_slice %arg3[%arg0, %arg1, %add3A_145, %dma_start3A_150, %dma_start3A_151] : memref<2x16x84x2x120xi32, #tpu.memory_space<hbm>> -> memref<1x1x1x2x120xi32, #tpu.memory_space<hbm>>
        %dma_start3A_153 = tpu.memref_squeeze %dma_start3A_152 : memref<1x1x1x2x120xi32, #tpu.memory_space<hbm>> -> memref<2x120xi32, #tpu.memory_space<hbm>>
        tpu.enqueue_dma source(%dma_start3A_153 : memref<2x120xi32, #tpu.memory_space<hbm>>) target(%arg6 : memref<2x120xi32, #tpu.memory_space<vmem>>) target_semaphore(%arg12 : memref<!tpu.dma_semaphore, #tpu.memory_space<semaphore_mem>>)
      } else {
      }
      %mul3A_92 = arith.constant 3 : i32
      %mul3A_93 = arith.muli %mul3A_92, %scan3A_70 : i32
      %add3A_94 = arith.constant 1 : i32
      %add3A_95 = arith.addi %mul3A_93, %add3A_94 : i32
      %add3A_96 = arith.constant 2 : i32
      %add3A_97 = arith.addi %add3A_95, %add3A_96 : i32
      %lt3A_98 = arith.constant 84 : i32
      %lt3A_99 = arith.cmpi slt, %add3A_97, %lt3A_98 : i32
      %convert_element_type3A_100 = arith.extui %lt3A_99 : i1 to i32
      %cond3A_101 = arith.constant 0 : i32
      %cond3A_102 = arith.cmpi ne, %convert_element_type3A_100, %cond3A_101 : i32
      scf.if %cond3A_102 {
        %add3A_144 = arith.constant 2 : i32
        %add3A_145 = arith.addi %add3A_95, %add3A_144 : i32
        %dma_wait3A_146 = arith.constant 0 : i32
        %dma_wait3A_147 = arith.constant 0 : i32
        %dma_wait3A_148 = tpu.memref_slice %arg3[%arg0, %arg1, %add3A_145, %dma_wait3A_146, %dma_wait3A_147] : memref<2x16x84x2x120xi32, #tpu.memory_space<hbm>> -> memref<1x1x1x2x120xi32, #tpu.memory_space<hbm>>
        %dma_wait3A_149 = tpu.memref_squeeze %dma_wait3A_148 : memref<1x1x1x2x120xi32, #tpu.memory_space<hbm>> -> memref<2x120xi32, #tpu.memory_space<hbm>>
        %dma_wait3A_150 = arith.constant 0 : i32
        %dma_wait3A_151 = arith.constant 0 : i32
        %dma_wait3A_152 = tpu.memref_slice %arg3[%arg0, %arg1, %add3A_145, %dma_wait3A_150, %dma_wait3A_151] : memref<2x16x84x2x120xi32, #tpu.memory_space<hbm>> -> memref<1x1x1x2x120xi32, #tpu.memory_space<hbm>>
        %dma_wait3A_153 = tpu.memref_squeeze %dma_wait3A_152 : memref<1x1x1x2x120xi32, #tpu.memory_space<hbm>> -> memref<2x120xi32, #tpu.memory_space<hbm>>
        tpu.wait_dma2 semaphore(%arg12 : memref<!tpu.dma_semaphore, #tpu.memory_space<semaphore_mem>>) src(%dma_wait3A_153 : memref<2x120xi32, #tpu.memory_space<hbm>>) dst(%arg6 : memref<2x120xi32, #tpu.memory_space<vmem>>)
        %dma_start3A_154 = arith.constant 0 : i32
        %dma_start3A_155 = arith.constant 0 : i32
        %dma_start3A_156 = tpu.memref_slice %arg6[%dma_start3A_154, %dma_start3A_155] : memref<2x120xi32, #tpu.memory_space<vmem>> -> memref<1x120xi32, #tpu.memory_space<vmem>>
        %dma_start3A_157 = tpu.memref_squeeze %dma_start3A_156 : memref<1x120xi32, #tpu.memory_space<vmem>> -> memref<120xi32, #tpu.memory_space<vmem>>
        %dma_start3A_158 = arith.constant 0 : i32
        %dma_start3A_159 = arith.constant 0 : i32
        %dma_start3A_160 = tpu.memref_slice %arg2[%dma_start3A_158, %dma_start3A_159] : memref<10000x128xf32, #tpu.memory_space<hbm>> -> memref<10000x128xf32, #tpu.memory_space<hbm>>
        tpu.enqueue_indirect_dma source(%dma_start3A_160 : memref<10000x128xf32, #tpu.memory_space<hbm>>) target(%arg9 : memref<120x128xf32, #tpu.memory_space<vmem>>) offsets(%dma_start3A_157 : memref<120xi32, #tpu.memory_space<vmem>>) semaphore(%arg15 : memref<!tpu.dma_semaphore, #tpu.memory_space<semaphore_mem>>)
      } else {
      }
      %dma_wait3A_103 = arith.constant 0 : i32
      %dma_wait3A_104 = arith.constant 0 : i32
      %dma_wait3A_105 = tpu.memref_slice %arg7[%dma_wait3A_103, %dma_wait3A_104] : memref<2x120xi32, #tpu.memory_space<vmem>> -> memref<1x120xi32, #tpu.memory_space<vmem>>
      %dma_wait3A_106 = tpu.memref_squeeze %dma_wait3A_105 : memref<1x120xi32, #tpu.memory_space<vmem>> -> memref<120xi32, #tpu.memory_space<vmem>>
      %dma_wait3A_107 = arith.constant 0 : i32
      %dma_wait3A_108 = arith.constant 0 : i32
      %dma_wait3A_109 = tpu.memref_slice %arg2[%dma_wait3A_107, %dma_wait3A_108] : memref<10000x128xf32, #tpu.memory_space<hbm>> -> memref<10000x128xf32, #tpu.memory_space<hbm>>
      tpu.wait_indirect_dma semaphore(%arg16 : memref<!tpu.dma_semaphore, #tpu.memory_space<semaphore_mem>>) src(%dma_wait3A_109 : memref<10000x128xf32, #tpu.memory_space<hbm>>) dst(%arg10 : memref<120x128xf32, #tpu.memory_space<vmem>>)
      %run_scoped3A_110 = arith.constant 1 : i32
      "tpu.region"() ({
        %run_scoped3A_144 = tpu.sem_alloc : memref<!tpu.dma_semaphore, #tpu.memory_space<semaphore_mem>>
        %dma_start3A_145 = arith.constant 0 : i32
        %dma_start3A_146 = tpu.memref_slice %arg7[%run_scoped3A_110, %dma_start3A_145] : memref<2x120xi32, #tpu.memory_space<vmem>> -> memref<1x120xi32, #tpu.memory_space<vmem>>
        %dma_start3A_147 = tpu.memref_squeeze %dma_start3A_146 : memref<1x120xi32, #tpu.memory_space<vmem>> -> memref<120xi32, #tpu.memory_space<vmem>>
        %dma_start3A_148 = arith.constant 0 : i32
        %dma_start3A_149 = arith.constant 0 : i32
        %dma_start3A_150 = tpu.memref_slice %arg18[%dma_start3A_148, %dma_start3A_149] : memref<10240x128xf32, #tpu.memory_space<vmem_shared>> -> memref<10240x128xf32, #tpu.memory_space<vmem_shared>>
        tpu.enqueue_indirect_dma source(%arg10 : memref<120x128xf32, #tpu.memory_space<vmem>>) target(%dma_start3A_150 : memref<10240x128xf32, #tpu.memory_space<vmem_shared>>) offsets(%dma_start3A_147 : memref<120xi32, #tpu.memory_space<vmem>>) semaphore(%run_scoped3A_144 : memref<!tpu.dma_semaphore, #tpu.memory_space<semaphore_mem>>) {add = true}
        %dma_wait3A_151 = arith.constant 0 : i32
        %dma_wait3A_152 = tpu.memref_slice %arg7[%run_scoped3A_110, %dma_wait3A_151] : memref<2x120xi32, #tpu.memory_space<vmem>> -> memref<1x120xi32, #tpu.memory_space<vmem>>
        %dma_wait3A_153 = tpu.memref_squeeze %dma_wait3A_152 : memref<1x120xi32, #tpu.memory_space<vmem>> -> memref<120xi32, #tpu.memory_space<vmem>>
        %dma_wait3A_154 = arith.constant 0 : i32
        %dma_wait3A_155 = arith.constant 0 : i32
        %dma_wait3A_156 = tpu.memref_slice %arg18[%dma_wait3A_154, %dma_wait3A_155] : memref<10240x128xf32, #tpu.memory_space<vmem_shared>> -> memref<10240x128xf32, #tpu.memory_space<vmem_shared>>
        tpu.wait_indirect_dma semaphore(%run_scoped3A_144 : memref<!tpu.dma_semaphore, #tpu.memory_space<semaphore_mem>>) src(%arg10 : memref<120x128xf32, #tpu.memory_space<vmem>>) dst(%dma_wait3A_156 : memref<10240x128xf32, #tpu.memory_space<vmem_shared>>)
        tpu.yield
      }) : () -> ()
      %add3A_111 = arith.constant 3 : i32
      %add3A_112 = arith.addi %add3A_95, %add3A_111 : i32
      %lt3A_113 = arith.constant 84 : i32
      %lt3A_114 = arith.cmpi slt, %add3A_112, %lt3A_113 : i32
      %convert_element_type3A_115 = arith.extui %lt3A_114 : i1 to i32
      %cond3A_116 = arith.constant 0 : i32
      %cond3A_117 = arith.cmpi ne, %convert_element_type3A_115, %cond3A_116 : i32
      scf.if %cond3A_117 {
        %add3A_144 = arith.constant 3 : i32
        %add3A_145 = arith.addi %add3A_95, %add3A_144 : i32
        %dma_start3A_146 = arith.constant 0 : i32
        %dma_start3A_147 = arith.constant 0 : i32
        %dma_start3A_148 = tpu.memref_slice %arg3[%arg0, %arg1, %add3A_145, %dma_start3A_146, %dma_start3A_147] : memref<2x16x84x2x120xi32, #tpu.memory_space<hbm>> -> memref<1x1x1x2x120xi32, #tpu.memory_space<hbm>>
        %dma_start3A_149 = tpu.memref_squeeze %dma_start3A_148 : memref<1x1x1x2x120xi32, #tpu.memory_space<hbm>> -> memref<2x120xi32, #tpu.memory_space<hbm>>
        %dma_start3A_150 = arith.constant 0 : i32
        %dma_start3A_151 = arith.constant 0 : i32
        %dma_start3A_152 = tpu.memref_slice %arg3[%arg0, %arg1, %add3A_145, %dma_start3A_150, %dma_start3A_151] : memref<2x16x84x2x120xi32, #tpu.memory_space<hbm>> -> memref<1x1x1x2x120xi32, #tpu.memory_space<hbm>>
        %dma_start3A_153 = tpu.memref_squeeze %dma_start3A_152 : memref<1x1x1x2x120xi32, #tpu.memory_space<hbm>> -> memref<2x120xi32, #tpu.memory_space<hbm>>
        tpu.enqueue_dma source(%dma_start3A_153 : memref<2x120xi32, #tpu.memory_space<hbm>>) target(%arg7 : memref<2x120xi32, #tpu.memory_space<vmem>>) target_semaphore(%arg13 : memref<!tpu.dma_semaphore, #tpu.memory_space<semaphore_mem>>)
      } else {
      }
      %mul3A_118 = arith.constant 3 : i32
      %mul3A_119 = arith.muli %mul3A_118, %scan3A_70 : i32
      %add3A_120 = arith.constant 2 : i32
      %add3A_121 = arith.addi %mul3A_119, %add3A_120 : i32
      %add3A_122 = arith.constant 2 : i32
      %add3A_123 = arith.addi %add3A_121, %add3A_122 : i32
      %lt3A_124 = arith.constant 84 : i32
      %lt3A_125 = arith.cmpi slt, %add3A_123, %lt3A_124 : i32
      %convert_element_type3A_126 = arith.extui %lt3A_125 : i1 to i32
      %cond3A_127 = arith.constant 0 : i32
      %cond3A_128 = arith.cmpi ne, %convert_element_type3A_126, %cond3A_127 : i32
      scf.if %cond3A_128 {
        %add3A_144 = arith.constant 2 : i32
        %add3A_145 = arith.addi %add3A_121, %add3A_144 : i32
        %dma_wait3A_146 = arith.constant 0 : i32
        %dma_wait3A_147 = arith.constant 0 : i32
        %dma_wait3A_148 = tpu.memref_slice %arg3[%arg0, %arg1, %add3A_145, %dma_wait3A_146, %dma_wait3A_147] : memref<2x16x84x2x120xi32, #tpu.memory_space<hbm>> -> memref<1x1x1x2x120xi32, #tpu.memory_space<hbm>>
        %dma_wait3A_149 = tpu.memref_squeeze %dma_wait3A_148 : memref<1x1x1x2x120xi32, #tpu.memory_space<hbm>> -> memref<2x120xi32, #tpu.memory_space<hbm>>
        %dma_wait3A_150 = arith.constant 0 : i32
        %dma_wait3A_151 = arith.constant 0 : i32
        %dma_wait3A_152 = tpu.memref_slice %arg3[%arg0, %arg1, %add3A_145, %dma_wait3A_150, %dma_wait3A_151] : memref<2x16x84x2x120xi32, #tpu.memory_space<hbm>> -> memref<1x1x1x2x120xi32, #tpu.memory_space<hbm>>
        %dma_wait3A_153 = tpu.memref_squeeze %dma_wait3A_152 : memref<1x1x1x2x120xi32, #tpu.memory_space<hbm>> -> memref<2x120xi32, #tpu.memory_space<hbm>>
        tpu.wait_dma2 semaphore(%arg13 : memref<!tpu.dma_semaphore, #tpu.memory_space<semaphore_mem>>) src(%dma_wait3A_153 : memref<2x120xi32, #tpu.memory_space<hbm>>) dst(%arg7 : memref<2x120xi32, #tpu.memory_space<vmem>>)
        %dma_start3A_154 = arith.constant 0 : i32
        %dma_start3A_155 = arith.constant 0 : i32
        %dma_start3A_156 = tpu.memref_slice %arg7[%dma_start3A_154, %dma_start3A_155] : memref<2x120xi32, #tpu.memory_space<vmem>> -> memref<1x120xi32, #tpu.memory_space<vmem>>
        %dma_start3A_157 = tpu.memref_squeeze %dma_start3A_156 : memref<1x120xi32, #tpu.memory_space<vmem>> -> memref<120xi32, #tpu.memory_space<vmem>>
        %dma_start3A_158 = arith.constant 0 : i32
        %dma_start3A_159 = arith.constant 0 : i32
        %dma_start3A_160 = tpu.memref_slice %arg2[%dma_start3A_158, %dma_start3A_159] : memref<10000x128xf32, #tpu.memory_space<hbm>> -> memref<10000x128xf32, #tpu.memory_space<hbm>>
        tpu.enqueue_indirect_dma source(%dma_start3A_160 : memref<10000x128xf32, #tpu.memory_space<hbm>>) target(%arg10 : memref<120x128xf32, #tpu.memory_space<vmem>>) offsets(%dma_start3A_157 : memref<120xi32, #tpu.memory_space<vmem>>) semaphore(%arg16 : memref<!tpu.dma_semaphore, #tpu.memory_space<semaphore_mem>>)
      } else {
      }
      %dma_wait3A_129 = arith.constant 0 : i32
      %dma_wait3A_130 = arith.constant 0 : i32
      %dma_wait3A_131 = tpu.memref_slice %arg8[%dma_wait3A_129, %dma_wait3A_130] : memref<2x120xi32, #tpu.memory_space<vmem>> -> memref<1x120xi32, #tpu.memory_space<vmem>>
      %dma_wait3A_132 = tpu.memref_squeeze %dma_wait3A_131 : memref<1x120xi32, #tpu.memory_space<vmem>> -> memref<120xi32, #tpu.memory_space<vmem>>
      %dma_wait3A_133 = arith.constant 0 : i32
      %dma_wait3A_134 = arith.constant 0 : i32
      %dma_wait3A_135 = tpu.memref_slice %arg2[%dma_wait3A_133, %dma_wait3A_134] : memref<10000x128xf32, #tpu.memory_space<hbm>> -> memref<10000x128xf32, #tpu.memory_space<hbm>>
      tpu.wait_indirect_dma semaphore(%arg17 : memref<!tpu.dma_semaphore, #tpu.memory_space<semaphore_mem>>) src(%dma_wait3A_135 : memref<10000x128xf32, #tpu.memory_space<hbm>>) dst(%arg11 : memref<120x128xf32, #tpu.memory_space<vmem>>)
      %run_scoped3A_136 = arith.constant 1 : i32
      "tpu.region"() ({
        %run_scoped3A_144 = tpu.sem_alloc : memref<!tpu.dma_semaphore, #tpu.memory_space<semaphore_mem>>
        %dma_start3A_145 = arith.constant 0 : i32
        %dma_start3A_146 = tpu.memref_slice %arg8[%run_scoped3A_136, %dma_start3A_145] : memref<2x120xi32, #tpu.memory_space<vmem>> -> memref<1x120xi32, #tpu.memory_space<vmem>>
        %dma_start3A_147 = tpu.memref_squeeze %dma_start3A_146 : memref<1x120xi32, #tpu.memory_space<vmem>> -> memref<120xi32, #tpu.memory_space<vmem>>
        %dma_start3A_148 = arith.constant 0 : i32
        %dma_start3A_149 = arith.constant 0 : i32
        %dma_start3A_150 = tpu.memref_slice %arg18[%dma_start3A_148, %dma_start3A_149] : memref<10240x128xf32, #tpu.memory_space<vmem_shared>> -> memref<10240x128xf32, #tpu.memory_space<vmem_shared>>
        tpu.enqueue_indirect_dma source(%arg11 : memref<120x128xf32, #tpu.memory_space<vmem>>) target(%dma_start3A_150 : memref<10240x128xf32, #tpu.memory_space<vmem_shared>>) offsets(%dma_start3A_147 : memref<120xi32, #tpu.memory_space<vmem>>) semaphore(%run_scoped3A_144 : memref<!tpu.dma_semaphore, #tpu.memory_space<semaphore_mem>>) {add = true}
        %dma_wait3A_151 = arith.constant 0 : i32
        %dma_wait3A_152 = tpu.memref_slice %arg8[%run_scoped3A_136, %dma_wait3A_151] : memref<2x120xi32, #tpu.memory_space<vmem>> -> memref<1x120xi32, #tpu.memory_space<vmem>>
        %dma_wait3A_153 = tpu.memref_squeeze %dma_wait3A_152 : memref<1x120xi32, #tpu.memory_space<vmem>> -> memref<120xi32, #tpu.memory_space<vmem>>
        %dma_wait3A_154 = arith.constant 0 : i32
        %dma_wait3A_155 = arith.constant 0 : i32
        %dma_wait3A_156 = tpu.memref_slice %arg18[%dma_wait3A_154, %dma_wait3A_155] : memref<10240x128xf32, #tpu.memory_space<vmem_shared>> -> memref<10240x128xf32, #tpu.memory_space<vmem_shared>>
        tpu.wait_indirect_dma semaphore(%run_scoped3A_144 : memref<!tpu.dma_semaphore, #tpu.memory_space<semaphore_mem>>) src(%arg11 : memref<120x128xf32, #tpu.memory_space<vmem>>) dst(%dma_wait3A_156 : memref<10240x128xf32, #tpu.memory_space<vmem_shared>>)
        tpu.yield
      }) : () -> ()
      %add3A_137 = arith.constant 3 : i32
      %add3A_138 = arith.addi %add3A_121, %add3A_137 : i32
      %lt3A_139 = arith.constant 84 : i32
      %lt3A_140 = arith.cmpi slt, %add3A_138, %lt3A_139 : i32
      %convert_element_type3A_141 = arith.extui %lt3A_140 : i1 to i32
      %cond3A_142 = arith.constant 0 : i32
      %cond3A_143 = arith.cmpi ne, %convert_element_type3A_141, %cond3A_142 : i32
      scf.if %cond3A_143 {
        %add3A_144 = arith.constant 3 : i32
        %add3A_145 = arith.addi %add3A_121, %add3A_144 : i32
        %dma_start3A_146 = arith.constant 0 : i32
        %dma_start3A_147 = arith.constant 0 : i32
        %dma_start3A_148 = tpu.memref_slice %arg3[%arg0, %arg1, %add3A_145, %dma_start3A_146, %dma_start3A_147] : memref<2x16x84x2x120xi32, #tpu.memory_space<hbm>> -> memref<1x1x1x2x120xi32, #tpu.memory_space<hbm>>
        %dma_start3A_149 = tpu.memref_squeeze %dma_start3A_148 : memref<1x1x1x2x120xi32, #tpu.memory_space<hbm>> -> memref<2x120xi32, #tpu.memory_space<hbm>>
        %dma_start3A_150 = arith.constant 0 : i32
        %dma_start3A_151 = arith.constant 0 : i32
        %dma_start3A_152 = tpu.memref_slice %arg3[%arg0, %arg1, %add3A_145, %dma_start3A_150, %dma_start3A_151] : memref<2x16x84x2x120xi32, #tpu.memory_space<hbm>> -> memref<1x1x1x2x120xi32, #tpu.memory_space<hbm>>
        %dma_start3A_153 = tpu.memref_squeeze %dma_start3A_152 : memref<1x1x1x2x120xi32, #tpu.memory_space<hbm>> -> memref<2x120xi32, #tpu.memory_space<hbm>>
        tpu.enqueue_dma source(%dma_start3A_153 : memref<2x120xi32, #tpu.memory_space<hbm>>) target(%arg8 : memref<2x120xi32, #tpu.memory_space<vmem>>) target_semaphore(%arg14 : memref<!tpu.dma_semaphore, #tpu.memory_space<semaphore_mem>>)
      } else {
      }
    }
    %scan3A_64 = arith.constant 28 : i32
    %barrier3A_65 = arith.constant 0 : index
    tpu.barrier barrier_id(%barrier3A_65)
    %mul3A_66 = arith.constant 640 : i32
    %mul3A_67 = arith.muli %arg1, %mul3A_66 : i32
    %mul3A_68 = arith.constant 640 : i32
    %mul3A_69 = arith.muli %arg1, %mul3A_68 : i32
    "tpu.region"() ({
      %run_scoped3A = tpu.sem_alloc : memref<!tpu.dma_semaphore, #tpu.memory_space<semaphore_mem>>
      %dma_start3A_70 = arith.constant 0 : i32
      %dma_start3A_71 = tpu.memref_slice %arg5[%arg0, %mul3A_69, %dma_start3A_70] : memref<2x10240x128xf32, #tpu.memory_space<hbm>> -> memref<1x640x128xf32, #tpu.memory_space<hbm>>
      %dma_start3A_72 = tpu.memref_squeeze %dma_start3A_71 : memref<1x640x128xf32, #tpu.memory_space<hbm>> -> memref<640x128xf32, #tpu.memory_space<hbm>>
      %dma_start3A_73 = arith.constant 0 : i32
      %dma_start3A_74 = tpu.memref_slice %arg18[%mul3A_67, %dma_start3A_73] : memref<10240x128xf32, #tpu.memory_space<vmem_shared>> -> memref<640x128xf32, #tpu.memory_space<vmem_shared>>
      tpu.enqueue_dma source(%dma_start3A_74 : memref<640x128xf32, #tpu.memory_space<vmem_shared>>) target(%dma_start3A_72 : memref<640x128xf32, #tpu.memory_space<hbm>>) target_semaphore(%run_scoped3A : memref<!tpu.dma_semaphore, #tpu.memory_space<semaphore_mem>>)
      %dma_wait3A_75 = arith.constant 0 : i32
      %dma_wait3A_76 = tpu.memref_slice %arg5[%arg0, %mul3A_69, %dma_wait3A_75] : memref<2x10240x128xf32, #tpu.memory_space<hbm>> -> memref<1x640x128xf32, #tpu.memory_space<hbm>>
      %dma_wait3A_77 = tpu.memref_squeeze %dma_wait3A_76 : memref<1x640x128xf32, #tpu.memory_space<hbm>> -> memref<640x128xf32, #tpu.memory_space<hbm>>
      %dma_wait3A_78 = arith.constant 0 : i32
      %dma_wait3A_79 = tpu.memref_slice %arg18[%mul3A_67, %dma_wait3A_78] : memref<10240x128xf32, #tpu.memory_space<vmem_shared>> -> memref<640x128xf32, #tpu.memory_space<vmem_shared>>
      tpu.wait_dma2 semaphore(%run_scoped3A : memref<!tpu.dma_semaphore, #tpu.memory_space<semaphore_mem>>) src(%dma_wait3A_79 : memref<640x128xf32, #tpu.memory_space<vmem_shared>>) dst(%dma_wait3A_77 : memref<640x128xf32, #tpu.memory_space<hbm>>)
      tpu.yield
    }) : () -> ()
    return
  }
}

#map = affine_map<(d0, d1) -> (0, 0)>
#map1 = affine_map<(d0, d1) -> (0, 0, 0, 0, 0)>
#map2 = affine_map<(d0, d1) -> (0, 0, 0)>
module attributes {stable_mosaic.version = 14 : i64} {
  func.func @edge_kernel(%arg0: i32, %arg1: i32, %arg2: memref<10000x128xf32, #tpu.memory_space<hbm>>, %arg3: memref<2x16x84x2x120xi32, #tpu.memory_space<hbm>>, %arg4: memref<10240x128xf32, #tpu.memory_space<hbm>>, %arg5: memref<2x10240x128xf32, #tpu.memory_space<hbm>>, %arg6: memref<2x120xi32, #tpu.memory_space<vmem>>, %arg7: memref<2x120xi32, #tpu.memory_space<vmem>>, %arg8: memref<2x120xi32, #tpu.memory_space<vmem>>, %arg9: memref<120x128xf32, #tpu.memory_space<vmem>>, %arg10: memref<120x128xf32, #tpu.memory_space<vmem>>, %arg11: memref<120x128xf32, #tpu.memory_space<vmem>>, %arg12: memref<!tpu.dma_semaphore, #tpu.memory_space<semaphore_mem>>, %arg13: memref<!tpu.dma_semaphore, #tpu.memory_space<semaphore_mem>>, %arg14: memref<!tpu.dma_semaphore, #tpu.memory_space<semaphore_mem>>, %arg15: memref<!tpu.dma_semaphore, #tpu.memory_space<semaphore_mem>>, %arg16: memref<!tpu.dma_semaphore, #tpu.memory_space<semaphore_mem>>, %arg17: memref<!tpu.dma_semaphore, #tpu.memory_space<semaphore_mem>>, %arg18: memref<10240x128xf32, #tpu.memory_space<vmem_shared>>) attributes {dimension_semantics = [#tpu.dimension_semantics<core_parallel>, #tpu.dimension_semantics<subcore_parallel>], iteration_bounds = array<i64: 2, 16>, scalar_prefetch = 0 : i64, scratch_operands = 13 : i64, tpu.core_type = #tpu.core_type<sc_vector_subcore>, window_params = [{transform_indices = #map}, {transform_indices = #map1}, {transform_indices = #map}, {transform_indices = #map2}]} {
    %mul3A = arith.constant 640 : i32
    %mul3A_0 = arith.muli %arg1, %mul3A : i32
    %mul3A_1 = arith.constant 640 : i32
    %mul3A_2 = arith.muli %arg1, %mul3A_1 : i32
    "tpu.region"() ({
      %run_scoped3A = tpu.sem_alloc : memref<!tpu.dma_semaphore, #tpu.memory_space<semaphore_mem>>
      %dma_start3A_70 = arith.constant 0 : i32
      %dma_start3A_71 = tpu.memref_slice %arg18[%mul3A_2, %dma_start3A_70] : memref<10240x128xf32, #tpu.memory_space<vmem_shared>> -> memref<640x128xf32, #tpu.memory_space<vmem_shared>>
      %dma_start3A_72 = arith.constant 0 : i32
      %dma_start3A_73 = tpu.memref_slice %arg4[%mul3A_0, %dma_start3A_72] : memref<10240x128xf32, #tpu.memory_space<hbm>> -> memref<640x128xf32, #tpu.memory_space<hbm>>
      tpu.enqueue_dma source(%dma_start3A_73 : memref<640x128xf32, #tpu.memory_space<hbm>>) target(%dma_start3A_71 : memref<640x128xf32, #tpu.memory_space<vmem_shared>>) target_semaphore(%run_scoped3A : memref<!tpu.dma_semaphore, #tpu.memory_space<semaphore_mem>>)
      %dma_wait3A_74 = arith.constant 0 : i32
      %dma_wait3A_75 = tpu.memref_slice %arg18[%mul3A_2, %dma_wait3A_74] : memref<10240x128xf32, #tpu.memory_space<vmem_shared>> -> memref<640x128xf32, #tpu.memory_space<vmem_shared>>
      %dma_wait3A_76 = arith.constant 0 : i32
      %dma_wait3A_77 = tpu.memref_slice %arg4[%mul3A_0, %dma_wait3A_76] : memref<10240x128xf32, #tpu.memory_space<hbm>> -> memref<640x128xf32, #tpu.memory_space<hbm>>
      tpu.wait_dma2 semaphore(%run_scoped3A : memref<!tpu.dma_semaphore, #tpu.memory_space<semaphore_mem>>) src(%dma_wait3A_77 : memref<640x128xf32, #tpu.memory_space<hbm>>) dst(%dma_wait3A_75 : memref<640x128xf32, #tpu.memory_space<vmem_shared>>)
      tpu.yield
    }) : () -> ()
    %dma_start3A = arith.constant 0 : i32
    %dma_start3A_3 = arith.constant 0 : i32
    %dma_start3A_4 = arith.constant 0 : i32
    %dma_start3A_5 = tpu.memref_slice %arg3[%arg0, %arg1, %dma_start3A, %dma_start3A_3, %dma_start3A_4] : memref<2x16x84x2x120xi32, #tpu.memory_space<hbm>> -> memref<1x1x1x2x120xi32, #tpu.memory_space<hbm>>
    %dma_start3A_6 = tpu.memref_squeeze %dma_start3A_5 : memref<1x1x1x2x120xi32, #tpu.memory_space<hbm>> -> memref<2x120xi32, #tpu.memory_space<hbm>>
    %dma_start3A_7 = arith.constant 0 : i32
    %dma_start3A_8 = arith.constant 0 : i32
    %dma_start3A_9 = tpu.memref_slice %arg3[%arg0, %arg1, %dma_start3A, %dma_start3A_7, %dma_start3A_8] : memref<2x16x84x2x120xi32, #tpu.memory_space<hbm>> -> memref<1x1x1x2x120xi32, #tpu.memory_space<hbm>>
    %dma_start3A_10 = tpu.memref_squeeze %dma_start3A_9 : memref<1x1x1x2x120xi32, #tpu.memory_space<hbm>> -> memref<2x120xi32, #tpu.memory_space<hbm>>
    tpu.enqueue_dma source(%dma_start3A_10 : memref<2x120xi32, #tpu.memory_space<hbm>>) target(%arg6 : memref<2x120xi32, #tpu.memory_space<vmem>>) target_semaphore(%arg12 : memref<!tpu.dma_semaphore, #tpu.memory_space<semaphore_mem>>)
    %dma_start3A_11 = arith.constant 1 : i32
    %dma_start3A_12 = arith.constant 0 : i32
    %dma_start3A_13 = arith.constant 0 : i32
    %dma_start3A_14 = tpu.memref_slice %arg3[%arg0, %arg1, %dma_start3A_11, %dma_start3A_12, %dma_start3A_13] : memref<2x16x84x2x120xi32, #tpu.memory_space<hbm>> -> memref<1x1x1x2x120xi32, #tpu.memory_space<hbm>>
    %dma_start3A_15 = tpu.memref_squeeze %dma_start3A_14 : memref<1x1x1x2x120xi32, #tpu.memory_space<hbm>> -> memref<2x120xi32, #tpu.memory_space<hbm>>
    %dma_start3A_16 = arith.constant 0 : i32
    %dma_start3A_17 = arith.constant 0 : i32
    %dma_start3A_18 = tpu.memref_slice %arg3[%arg0, %arg1, %dma_start3A_11, %dma_start3A_16, %dma_start3A_17] : memref<2x16x84x2x120xi32, #tpu.memory_space<hbm>> -> memref<1x1x1x2x120xi32, #tpu.memory_space<hbm>>
    %dma_start3A_19 = tpu.memref_squeeze %dma_start3A_18 : memref<1x1x1x2x120xi32, #tpu.memory_space<hbm>> -> memref<2x120xi32, #tpu.memory_space<hbm>>
    tpu.enqueue_dma source(%dma_start3A_19 : memref<2x120xi32, #tpu.memory_space<hbm>>) target(%arg7 : memref<2x120xi32, #tpu.memory_space<vmem>>) target_semaphore(%arg13 : memref<!tpu.dma_semaphore, #tpu.memory_space<semaphore_mem>>)
    %dma_start3A_20 = arith.constant 2 : i32
    %dma_start3A_21 = arith.constant 0 : i32
    %dma_start3A_22 = arith.constant 0 : i32
    %dma_start3A_23 = tpu.memref_slice %arg3[%arg0, %arg1, %dma_start3A_20, %dma_start3A_21, %dma_start3A_22] : memref<2x16x84x2x120xi32, #tpu.memory_space<hbm>> -> memref<1x1x1x2x120xi32, #tpu.memory_space<hbm>>
    %dma_start3A_24 = tpu.memref_squeeze %dma_start3A_23 : memref<1x1x1x2x120xi32, #tpu.memory_space<hbm>> -> memref<2x120xi32, #tpu.memory_space<hbm>>
    %dma_start3A_25 = arith.constant 0 : i32
    %dma_start3A_26 = arith.constant 0 : i32
    %dma_start3A_27 = tpu.memref_slice %arg3[%arg0, %arg1, %dma_start3A_20, %dma_start3A_25, %dma_start3A_26] : memref<2x16x84x2x120xi32, #tpu.memory_space<hbm>> -> memref<1x1x1x2x120xi32, #tpu.memory_space<hbm>>
    %dma_start3A_28 = tpu.memref_squeeze %dma_start3A_27 : memref<1x1x1x2x120xi32, #tpu.memory_space<hbm>> -> memref<2x120xi32, #tpu.memory_space<hbm>>
    tpu.enqueue_dma source(%dma_start3A_28 : memref<2x120xi32, #tpu.memory_space<hbm>>) target(%arg8 : memref<2x120xi32, #tpu.memory_space<vmem>>) target_semaphore(%arg14 : memref<!tpu.dma_semaphore, #tpu.memory_space<semaphore_mem>>)
    %dma_wait3A = arith.constant 0 : i32
    %dma_wait3A_29 = arith.constant 0 : i32
    %dma_wait3A_30 = arith.constant 0 : i32
    %dma_wait3A_31 = tpu.memref_slice %arg3[%arg0, %arg1, %dma_wait3A, %dma_wait3A_29, %dma_wait3A_30] : memref<2x16x84x2x120xi32, #tpu.memory_space<hbm>> -> memref<1x1x1x2x120xi32, #tpu.memory_space<hbm>>
    %dma_wait3A_32 = tpu.memref_squeeze %dma_wait3A_31 : memref<1x1x1x2x120xi32, #tpu.memory_space<hbm>> -> memref<2x120xi32, #tpu.memory_space<hbm>>
    %dma_wait3A_33 = arith.constant 0 : i32
    %dma_wait3A_34 = arith.constant 0 : i32
    %dma_wait3A_35 = tpu.memref_slice %arg3[%arg0, %arg1, %dma_wait3A, %dma_wait3A_33, %dma_wait3A_34] : memref<2x16x84x2x120xi32, #tpu.memory_space<hbm>> -> memref<1x1x1x2x120xi32, #tpu.memory_space<hbm>>
    %dma_wait3A_36 = tpu.memref_squeeze %dma_wait3A_35 : memref<1x1x1x2x120xi32, #tpu.memory_space<hbm>> -> memref<2x120xi32, #tpu.memory_space<hbm>>
    tpu.wait_dma2 semaphore(%arg12 : memref<!tpu.dma_semaphore, #tpu.memory_space<semaphore_mem>>) src(%dma_wait3A_36 : memref<2x120xi32, #tpu.memory_space<hbm>>) dst(%arg6 : memref<2x120xi32, #tpu.memory_space<vmem>>)
    %dma_start3A_37 = arith.constant 0 : i32
    %dma_start3A_38 = arith.constant 0 : i32
    %dma_start3A_39 = tpu.memref_slice %arg6[%dma_start3A_37, %dma_start3A_38] : memref<2x120xi32, #tpu.memory_space<vmem>> -> memref<1x120xi32, #tpu.memory_space<vmem>>
    %dma_start3A_40 = tpu.memref_squeeze %dma_start3A_39 : memref<1x120xi32, #tpu.memory_space<vmem>> -> memref<120xi32, #tpu.memory_space<vmem>>
    %dma_start3A_41 = arith.constant 0 : i32
    %dma_start3A_42 = arith.constant 0 : i32
    %dma_start3A_43 = tpu.memref_slice %arg2[%dma_start3A_41, %dma_start3A_42] : memref<10000x128xf32, #tpu.memory_space<hbm>> -> memref<10000x128xf32, #tpu.memory_space<hbm>>
    tpu.enqueue_indirect_dma source(%dma_start3A_43 : memref<10000x128xf32, #tpu.memory_space<hbm>>) target(%arg9 : memref<120x128xf32, #tpu.memory_space<vmem>>) offsets(%dma_start3A_40 : memref<120xi32, #tpu.memory_space<vmem>>) semaphore(%arg15 : memref<!tpu.dma_semaphore, #tpu.memory_space<semaphore_mem>>)
    %dma_wait3A_44 = arith.constant 1 : i32
    %dma_wait3A_45 = arith.constant 0 : i32
    %dma_wait3A_46 = arith.constant 0 : i32
    %dma_wait3A_47 = tpu.memref_slice %arg3[%arg0, %arg1, %dma_wait3A_44, %dma_wait3A_45, %dma_wait3A_46] : memref<2x16x84x2x120xi32, #tpu.memory_space<hbm>> -> memref<1x1x1x2x120xi32, #tpu.memory_space<hbm>>
    %dma_wait3A_48 = tpu.memref_squeeze %dma_wait3A_47 : memref<1x1x1x2x120xi32, #tpu.memory_space<hbm>> -> memref<2x120xi32, #tpu.memory_space<hbm>>
    %dma_wait3A_49 = arith.constant 0 : i32
    %dma_wait3A_50 = arith.constant 0 : i32
    %dma_wait3A_51 = tpu.memref_slice %arg3[%arg0, %arg1, %dma_wait3A_44, %dma_wait3A_49, %dma_wait3A_50] : memref<2x16x84x2x120xi32, #tpu.memory_space<hbm>> -> memref<1x1x1x2x120xi32, #tpu.memory_space<hbm>>
    %dma_wait3A_52 = tpu.memref_squeeze %dma_wait3A_51 : memref<1x1x1x2x120xi32, #tpu.memory_space<hbm>> -> memref<2x120xi32, #tpu.memory_space<hbm>>
    tpu.wait_dma2 semaphore(%arg13 : memref<!tpu.dma_semaphore, #tpu.memory_space<semaphore_mem>>) src(%dma_wait3A_52 : memref<2x120xi32, #tpu.memory_space<hbm>>) dst(%arg7 : memref<2x120xi32, #tpu.memory_space<vmem>>)
    %dma_start3A_53 = arith.constant 0 : i32
    %dma_start3A_54 = arith.constant 0 : i32
    %dma_start3A_55 = tpu.memref_slice %arg7[%dma_start3A_53, %dma_start3A_54] : memref<2x120xi32, #tpu.memory_space<vmem>> -> memref<1x120xi32, #tpu.memory_space<vmem>>
    %dma_start3A_56 = tpu.memref_squeeze %dma_start3A_55 : memref<1x120xi32, #tpu.memory_space<vmem>> -> memref<120xi32, #tpu.memory_space<vmem>>
    %dma_start3A_57 = arith.constant 0 : i32
    %dma_start3A_58 = arith.constant 0 : i32
    %dma_start3A_59 = tpu.memref_slice %arg2[%dma_start3A_57, %dma_start3A_58] : memref<10000x128xf32, #tpu.memory_space<hbm>> -> memref<10000x128xf32, #tpu.memory_space<hbm>>
    tpu.enqueue_indirect_dma source(%dma_start3A_59 : memref<10000x128xf32, #tpu.memory_space<hbm>>) target(%arg10 : memref<120x128xf32, #tpu.memory_space<vmem>>) offsets(%dma_start3A_56 : memref<120xi32, #tpu.memory_space<vmem>>) semaphore(%arg16 : memref<!tpu.dma_semaphore, #tpu.memory_space<semaphore_mem>>)
    %barrier3A = arith.constant 0 : index
    tpu.barrier barrier_id(%barrier3A)
    %scan3A = arith.constant 0 : i32
    %scan3A_60 = arith.constant 0 : i32
    %scan3A_61 = arith.constant 28 : i32
    %scan3A_62 = arith.addi %scan3A_60, %scan3A_61 : i32
    %scan3A_63 = arith.constant 1 : i32
    scf.for %scan3A_70 = %scan3A_60 to %scan3A_62 step %scan3A_63  : i32 {
      %mul3A_71 = arith.constant 3 : i32
      %mul3A_72 = arith.muli %mul3A_71, %scan3A_70 : i32
      %add3A = arith.constant 0 : i32
      %add3A_73 = arith.addi %mul3A_72, %add3A : i32
      %add3A_74 = arith.constant 2 : i32
      %add3A_75 = arith.addi %add3A_73, %add3A_74 : i32
      %lt3A = arith.constant 84 : i32
      %lt3A_76 = arith.cmpi slt, %add3A_75, %lt3A : i32
      %convert_element_type3A = arith.extui %lt3A_76 : i1 to i32
      %cond3A = arith.constant 0 : i32
      %cond3A_77 = arith.cmpi ne, %convert_element_type3A, %cond3A : i32
      scf.if %cond3A_77 {
        %add3A_144 = arith.constant 2 : i32
        %add3A_145 = arith.addi %add3A_73, %add3A_144 : i32
        %dma_wait3A_146 = arith.constant 0 : i32
        %dma_wait3A_147 = arith.constant 0 : i32
        %dma_wait3A_148 = tpu.memref_slice %arg3[%arg0, %arg1, %add3A_145, %dma_wait3A_146, %dma_wait3A_147] : memref<2x16x84x2x120xi32, #tpu.memory_space<hbm>> -> memref<1x1x1x2x120xi32, #tpu.memory_space<hbm>>
        %dma_wait3A_149 = tpu.memref_squeeze %dma_wait3A_148 : memref<1x1x1x2x120xi32, #tpu.memory_space<hbm>> -> memref<2x120xi32, #tpu.memory_space<hbm>>
        %dma_wait3A_150 = arith.constant 0 : i32
        %dma_wait3A_151 = arith.constant 0 : i32
        %dma_wait3A_152 = tpu.memref_slice %arg3[%arg0, %arg1, %add3A_145, %dma_wait3A_150, %dma_wait3A_151] : memref<2x16x84x2x120xi32, #tpu.memory_space<hbm>> -> memref<1x1x1x2x120xi32, #tpu.memory_space<hbm>>
        %dma_wait3A_153 = tpu.memref_squeeze %dma_wait3A_152 : memref<1x1x1x2x120xi32, #tpu.memory_space<hbm>> -> memref<2x120xi32, #tpu.memory_space<hbm>>
        tpu.wait_dma2 semaphore(%arg14 : memref<!tpu.dma_semaphore, #tpu.memory_space<semaphore_mem>>) src(%dma_wait3A_153 : memref<2x120xi32, #tpu.memory_space<hbm>>) dst(%arg8 : memref<2x120xi32, #tpu.memory_space<vmem>>)
        %dma_start3A_154 = arith.constant 0 : i32
        %dma_start3A_155 = arith.constant 0 : i32
        %dma_start3A_156 = tpu.memref_slice %arg8[%dma_start3A_154, %dma_start3A_155] : memref<2x120xi32, #tpu.memory_space<vmem>> -> memref<1x120xi32, #tpu.memory_space<vmem>>
        %dma_start3A_157 = tpu.memref_squeeze %dma_start3A_156 : memref<1x120xi32, #tpu.memory_space<vmem>> -> memref<120xi32, #tpu.memory_space<vmem>>
        %dma_start3A_158 = arith.constant 0 : i32
        %dma_start3A_159 = arith.constant 0 : i32
        %dma_start3A_160 = tpu.memref_slice %arg2[%dma_start3A_158, %dma_start3A_159] : memref<10000x128xf32, #tpu.memory_space<hbm>> -> memref<10000x128xf32, #tpu.memory_space<hbm>>
        tpu.enqueue_indirect_dma source(%dma_start3A_160 : memref<10000x128xf32, #tpu.memory_space<hbm>>) target(%arg11 : memref<120x128xf32, #tpu.memory_space<vmem>>) offsets(%dma_start3A_157 : memref<120xi32, #tpu.memory_space<vmem>>) semaphore(%arg17 : memref<!tpu.dma_semaphore, #tpu.memory_space<semaphore_mem>>)
      } else {
      }
      %dma_wait3A_78 = arith.constant 0 : i32
      %dma_wait3A_79 = arith.constant 0 : i32
      %dma_wait3A_80 = tpu.memref_slice %arg6[%dma_wait3A_78, %dma_wait3A_79] : memref<2x120xi32, #tpu.memory_space<vmem>> -> memref<1x120xi32, #tpu.memory_space<vmem>>
      %dma_wait3A_81 = tpu.memref_squeeze %dma_wait3A_80 : memref<1x120xi32, #tpu.memory_space<vmem>> -> memref<120xi32, #tpu.memory_space<vmem>>
      %dma_wait3A_82 = arith.constant 0 : i32
      %dma_wait3A_83 = arith.constant 0 : i32
      %dma_wait3A_84 = tpu.memref_slice %arg2[%dma_wait3A_82, %dma_wait3A_83] : memref<10000x128xf32, #tpu.memory_space<hbm>> -> memref<10000x128xf32, #tpu.memory_space<hbm>>
      tpu.wait_indirect_dma semaphore(%arg15 : memref<!tpu.dma_semaphore, #tpu.memory_space<semaphore_mem>>) src(%dma_wait3A_84 : memref<10000x128xf32, #tpu.memory_space<hbm>>) dst(%arg9 : memref<120x128xf32, #tpu.memory_space<vmem>>)
      %run_scoped3A = arith.constant 1 : i32
      "tpu.region"() ({
        %run_scoped3A_144 = tpu.sem_alloc : memref<!tpu.dma_semaphore, #tpu.memory_space<semaphore_mem>>
        %dma_start3A_145 = arith.constant 0 : i32
        %dma_start3A_146 = tpu.memref_slice %arg6[%run_scoped3A, %dma_start3A_145] : memref<2x120xi32, #tpu.memory_space<vmem>> -> memref<1x120xi32, #tpu.memory_space<vmem>>
        %dma_start3A_147 = tpu.memref_squeeze %dma_start3A_146 : memref<1x120xi32, #tpu.memory_space<vmem>> -> memref<120xi32, #tpu.memory_space<vmem>>
        %dma_start3A_148 = arith.constant 0 : i32
        %dma_start3A_149 = arith.constant 0 : i32
        %dma_start3A_150 = tpu.memref_slice %arg18[%dma_start3A_148, %dma_start3A_149] : memref<10240x128xf32, #tpu.memory_space<vmem_shared>> -> memref<10240x128xf32, #tpu.memory_space<vmem_shared>>
        tpu.enqueue_indirect_dma source(%arg9 : memref<120x128xf32, #tpu.memory_space<vmem>>) target(%dma_start3A_150 : memref<10240x128xf32, #tpu.memory_space<vmem_shared>>) offsets(%dma_start3A_147 : memref<120xi32, #tpu.memory_space<vmem>>) semaphore(%run_scoped3A_144 : memref<!tpu.dma_semaphore, #tpu.memory_space<semaphore_mem>>) {add = true}
        %dma_wait3A_151 = arith.constant 0 : i32
        %dma_wait3A_152 = tpu.memref_slice %arg6[%run_scoped3A, %dma_wait3A_151] : memref<2x120xi32, #tpu.memory_space<vmem>> -> memref<1x120xi32, #tpu.memory_space<vmem>>
        %dma_wait3A_153 = tpu.memref_squeeze %dma_wait3A_152 : memref<1x120xi32, #tpu.memory_space<vmem>> -> memref<120xi32, #tpu.memory_space<vmem>>
        %dma_wait3A_154 = arith.constant 0 : i32
        %dma_wait3A_155 = arith.constant 0 : i32
        %dma_wait3A_156 = tpu.memref_slice %arg18[%dma_wait3A_154, %dma_wait3A_155] : memref<10240x128xf32, #tpu.memory_space<vmem_shared>> -> memref<10240x128xf32, #tpu.memory_space<vmem_shared>>
        tpu.wait_indirect_dma semaphore(%run_scoped3A_144 : memref<!tpu.dma_semaphore, #tpu.memory_space<semaphore_mem>>) src(%arg9 : memref<120x128xf32, #tpu.memory_space<vmem>>) dst(%dma_wait3A_156 : memref<10240x128xf32, #tpu.memory_space<vmem_shared>>)
        tpu.yield
      }) : () -> ()
      %add3A_85 = arith.constant 3 : i32
      %add3A_86 = arith.addi %add3A_73, %add3A_85 : i32
      %lt3A_87 = arith.constant 84 : i32
      %lt3A_88 = arith.cmpi slt, %add3A_86, %lt3A_87 : i32
      %convert_element_type3A_89 = arith.extui %lt3A_88 : i1 to i32
      %cond3A_90 = arith.constant 0 : i32
      %cond3A_91 = arith.cmpi ne, %convert_element_type3A_89, %cond3A_90 : i32
      scf.if %cond3A_91 {
        %add3A_144 = arith.constant 3 : i32
        %add3A_145 = arith.addi %add3A_73, %add3A_144 : i32
        %dma_start3A_146 = arith.constant 0 : i32
        %dma_start3A_147 = arith.constant 0 : i32
        %dma_start3A_148 = tpu.memref_slice %arg3[%arg0, %arg1, %add3A_145, %dma_start3A_146, %dma_start3A_147] : memref<2x16x84x2x120xi32, #tpu.memory_space<hbm>> -> memref<1x1x1x2x120xi32, #tpu.memory_space<hbm>>
        %dma_start3A_149 = tpu.memref_squeeze %dma_start3A_148 : memref<1x1x1x2x120xi32, #tpu.memory_space<hbm>> -> memref<2x120xi32, #tpu.memory_space<hbm>>
        %dma_start3A_150 = arith.constant 0 : i32
        %dma_start3A_151 = arith.constant 0 : i32
        %dma_start3A_152 = tpu.memref_slice %arg3[%arg0, %arg1, %add3A_145, %dma_start3A_150, %dma_start3A_151] : memref<2x16x84x2x120xi32, #tpu.memory_space<hbm>> -> memref<1x1x1x2x120xi32, #tpu.memory_space<hbm>>
        %dma_start3A_153 = tpu.memref_squeeze %dma_start3A_152 : memref<1x1x1x2x120xi32, #tpu.memory_space<hbm>> -> memref<2x120xi32, #tpu.memory_space<hbm>>
        tpu.enqueue_dma source(%dma_start3A_153 : memref<2x120xi32, #tpu.memory_space<hbm>>) target(%arg6 : memref<2x120xi32, #tpu.memory_space<vmem>>) target_semaphore(%arg12 : memref<!tpu.dma_semaphore, #tpu.memory_space<semaphore_mem>>)
      } else {
      }
      %mul3A_92 = arith.constant 3 : i32
      %mul3A_93 = arith.muli %mul3A_92, %scan3A_70 : i32
      %add3A_94 = arith.constant 1 : i32
      %add3A_95 = arith.addi %mul3A_93, %add3A_94 : i32
      %add3A_96 = arith.constant 2 : i32
      %add3A_97 = arith.addi %add3A_95, %add3A_96 : i32
      %lt3A_98 = arith.constant 84 : i32
      %lt3A_99 = arith.cmpi slt, %add3A_97, %lt3A_98 : i32
      %convert_element_type3A_100 = arith.extui %lt3A_99 : i1 to i32
      %cond3A_101 = arith.constant 0 : i32
      %cond3A_102 = arith.cmpi ne, %convert_element_type3A_100, %cond3A_101 : i32
      scf.if %cond3A_102 {
        %add3A_144 = arith.constant 2 : i32
        %add3A_145 = arith.addi %add3A_95, %add3A_144 : i32
        %dma_wait3A_146 = arith.constant 0 : i32
        %dma_wait3A_147 = arith.constant 0 : i32
        %dma_wait3A_148 = tpu.memref_slice %arg3[%arg0, %arg1, %add3A_145, %dma_wait3A_146, %dma_wait3A_147] : memref<2x16x84x2x120xi32, #tpu.memory_space<hbm>> -> memref<1x1x1x2x120xi32, #tpu.memory_space<hbm>>
        %dma_wait3A_149 = tpu.memref_squeeze %dma_wait3A_148 : memref<1x1x1x2x120xi32, #tpu.memory_space<hbm>> -> memref<2x120xi32, #tpu.memory_space<hbm>>
        %dma_wait3A_150 = arith.constant 0 : i32
        %dma_wait3A_151 = arith.constant 0 : i32
        %dma_wait3A_152 = tpu.memref_slice %arg3[%arg0, %arg1, %add3A_145, %dma_wait3A_150, %dma_wait3A_151] : memref<2x16x84x2x120xi32, #tpu.memory_space<hbm>> -> memref<1x1x1x2x120xi32, #tpu.memory_space<hbm>>
        %dma_wait3A_153 = tpu.memref_squeeze %dma_wait3A_152 : memref<1x1x1x2x120xi32, #tpu.memory_space<hbm>> -> memref<2x120xi32, #tpu.memory_space<hbm>>
        tpu.wait_dma2 semaphore(%arg12 : memref<!tpu.dma_semaphore, #tpu.memory_space<semaphore_mem>>) src(%dma_wait3A_153 : memref<2x120xi32, #tpu.memory_space<hbm>>) dst(%arg6 : memref<2x120xi32, #tpu.memory_space<vmem>>)
        %dma_start3A_154 = arith.constant 0 : i32
        %dma_start3A_155 = arith.constant 0 : i32
        %dma_start3A_156 = tpu.memref_slice %arg6[%dma_start3A_154, %dma_start3A_155] : memref<2x120xi32, #tpu.memory_space<vmem>> -> memref<1x120xi32, #tpu.memory_space<vmem>>
        %dma_start3A_157 = tpu.memref_squeeze %dma_start3A_156 : memref<1x120xi32, #tpu.memory_space<vmem>> -> memref<120xi32, #tpu.memory_space<vmem>>
        %dma_start3A_158 = arith.constant 0 : i32
        %dma_start3A_159 = arith.constant 0 : i32
        %dma_start3A_160 = tpu.memref_slice %arg2[%dma_start3A_158, %dma_start3A_159] : memref<10000x128xf32, #tpu.memory_space<hbm>> -> memref<10000x128xf32, #tpu.memory_space<hbm>>
        tpu.enqueue_indirect_dma source(%dma_start3A_160 : memref<10000x128xf32, #tpu.memory_space<hbm>>) target(%arg9 : memref<120x128xf32, #tpu.memory_space<vmem>>) offsets(%dma_start3A_157 : memref<120xi32, #tpu.memory_space<vmem>>) semaphore(%arg15 : memref<!tpu.dma_semaphore, #tpu.memory_space<semaphore_mem>>)
      } else {
      }
      %dma_wait3A_103 = arith.constant 0 : i32
      %dma_wait3A_104 = arith.constant 0 : i32
      %dma_wait3A_105 = tpu.memref_slice %arg7[%dma_wait3A_103, %dma_wait3A_104] : memref<2x120xi32, #tpu.memory_space<vmem>> -> memref<1x120xi32, #tpu.memory_space<vmem>>
      %dma_wait3A_106 = tpu.memref_squeeze %dma_wait3A_105 : memref<1x120xi32, #tpu.memory_space<vmem>> -> memref<120xi32, #tpu.memory_space<vmem>>
      %dma_wait3A_107 = arith.constant 0 : i32
      %dma_wait3A_108 = arith.constant 0 : i32
      %dma_wait3A_109 = tpu.memref_slice %arg2[%dma_wait3A_107, %dma_wait3A_108] : memref<10000x128xf32, #tpu.memory_space<hbm>> -> memref<10000x128xf32, #tpu.memory_space<hbm>>
      tpu.wait_indirect_dma semaphore(%arg16 : memref<!tpu.dma_semaphore, #tpu.memory_space<semaphore_mem>>) src(%dma_wait3A_109 : memref<10000x128xf32, #tpu.memory_space<hbm>>) dst(%arg10 : memref<120x128xf32, #tpu.memory_space<vmem>>)
      %run_scoped3A_110 = arith.constant 1 : i32
      "tpu.region"() ({
        %run_scoped3A_144 = tpu.sem_alloc : memref<!tpu.dma_semaphore, #tpu.memory_space<semaphore_mem>>
        %dma_start3A_145 = arith.constant 0 : i32
        %dma_start3A_146 = tpu.memref_slice %arg7[%run_scoped3A_110, %dma_start3A_145] : memref<2x120xi32, #tpu.memory_space<vmem>> -> memref<1x120xi32, #tpu.memory_space<vmem>>
        %dma_start3A_147 = tpu.memref_squeeze %dma_start3A_146 : memref<1x120xi32, #tpu.memory_space<vmem>> -> memref<120xi32, #tpu.memory_space<vmem>>
        %dma_start3A_148 = arith.constant 0 : i32
        %dma_start3A_149 = arith.constant 0 : i32
        %dma_start3A_150 = tpu.memref_slice %arg18[%dma_start3A_148, %dma_start3A_149] : memref<10240x128xf32, #tpu.memory_space<vmem_shared>> -> memref<10240x128xf32, #tpu.memory_space<vmem_shared>>
        tpu.enqueue_indirect_dma source(%arg10 : memref<120x128xf32, #tpu.memory_space<vmem>>) target(%dma_start3A_150 : memref<10240x128xf32, #tpu.memory_space<vmem_shared>>) offsets(%dma_start3A_147 : memref<120xi32, #tpu.memory_space<vmem>>) semaphore(%run_scoped3A_144 : memref<!tpu.dma_semaphore, #tpu.memory_space<semaphore_mem>>) {add = true}
        %dma_wait3A_151 = arith.constant 0 : i32
        %dma_wait3A_152 = tpu.memref_slice %arg7[%run_scoped3A_110, %dma_wait3A_151] : memref<2x120xi32, #tpu.memory_space<vmem>> -> memref<1x120xi32, #tpu.memory_space<vmem>>
        %dma_wait3A_153 = tpu.memref_squeeze %dma_wait3A_152 : memref<1x120xi32, #tpu.memory_space<vmem>> -> memref<120xi32, #tpu.memory_space<vmem>>
        %dma_wait3A_154 = arith.constant 0 : i32
        %dma_wait3A_155 = arith.constant 0 : i32
        %dma_wait3A_156 = tpu.memref_slice %arg18[%dma_wait3A_154, %dma_wait3A_155] : memref<10240x128xf32, #tpu.memory_space<vmem_shared>> -> memref<10240x128xf32, #tpu.memory_space<vmem_shared>>
        tpu.wait_indirect_dma semaphore(%run_scoped3A_144 : memref<!tpu.dma_semaphore, #tpu.memory_space<semaphore_mem>>) src(%arg10 : memref<120x128xf32, #tpu.memory_space<vmem>>) dst(%dma_wait3A_156 : memref<10240x128xf32, #tpu.memory_space<vmem_shared>>)
        tpu.yield
      }) : () -> ()
      %add3A_111 = arith.constant 3 : i32
      %add3A_112 = arith.addi %add3A_95, %add3A_111 : i32
      %lt3A_113 = arith.constant 84 : i32
      %lt3A_114 = arith.cmpi slt, %add3A_112, %lt3A_113 : i32
      %convert_element_type3A_115 = arith.extui %lt3A_114 : i1 to i32
      %cond3A_116 = arith.constant 0 : i32
      %cond3A_117 = arith.cmpi ne, %convert_element_type3A_115, %cond3A_116 : i32
      scf.if %cond3A_117 {
        %add3A_144 = arith.constant 3 : i32
        %add3A_145 = arith.addi %add3A_95, %add3A_144 : i32
        %dma_start3A_146 = arith.constant 0 : i32
        %dma_start3A_147 = arith.constant 0 : i32
        %dma_start3A_148 = tpu.memref_slice %arg3[%arg0, %arg1, %add3A_145, %dma_start3A_146, %dma_start3A_147] : memref<2x16x84x2x120xi32, #tpu.memory_space<hbm>> -> memref<1x1x1x2x120xi32, #tpu.memory_space<hbm>>
        %dma_start3A_149 = tpu.memref_squeeze %dma_start3A_148 : memref<1x1x1x2x120xi32, #tpu.memory_space<hbm>> -> memref<2x120xi32, #tpu.memory_space<hbm>>
        %dma_start3A_150 = arith.constant 0 : i32
        %dma_start3A_151 = arith.constant 0 : i32
        %dma_start3A_152 = tpu.memref_slice %arg3[%arg0, %arg1, %add3A_145, %dma_start3A_150, %dma_start3A_151] : memref<2x16x84x2x120xi32, #tpu.memory_space<hbm>> -> memref<1x1x1x2x120xi32, #tpu.memory_space<hbm>>
        %dma_start3A_153 = tpu.memref_squeeze %dma_start3A_152 : memref<1x1x1x2x120xi32, #tpu.memory_space<hbm>> -> memref<2x120xi32, #tpu.memory_space<hbm>>
        tpu.enqueue_dma source(%dma_start3A_153 : memref<2x120xi32, #tpu.memory_space<hbm>>) target(%arg7 : memref<2x120xi32, #tpu.memory_space<vmem>>) target_semaphore(%arg13 : memref<!tpu.dma_semaphore, #tpu.memory_space<semaphore_mem>>)
      } else {
      }
      %mul3A_118 = arith.constant 3 : i32
      %mul3A_119 = arith.muli %mul3A_118, %scan3A_70 : i32
      %add3A_120 = arith.constant 2 : i32
      %add3A_121 = arith.addi %mul3A_119, %add3A_120 : i32
      %add3A_122 = arith.constant 2 : i32
      %add3A_123 = arith.addi %add3A_121, %add3A_122 : i32
      %lt3A_124 = arith.constant 84 : i32
      %lt3A_125 = arith.cmpi slt, %add3A_123, %lt3A_124 : i32
      %convert_element_type3A_126 = arith.extui %lt3A_125 : i1 to i32
      %cond3A_127 = arith.constant 0 : i32
      %cond3A_128 = arith.cmpi ne, %convert_element_type3A_126, %cond3A_127 : i32
      scf.if %cond3A_128 {
        %add3A_144 = arith.constant 2 : i32
        %add3A_145 = arith.addi %add3A_121, %add3A_144 : i32
        %dma_wait3A_146 = arith.constant 0 : i32
        %dma_wait3A_147 = arith.constant 0 : i32
        %dma_wait3A_148 = tpu.memref_slice %arg3[%arg0, %arg1, %add3A_145, %dma_wait3A_146, %dma_wait3A_147] : memref<2x16x84x2x120xi32, #tpu.memory_space<hbm>> -> memref<1x1x1x2x120xi32, #tpu.memory_space<hbm>>
        %dma_wait3A_149 = tpu.memref_squeeze %dma_wait3A_148 : memref<1x1x1x2x120xi32, #tpu.memory_space<hbm>> -> memref<2x120xi32, #tpu.memory_space<hbm>>
        %dma_wait3A_150 = arith.constant 0 : i32
        %dma_wait3A_151 = arith.constant 0 : i32
        %dma_wait3A_152 = tpu.memref_slice %arg3[%arg0, %arg1, %add3A_145, %dma_wait3A_150, %dma_wait3A_151] : memref<2x16x84x2x120xi32, #tpu.memory_space<hbm>> -> memref<1x1x1x2x120xi32, #tpu.memory_space<hbm>>
        %dma_wait3A_153 = tpu.memref_squeeze %dma_wait3A_152 : memref<1x1x1x2x120xi32, #tpu.memory_space<hbm>> -> memref<2x120xi32, #tpu.memory_space<hbm>>
        tpu.wait_dma2 semaphore(%arg13 : memref<!tpu.dma_semaphore, #tpu.memory_space<semaphore_mem>>) src(%dma_wait3A_153 : memref<2x120xi32, #tpu.memory_space<hbm>>) dst(%arg7 : memref<2x120xi32, #tpu.memory_space<vmem>>)
        %dma_start3A_154 = arith.constant 0 : i32
        %dma_start3A_155 = arith.constant 0 : i32
        %dma_start3A_156 = tpu.memref_slice %arg7[%dma_start3A_154, %dma_start3A_155] : memref<2x120xi32, #tpu.memory_space<vmem>> -> memref<1x120xi32, #tpu.memory_space<vmem>>
        %dma_start3A_157 = tpu.memref_squeeze %dma_start3A_156 : memref<1x120xi32, #tpu.memory_space<vmem>> -> memref<120xi32, #tpu.memory_space<vmem>>
        %dma_start3A_158 = arith.constant 0 : i32
        %dma_start3A_159 = arith.constant 0 : i32
        %dma_start3A_160 = tpu.memref_slice %arg2[%dma_start3A_158, %dma_start3A_159] : memref<10000x128xf32, #tpu.memory_space<hbm>> -> memref<10000x128xf32, #tpu.memory_space<hbm>>
        tpu.enqueue_indirect_dma source(%dma_start3A_160 : memref<10000x128xf32, #tpu.memory_space<hbm>>) target(%arg10 : memref<120x128xf32, #tpu.memory_space<vmem>>) offsets(%dma_start3A_157 : memref<120xi32, #tpu.memory_space<vmem>>) semaphore(%arg16 : memref<!tpu.dma_semaphore, #tpu.memory_space<semaphore_mem>>)
      } else {
      }
      %dma_wait3A_129 = arith.constant 0 : i32
      %dma_wait3A_130 = arith.constant 0 : i32
      %dma_wait3A_131 = tpu.memref_slice %arg8[%dma_wait3A_129, %dma_wait3A_130] : memref<2x120xi32, #tpu.memory_space<vmem>> -> memref<1x120xi32, #tpu.memory_space<vmem>>
      %dma_wait3A_132 = tpu.memref_squeeze %dma_wait3A_131 : memref<1x120xi32, #tpu.memory_space<vmem>> -> memref<120xi32, #tpu.memory_space<vmem>>
      %dma_wait3A_133 = arith.constant 0 : i32
      %dma_wait3A_134 = arith.constant 0 : i32
      %dma_wait3A_135 = tpu.memref_slice %arg2[%dma_wait3A_133, %dma_wait3A_134] : memref<10000x128xf32, #tpu.memory_space<hbm>> -> memref<10000x128xf32, #tpu.memory_space<hbm>>
      tpu.wait_indirect_dma semaphore(%arg17 : memref<!tpu.dma_semaphore, #tpu.memory_space<semaphore_mem>>) src(%dma_wait3A_135 : memref<10000x128xf32, #tpu.memory_space<hbm>>) dst(%arg11 : memref<120x128xf32, #tpu.memory_space<vmem>>)
      %run_scoped3A_136 = arith.constant 1 : i32
      "tpu.region"() ({
        %run_scoped3A_144 = tpu.sem_alloc : memref<!tpu.dma_semaphore, #tpu.memory_space<semaphore_mem>>
        %dma_start3A_145 = arith.constant 0 : i32
        %dma_start3A_146 = tpu.memref_slice %arg8[%run_scoped3A_136, %dma_start3A_145] : memref<2x120xi32, #tpu.memory_space<vmem>> -> memref<1x120xi32, #tpu.memory_space<vmem>>
        %dma_start3A_147 = tpu.memref_squeeze %dma_start3A_146 : memref<1x120xi32, #tpu.memory_space<vmem>> -> memref<120xi32, #tpu.memory_space<vmem>>
        %dma_start3A_148 = arith.constant 0 : i32
        %dma_start3A_149 = arith.constant 0 : i32
        %dma_start3A_150 = tpu.memref_slice %arg18[%dma_start3A_148, %dma_start3A_149] : memref<10240x128xf32, #tpu.memory_space<vmem_shared>> -> memref<10240x128xf32, #tpu.memory_space<vmem_shared>>
        tpu.enqueue_indirect_dma source(%arg11 : memref<120x128xf32, #tpu.memory_space<vmem>>) target(%dma_start3A_150 : memref<10240x128xf32, #tpu.memory_space<vmem_shared>>) offsets(%dma_start3A_147 : memref<120xi32, #tpu.memory_space<vmem>>) semaphore(%run_scoped3A_144 : memref<!tpu.dma_semaphore, #tpu.memory_space<semaphore_mem>>) {add = true}
        %dma_wait3A_151 = arith.constant 0 : i32
        %dma_wait3A_152 = tpu.memref_slice %arg8[%run_scoped3A_136, %dma_wait3A_151] : memref<2x120xi32, #tpu.memory_space<vmem>> -> memref<1x120xi32, #tpu.memory_space<vmem>>
        %dma_wait3A_153 = tpu.memref_squeeze %dma_wait3A_152 : memref<1x120xi32, #tpu.memory_space<vmem>> -> memref<120xi32, #tpu.memory_space<vmem>>
        %dma_wait3A_154 = arith.constant 0 : i32
        %dma_wait3A_155 = arith.constant 0 : i32
        %dma_wait3A_156 = tpu.memref_slice %arg18[%dma_wait3A_154, %dma_wait3A_155] : memref<10240x128xf32, #tpu.memory_space<vmem_shared>> -> memref<10240x128xf32, #tpu.memory_space<vmem_shared>>
        tpu.wait_indirect_dma semaphore(%run_scoped3A_144 : memref<!tpu.dma_semaphore, #tpu.memory_space<semaphore_mem>>) src(%arg11 : memref<120x128xf32, #tpu.memory_space<vmem>>) dst(%dma_wait3A_156 : memref<10240x128xf32, #tpu.memory_space<vmem_shared>>)
        tpu.yield
      }) : () -> ()
      %add3A_137 = arith.constant 3 : i32
      %add3A_138 = arith.addi %add3A_121, %add3A_137 : i32
      %lt3A_139 = arith.constant 84 : i32
      %lt3A_140 = arith.cmpi slt, %add3A_138, %lt3A_139 : i32
      %convert_element_type3A_141 = arith.extui %lt3A_140 : i1 to i32
      %cond3A_142 = arith.constant 0 : i32
      %cond3A_143 = arith.cmpi ne, %convert_element_type3A_141, %cond3A_142 : i32
      scf.if %cond3A_143 {
        %add3A_144 = arith.constant 3 : i32
        %add3A_145 = arith.addi %add3A_121, %add3A_144 : i32
        %dma_start3A_146 = arith.constant 0 : i32
        %dma_start3A_147 = arith.constant 0 : i32
        %dma_start3A_148 = tpu.memref_slice %arg3[%arg0, %arg1, %add3A_145, %dma_start3A_146, %dma_start3A_147] : memref<2x16x84x2x120xi32, #tpu.memory_space<hbm>> -> memref<1x1x1x2x120xi32, #tpu.memory_space<hbm>>
        %dma_start3A_149 = tpu.memref_squeeze %dma_start3A_148 : memref<1x1x1x2x120xi32, #tpu.memory_space<hbm>> -> memref<2x120xi32, #tpu.memory_space<hbm>>
        %dma_start3A_150 = arith.constant 0 : i32
        %dma_start3A_151 = arith.constant 0 : i32
        %dma_start3A_152 = tpu.memref_slice %arg3[%arg0, %arg1, %add3A_145, %dma_start3A_150, %dma_start3A_151] : memref<2x16x84x2x120xi32, #tpu.memory_space<hbm>> -> memref<1x1x1x2x120xi32, #tpu.memory_space<hbm>>
        %dma_start3A_153 = tpu.memref_squeeze %dma_start3A_152 : memref<1x1x1x2x120xi32, #tpu.memory_space<hbm>> -> memref<2x120xi32, #tpu.memory_space<hbm>>
        tpu.enqueue_dma source(%dma_start3A_153 : memref<2x120xi32, #tpu.memory_space<hbm>>) target(%arg8 : memref<2x120xi32, #tpu.memory_space<vmem>>) target_semaphore(%arg14 : memref<!tpu.dma_semaphore, #tpu.memory_space<semaphore_mem>>)
      } else {
      }
    }
    %scan3A_64 = arith.constant 28 : i32
    %barrier3A_65 = arith.constant 0 : index
    tpu.barrier barrier_id(%barrier3A_65)
    %mul3A_66 = arith.constant 640 : i32
    %mul3A_67 = arith.muli %arg1, %mul3A_66 : i32
    %mul3A_68 = arith.constant 640 : i32
    %mul3A_69 = arith.muli %arg1, %mul3A_68 : i32
    "tpu.region"() ({
      %run_scoped3A = tpu.sem_alloc : memref<!tpu.dma_semaphore, #tpu.memory_space<semaphore_mem>>
      %dma_start3A_70 = arith.constant 0 : i32
      %dma_start3A_71 = tpu.memref_slice %arg5[%arg0, %mul3A_69, %dma_start3A_70] : memref<2x10240x128xf32, #tpu.memory_space<hbm>> -> memref<1x640x128xf32, #tpu.memory_space<hbm>>
      %dma_start3A_72 = tpu.memref_squeeze %dma_start3A_71 : memref<1x640x128xf32, #tpu.memory_space<hbm>> -> memref<640x128xf32, #tpu.memory_space<hbm>>
      %dma_start3A_73 = arith.constant 0 : i32
      %dma_start3A_74 = tpu.memref_slice %arg18[%mul3A_67, %dma_start3A_73] : memref<10240x128xf32, #tpu.memory_space<vmem_shared>> -> memref<640x128xf32, #tpu.memory_space<vmem_shared>>
      tpu.enqueue_dma source(%dma_start3A_74 : memref<640x128xf32, #tpu.memory_space<vmem_shared>>) target(%dma_start3A_72 : memref<640x128xf32, #tpu.memory_space<hbm>>) target_semaphore(%run_scoped3A : memref<!tpu.dma_semaphore, #tpu.memory_space<semaphore_mem>>)
      %dma_wait3A_75 = arith.constant 0 : i32
      %dma_wait3A_76 = tpu.memref_slice %arg5[%arg0, %mul3A_69, %dma_wait3A_75] : memref<2x10240x128xf32, #tpu.memory_space<hbm>> -> memref<1x640x128xf32, #tpu.memory_space<hbm>>
      %dma_wait3A_77 = tpu.memref_squeeze %dma_wait3A_76 : memref<1x640x128xf32, #tpu.memory_space<hbm>> -> memref<640x128xf32, #tpu.memory_space<hbm>>
      %dma_wait3A_78 = arith.constant 0 : i32
      %dma_wait3A_79 = tpu.memref_slice %arg18[%mul3A_67, %dma_wait3A_78] : memref<10240x128xf32, #tpu.memory_space<vmem_shared>> -> memref<640x128xf32, #tpu.memory_space<vmem_shared>>
      tpu.wait_dma2 semaphore(%run_scoped3A : memref<!tpu.dma_semaphore, #tpu.memory_space<semaphore_mem>>) src(%dma_wait3A_79 : memref<640x128xf32, #tpu.memory_space<vmem_shared>>) dst(%dma_wait3A_77 : memref<640x128xf32, #tpu.memory_space<hbm>>)
      tpu.yield
    }) : () -> ()
    return
  }
}

module attributes {stable_mosaic.version = 14 : i64} {
  func.func @_mm1_body(%arg0: i32, %arg1: memref<2x1000x128xf32, #tpu.memory_space<vmem>>, %arg2: memref<1000x128xf32, #tpu.memory_space<vmem>>, %arg3: memref<128x128xf32, #tpu.memory_space<vmem>>, %arg4: memref<1000x128xf32, #tpu.memory_space<vmem>>) attributes {dimension_semantics = [#tpu.dimension_semantics<arbitrary>], iteration_bounds = array<i64: 10>, scalar_prefetch = 0 : i64, scratch_operands = 0 : i64, tpu.core_type = #tpu.core_type<tc>, window_params = [{transform_indices = @transform_0, window_bounds = array<i64: 2, 1000, 128>}, {transform_indices = @transform_1, window_bounds = array<i64: 1000, 128>}, {pipeline_mode = #tpu.pipeline_mode<synchronous>, transform_indices = @transform_2, window_bounds = array<i64: 128, 128>}, {transform_indices = @transform_3, window_bounds = array<i64: 1000, 128>}]} {
    %get3A = arith.constant 0 : index
    %get3A_0 = arith.constant 0 : index
    %get3A_1 = vector.load %arg2[%get3A, %get3A_0] : memref<1000x128xf32, #tpu.memory_space<vmem>>, vector<1000x128xf32>
    %get3A_2 = arith.constant 0 : index
    %get3A_3 = arith.constant 0 : index
    %get3A_4 = vector.load %arg3[%get3A_2, %get3A_3] : memref<128x128xf32, #tpu.memory_space<vmem>>, vector<128x128xf32>
    %dot_general3A = arith.constant dense<0.000000e+00> : vector<1000x128xf32>
    %dot_general3A_5 = tpu.matmul %get3A_1, %get3A_4, %dot_general3A {dimension_numbers = #tpu.dot_dimension_numbers<[1], [0], [0], [1], [0, 0, 1, 1], [], []>, transpose_lhs_hint = false} : vector<1000x128xf32>, vector<128x128xf32>, vector<1000x128xf32> -> vector<1000x128xf32>
    %get3A_6 = arith.constant 0 : index
    %get3A_7 = arith.constant 0 : index
    %get3A_8 = arith.constant 0 : index
    %get3A_9 = vector.load %arg1[%get3A_6, %get3A_7, %get3A_8] : memref<2x1000x128xf32, #tpu.memory_space<vmem>>, vector<1x1000x1xf32>
    %get3A_10 = vector.shape_cast %get3A_9 : vector<1x1000x1xf32> to vector<1000xf32>
    %get3A_11 = arith.constant 1 : index
    %get3A_12 = arith.constant 0 : index
    %get3A_13 = arith.constant 0 : index
    %get3A_14 = vector.load %arg1[%get3A_11, %get3A_12, %get3A_13] : memref<2x1000x128xf32, #tpu.memory_space<vmem>>, vector<1x1000x1xf32>
    %get3A_15 = vector.shape_cast %get3A_14 : vector<1x1000x1xf32> to vector<1000xf32>
    %add3A = arith.addf %get3A_10, %get3A_15 : vector<1000xf32>
    %add3A_16 = arith.constant 1.000000e+00 : f32
    %add3A_17 = vector.broadcast %add3A_16 : f32 to vector<1000xf32>
    %add3A_18 = arith.addf %add3A, %add3A_17 : vector<1000xf32>
    %rsqrt3A = math.rsqrt %add3A_18 : vector<1000xf32>
    %broadcast_in_dim3A = vector.shape_cast %rsqrt3A : vector<1000xf32> to vector<1000x1xf32>
    %mul3A = vector.broadcast %broadcast_in_dim3A : vector<1000x1xf32> to vector<1000x128xf32>
    %mul3A_19 = arith.mulf %mul3A, %dot_general3A_5 : vector<1000x128xf32>
    %swap3A = arith.constant 0 : index
    %swap3A_20 = arith.constant 0 : index
    %swap3A_21 = vector.load %arg4[%swap3A, %swap3A_20] : memref<1000x128xf32, #tpu.memory_space<vmem>>, vector<1000x128xf32>
    tpu.vector_store %arg4[%swap3A, %swap3A_20], %mul3A_19 {strides = array<i32>} : memref<1000x128xf32, #tpu.memory_space<vmem>>, vector<1000x128xf32>,
    return
  }
  func.func @transform_0(%arg0: i32) -> (i32, i32, i32) {
    %c0_i32 = arith.constant 0 : i32
    %c0_i32_0 = arith.constant 0 : i32
    %c0_i32_1 = arith.constant 0 : i32
    return %c0_i32, %arg0, %c0_i32_0 : i32, i32, i32
  }
  func.func @transform_1(%arg0: i32) -> (i32, i32) {
    %c0_i32 = arith.constant 0 : i32
    %c0_i32_0 = arith.constant 0 : i32
    return %arg0, %c0_i32 : i32, i32
  }
  func.func @transform_2(%arg0: i32) -> (i32, i32) {
    %c0_i32 = arith.constant 0 : i32
    %c0_i32_0 = arith.constant 0 : i32
    %c0_i32_1 = arith.constant 0 : i32
    return %c0_i32, %c0_i32_0 : i32, i32
  }
  func.func @transform_3(%arg0: i32) -> (i32, i32) {
    %c0_i32 = arith.constant 0 : i32
    %c0_i32_0 = arith.constant 0 : i32
    return %arg0, %c0_i32 : i32, i32
  }
}

module attributes {stable_mosaic.version = 14 : i64} {
  func.func @_mmn_body(%arg0: i32, %arg1: memref<2x1000x128xf32, #tpu.memory_space<vmem>>, %arg2: memref<2x1000x128xf32, #tpu.memory_space<vmem>>, %arg3: memref<1000x128xf32, #tpu.memory_space<vmem>>, %arg4: memref<128x128xf32, #tpu.memory_space<vmem>>, %arg5: memref<1x128xf32, #tpu.memory_space<vmem>>, %arg6: memref<1000x128xf32, #tpu.memory_space<vmem>>) attributes {dimension_semantics = [#tpu.dimension_semantics<arbitrary>], iteration_bounds = array<i64: 10>, scalar_prefetch = 0 : i64, scratch_operands = 0 : i64, tpu.core_type = #tpu.core_type<tc>, window_params = [{transform_indices = @transform_0, window_bounds = array<i64: 2, 1000, 128>}, {transform_indices = @transform_1, window_bounds = array<i64: 2, 1000, 128>}, {transform_indices = @transform_2, window_bounds = array<i64: 1000, 128>}, {pipeline_mode = #tpu.pipeline_mode<synchronous>, transform_indices = @transform_3, window_bounds = array<i64: 128, 128>}, {pipeline_mode = #tpu.pipeline_mode<synchronous>, transform_indices = @transform_4, window_bounds = array<i64: 1, 128>}, {transform_indices = @transform_5, window_bounds = array<i64: 1000, 128>}]} {
    %get3A = arith.constant 0 : index
    %get3A_0 = arith.constant 0 : index
    %get3A_1 = arith.constant 0 : index
    %get3A_2 = vector.load %arg1[%get3A, %get3A_0, %get3A_1] : memref<2x1000x128xf32, #tpu.memory_space<vmem>>, vector<1x1000x1xf32>
    %get3A_3 = vector.shape_cast %get3A_2 : vector<1x1000x1xf32> to vector<1000xf32>
    %get3A_4 = arith.constant 1 : index
    %get3A_5 = arith.constant 0 : index
    %get3A_6 = arith.constant 0 : index
    %get3A_7 = vector.load %arg1[%get3A_4, %get3A_5, %get3A_6] : memref<2x1000x128xf32, #tpu.memory_space<vmem>>, vector<1x1000x1xf32>
    %get3A_8 = vector.shape_cast %get3A_7 : vector<1x1000x1xf32> to vector<1000xf32>
    %add3A = arith.addf %get3A_3, %get3A_8 : vector<1000xf32>
    %add3A_9 = arith.constant 1.000000e+00 : f32
    %add3A_10 = vector.broadcast %add3A_9 : f32 to vector<1000xf32>
    %add3A_11 = arith.addf %add3A, %add3A_10 : vector<1000xf32>
    %rsqrt3A = math.rsqrt %add3A_11 : vector<1000xf32>
    %broadcast_in_dim3A = vector.shape_cast %rsqrt3A : vector<1000xf32> to vector<1000x1xf32>
    %get3A_12 = arith.constant 0 : index
    %get3A_13 = arith.constant 0 : index
    %get3A_14 = arith.constant 0 : index
    %get3A_15 = vector.load %arg2[%get3A_12, %get3A_13, %get3A_14] : memref<2x1000x128xf32, #tpu.memory_space<vmem>>, vector<1x1000x128xf32>
    %get3A_16 = vector.shape_cast %get3A_15 : vector<1x1000x128xf32> to vector<1000x128xf32>
    %get3A_17 = arith.constant 1 : index
    %get3A_18 = arith.constant 0 : index
    %get3A_19 = arith.constant 0 : index
    %get3A_20 = vector.load %arg2[%get3A_17, %get3A_18, %get3A_19] : memref<2x1000x128xf32, #tpu.memory_space<vmem>>, vector<1x1000x128xf32>
    %get3A_21 = vector.shape_cast %get3A_20 : vector<1x1000x128xf32> to vector<1000x128xf32>
    %add3A_22 = arith.addf %get3A_16, %get3A_21 : vector<1000x128xf32>
    %get3A_23 = arith.constant 0 : index
    %get3A_24 = arith.constant 0 : index
    %get3A_25 = vector.load %arg3[%get3A_23, %get3A_24] : memref<1000x128xf32, #tpu.memory_space<vmem>>, vector<1000x128xf32>
    %add3A_26 = arith.addf %add3A_22, %get3A_25 : vector<1000x128xf32>
    %mul3A = vector.broadcast %broadcast_in_dim3A : vector<1000x1xf32> to vector<1000x128xf32>
    %mul3A_27 = arith.mulf %mul3A, %add3A_26 : vector<1000x128xf32>
    %get3A_28 = arith.constant 0 : index
    %get3A_29 = arith.constant 0 : index
    %get3A_30 = vector.load %arg5[%get3A_28, %get3A_29] : memref<1x128xf32, #tpu.memory_space<vmem>>, vector<1x128xf32>
    %add3A_31 = vector.broadcast %get3A_30 : vector<1x128xf32> to vector<1000x128xf32>
    %add3A_32 = arith.addf %mul3A_27, %add3A_31 : vector<1000x128xf32>
    %max3A = arith.constant 0.000000e+00 : f32
    %max3A_33 = vector.broadcast %max3A : f32 to vector<1000x128xf32>
    %max3A_34 = arith.maximumf %add3A_32, %max3A_33 : vector<1000x128xf32>
    %get3A_35 = arith.constant 0 : index
    %get3A_36 = arith.constant 0 : index
    %get3A_37 = vector.load %arg4[%get3A_35, %get3A_36] : memref<128x128xf32, #tpu.memory_space<vmem>>, vector<128x128xf32>
    %dot_general3A = arith.constant dense<0.000000e+00> : vector<1000x128xf32>
    %dot_general3A_38 = tpu.matmul %max3A_34, %get3A_37, %dot_general3A {dimension_numbers = #tpu.dot_dimension_numbers<[1], [0], [0], [1], [0, 0, 1, 1], [], []>, transpose_lhs_hint = false} : vector<1000x128xf32>, vector<128x128xf32>, vector<1000x128xf32> -> vector<1000x128xf32>
    %mul3A_39 = vector.broadcast %broadcast_in_dim3A : vector<1000x1xf32> to vector<1000x128xf32>
    %mul3A_40 = arith.mulf %mul3A_39, %dot_general3A_38 : vector<1000x128xf32>
    %swap3A = arith.constant 0 : index
    %swap3A_41 = arith.constant 0 : index
    %swap3A_42 = vector.load %arg6[%swap3A, %swap3A_41] : memref<1000x128xf32, #tpu.memory_space<vmem>>, vector<1000x128xf32>
    tpu.vector_store %arg6[%swap3A, %swap3A_41], %mul3A_40 {strides = array<i32>} : memref<1000x128xf32, #tpu.memory_space<vmem>>, vector<1000x128xf32>,
    return
  }
  func.func @transform_0(%arg0: i32) -> (i32, i32, i32) {
    %c0_i32 = arith.constant 0 : i32
    %c0_i32_0 = arith.constant 0 : i32
    %c0_i32_1 = arith.constant 0 : i32
    return %c0_i32, %arg0, %c0_i32_0 : i32, i32, i32
  }
  func.func @transform_1(%arg0: i32) -> (i32, i32, i32) {
    %c0_i32 = arith.constant 0 : i32
    %c0_i32_0 = arith.constant 0 : i32
    %c0_i32_1 = arith.constant 0 : i32
    return %c0_i32, %arg0, %c0_i32_0 : i32, i32, i32
  }
  func.func @transform_2(%arg0: i32) -> (i32, i32) {
    %c0_i32 = arith.constant 0 : i32
    %c0_i32_0 = arith.constant 0 : i32
    return %arg0, %c0_i32 : i32, i32
  }
  func.func @transform_3(%arg0: i32) -> (i32, i32) {
    %c0_i32 = arith.constant 0 : i32
    %c0_i32_0 = arith.constant 0 : i32
    %c0_i32_1 = arith.constant 0 : i32
    return %c0_i32, %c0_i32_0 : i32, i32
  }
  func.func @transform_4(%arg0: i32) -> (i32, i32) {
    %c0_i32 = arith.constant 0 : i32
    %c0_i32_0 = arith.constant 0 : i32
    %c0_i32_1 = arith.constant 0 : i32
    return %c0_i32, %c0_i32_0 : i32, i32
  }
  func.func @transform_5(%arg0: i32) -> (i32, i32) {
    %c0_i32 = arith.constant 0 : i32
    %c0_i32_0 = arith.constant 0 : i32
    return %arg0, %c0_i32 : i32, i32
  }
}

module attributes {stable_mosaic.version = 14 : i64} {
  func.func @_pool_body(%arg0: i32, %arg1: memref<2x1000x128xf32, #tpu.memory_space<vmem>>, %arg2: memref<2x1000x128xf32, #tpu.memory_space<vmem>>, %arg3: memref<1000x128xf32, #tpu.memory_space<vmem>>, %arg4: memref<1x128xf32, #tpu.memory_space<vmem>>, %arg5: memref<1000x1xf32, #tpu.memory_space<vmem>>, %arg6: memref<128x64xf32, #tpu.memory_space<vmem>>, %arg7: memref<1x64xf32, #tpu.memory_space<vmem>>, %arg8: memref<64x64xf32, #tpu.memory_space<vmem>>, %arg9: memref<1x64xf32, #tpu.memory_space<vmem>>, %arg10: memref<64x64xf32, #tpu.memory_space<vmem>>, %arg11: memref<64x128xf32, #tpu.memory_space<vmem>>, %arg12: memref<1x64xf32, #tpu.memory_space<vmem>>) attributes {dimension_semantics = [#tpu.dimension_semantics<arbitrary>], iteration_bounds = array<i64: 10>, scalar_prefetch = 0 : i64, scratch_operands = 2 : i64, tpu.core_type = #tpu.core_type<tc>, window_params = [{transform_indices = @transform_0, window_bounds = array<i64: 2, 1000, 128>}, {transform_indices = @transform_1, window_bounds = array<i64: 2, 1000, 128>}, {transform_indices = @transform_2, window_bounds = array<i64: 1000, 128>}, {pipeline_mode = #tpu.pipeline_mode<synchronous>, transform_indices = @transform_3, window_bounds = array<i64: 1, 128>}, {transform_indices = @transform_4, window_bounds = array<i64: 1000, 1>}, {pipeline_mode = #tpu.pipeline_mode<synchronous>, transform_indices = @transform_5, window_bounds = array<i64: 128, 64>}, {pipeline_mode = #tpu.pipeline_mode<synchronous>, transform_indices = @transform_6, window_bounds = array<i64: 1, 64>}, {pipeline_mode = #tpu.pipeline_mode<synchronous>, transform_indices = @transform_7, window_bounds = array<i64: 64, 64>}, {pipeline_mode = #tpu.pipeline_mode<synchronous>, transform_indices = @transform_8, window_bounds = array<i64: 1, 64>}, {pipeline_mode = #tpu.pipeline_mode<synchronous>, transform_indices = @transform_9, window_bounds = array<i64: 64, 64>}]} {
    %eq3A = arith.constant 0 : i32
    %eq3A_0 = arith.cmpi eq, %arg0, %eq3A : i32
    %convert_element_type3A = arith.extui %eq3A_0 : i1 to i32
    %cond3A = arith.constant 0 : i32
    %cond3A_1 = arith.cmpi ne, %convert_element_type3A, %cond3A : i32
    scf.if %cond3A_1 {
      %broadcast_in_dim3A_65 = arith.constant 0.000000e+00 : f32
      %broadcast_in_dim3A_66 = vector.broadcast %broadcast_in_dim3A_65 : f32 to vector<64x128xf32>
      %swap3A_67 = arith.constant 0 : index
      %swap3A_68 = arith.constant 0 : index
      %swap3A_69 = vector.load %arg11[%swap3A_67, %swap3A_68] : memref<64x128xf32, #tpu.memory_space<vmem>>, vector<64x128xf32>
      tpu.vector_store %arg11[%swap3A_67, %swap3A_68], %broadcast_in_dim3A_66 {strides = array<i32>} : memref<64x128xf32, #tpu.memory_space<vmem>>, vector<64x128xf32>,
      %broadcast_in_dim3A_70 = arith.constant 0.000000e+00 : f32
      %broadcast_in_dim3A_71 = vector.broadcast %broadcast_in_dim3A_70 : f32 to vector<1x64xf32>
      %swap3A_72 = arith.constant 0 : index
      %swap3A_73 = arith.constant 0 : index
      %swap3A_74 = vector.load %arg12[%swap3A_72, %swap3A_73] : memref<1x64xf32, #tpu.memory_space<vmem>>, vector<1x64xf32>
      tpu.vector_store %arg12[%swap3A_72, %swap3A_73], %broadcast_in_dim3A_71 {strides = array<i32>} : memref<1x64xf32, #tpu.memory_space<vmem>>, vector<1x64xf32>,
    } else {
    }
    %get3A = arith.constant 0 : index
    %get3A_2 = arith.constant 0 : index
    %get3A_3 = arith.constant 0 : index
    %get3A_4 = vector.load %arg1[%get3A, %get3A_2, %get3A_3] : memref<2x1000x128xf32, #tpu.memory_space<vmem>>, vector<1x1000x1xf32>
    %get3A_5 = vector.shape_cast %get3A_4 : vector<1x1000x1xf32> to vector<1000xf32>
    %get3A_6 = arith.constant 1 : index
    %get3A_7 = arith.constant 0 : index
    %get3A_8 = arith.constant 0 : index
    %get3A_9 = vector.load %arg1[%get3A_6, %get3A_7, %get3A_8] : memref<2x1000x128xf32, #tpu.memory_space<vmem>>, vector<1x1000x1xf32>
    %get3A_10 = vector.shape_cast %get3A_9 : vector<1x1000x1xf32> to vector<1000xf32>
    %add3A = arith.addf %get3A_5, %get3A_10 : vector<1000xf32>
    %add3A_11 = arith.constant 1.000000e+00 : f32
    %add3A_12 = vector.broadcast %add3A_11 : f32 to vector<1000xf32>
    %add3A_13 = arith.addf %add3A, %add3A_12 : vector<1000xf32>
    %rsqrt3A = math.rsqrt %add3A_13 : vector<1000xf32>
    %broadcast_in_dim3A = vector.shape_cast %rsqrt3A : vector<1000xf32> to vector<1000x1xf32>
    %get3A_14 = arith.constant 0 : index
    %get3A_15 = arith.constant 0 : index
    %get3A_16 = arith.constant 0 : index
    %get3A_17 = vector.load %arg2[%get3A_14, %get3A_15, %get3A_16] : memref<2x1000x128xf32, #tpu.memory_space<vmem>>, vector<1x1000x128xf32>
    %get3A_18 = vector.shape_cast %get3A_17 : vector<1x1000x128xf32> to vector<1000x128xf32>
    %get3A_19 = arith.constant 1 : index
    %get3A_20 = arith.constant 0 : index
    %get3A_21 = arith.constant 0 : index
    %get3A_22 = vector.load %arg2[%get3A_19, %get3A_20, %get3A_21] : memref<2x1000x128xf32, #tpu.memory_space<vmem>>, vector<1x1000x128xf32>
    %get3A_23 = vector.shape_cast %get3A_22 : vector<1x1000x128xf32> to vector<1000x128xf32>
    %add3A_24 = arith.addf %get3A_18, %get3A_23 : vector<1000x128xf32>
    %get3A_25 = arith.constant 0 : index
    %get3A_26 = arith.constant 0 : index
    %get3A_27 = vector.load %arg3[%get3A_25, %get3A_26] : memref<1000x128xf32, #tpu.memory_space<vmem>>, vector<1000x128xf32>
    %add3A_28 = arith.addf %add3A_24, %get3A_27 : vector<1000x128xf32>
    %mul3A = vector.broadcast %broadcast_in_dim3A : vector<1000x1xf32> to vector<1000x128xf32>
    %mul3A_29 = arith.mulf %mul3A, %add3A_28 : vector<1000x128xf32>
    %get3A_30 = arith.constant 0 : index
    %get3A_31 = arith.constant 0 : index
    %get3A_32 = vector.load %arg4[%get3A_30, %get3A_31] : memref<1x128xf32, #tpu.memory_space<vmem>>, vector<1x128xf32>
    %add3A_33 = vector.broadcast %get3A_32 : vector<1x128xf32> to vector<1000x128xf32>
    %add3A_34 = arith.addf %mul3A_29, %add3A_33 : vector<1000x128xf32>
    %iota3A = tpu.iota {dimensions = array<i32: 1>} : vector<1x64xi32>
    %convert_element_type3A_35 = arith.sitofp %iota3A : vector<1x64xi32> to vector<1x64xf32>
    %get3A_36 = arith.constant 0 : index
    %get3A_37 = arith.constant 0 : index
    %get3A_38 = vector.load %arg5[%get3A_36, %get3A_37] : memref<1000x1xf32, #tpu.memory_space<vmem>>, vector<1000x1xf32>
    %eq3A_39 = vector.broadcast %get3A_38 : vector<1000x1xf32> to vector<1000x64xf32>
    %eq3A_40 = vector.broadcast %convert_element_type3A_35 : vector<1x64xf32> to vector<1000x64xf32>
    %eq3A_41 = arith.cmpf oeq, %eq3A_39, %eq3A_40 : vector<1000x64xf32>
    %convert_element_type3A_42 = arith.extui %eq3A_41 : vector<1000x64xi1> to vector<1000x64xi32>
    %convert_element_type3A_43 = arith.sitofp %convert_element_type3A_42 : vector<1000x64xi32> to vector<1000x64xf32>
    %get3A_44 = arith.constant 0 : index
    %get3A_45 = arith.constant 0 : index
    %get3A_46 = vector.load %arg11[%get3A_44, %get3A_45] : memref<64x128xf32, #tpu.memory_space<vmem>>, vector<64x128xf32>
    %dot_general3A = arith.constant dense<0.000000e+00> : vector<64x128xf32>
    %dot_general3A_47 = tpu.matmul %convert_element_type3A_43, %add3A_34, %dot_general3A {dimension_numbers = #tpu.dot_dimension_numbers<[0], [0], [1], [1], [0, 1, 1, 1], [], []>, transpose_lhs_hint = false} : vector<1000x64xf32>, vector<1000x128xf32>, vector<64x128xf32> -> vector<64x128xf32>
    %add3A_48 = arith.addf %get3A_46, %dot_general3A_47 : vector<64x128xf32>
    %swap3A = arith.constant 0 : index
    %swap3A_49 = arith.constant 0 : index
    %swap3A_50 = vector.load %arg11[%swap3A, %swap3A_49] : memref<64x128xf32, #tpu.memory_space<vmem>>, vector<64x128xf32>
    tpu.vector_store %arg11[%swap3A, %swap3A_49], %add3A_48 {strides = array<i32>} : memref<64x128xf32, #tpu.memory_space<vmem>>, vector<64x128xf32>,
    %get3A_51 = arith.constant 0 : index
    %get3A_52 = arith.constant 0 : index
    %get3A_53 = vector.load %arg12[%get3A_51, %get3A_52] : memref<1x64xf32, #tpu.memory_space<vmem>>, vector<1x64xf32>
    %reduce_sum3A = arith.constant dense<0.000000e+00> : vector<64xf32>
    %reduce_sum3A_54 = vector.multi_reduction <add>, %convert_element_type3A_43, %reduce_sum3A [0] : vector<1000x64xf32> to vector<64xf32>
    %broadcast_in_dim3A_55 = vector.shape_cast %reduce_sum3A_54 : vector<64xf32> to vector<1x64xf32>
    %add3A_56 = arith.addf %get3A_53, %broadcast_in_dim3A_55 : vector<1x64xf32>
    %swap3A_57 = arith.constant 0 : index
    %swap3A_58 = arith.constant 0 : index
    %swap3A_59 = vector.load %arg12[%swap3A_57, %swap3A_58] : memref<1x64xf32, #tpu.memory_space<vmem>>, vector<1x64xf32>
    tpu.vector_store %arg12[%swap3A_57, %swap3A_58], %add3A_56 {strides = array<i32>} : memref<1x64xf32, #tpu.memory_space<vmem>>, vector<1x64xf32>,
    %eq3A_60 = arith.constant 9 : i32
    %eq3A_61 = arith.cmpi eq, %arg0, %eq3A_60 : i32
    %convert_element_type3A_62 = arith.extui %eq3A_61 : i1 to i32
    %cond3A_63 = arith.constant 0 : i32
    %cond3A_64 = arith.cmpi ne, %convert_element_type3A_62, %cond3A_63 : i32
    scf.if %cond3A_64 {
      %get3A_65 = arith.constant 0 : index
      %get3A_66 = arith.constant 0 : index
      %get3A_67 = vector.load %arg11[%get3A_65, %get3A_66] : memref<64x128xf32, #tpu.memory_space<vmem>>, vector<64x128xf32>
      %get3A_68 = arith.constant 0 : index
      %get3A_69 = arith.constant 0 : index
      %get3A_70 = vector.load %arg12[%get3A_68, %get3A_69] : memref<1x64xf32, #tpu.memory_space<vmem>>, vector<1x64xf32>
      %max3A = arith.constant 1.000000e+00 : f32
      %max3A_71 = vector.broadcast %max3A : f32 to vector<1x64xf32>
      %max3A_72 = arith.maximumf %get3A_70, %max3A_71 : vector<1x64xf32>
      %squeeze3A = vector.shape_cast %max3A_72 : vector<1x64xf32> to vector<64xf32>
      %broadcast_in_dim3A_73 = vector.shape_cast %squeeze3A : vector<64xf32> to vector<64x1xf32>
      %div3A = vector.broadcast %broadcast_in_dim3A_73 : vector<64x1xf32> to vector<64x128xf32>
      %div3A_74 = arith.divf %get3A_67, %div3A : vector<64x128xf32>
      %get3A_75 = arith.constant 0 : index
      %get3A_76 = arith.constant 0 : index
      %get3A_77 = vector.load %arg6[%get3A_75, %get3A_76] : memref<128x64xf32, #tpu.memory_space<vmem>>, vector<128x64xf32>
      %dot_general3A_78 = arith.constant dense<0.000000e+00> : vector<64x64xf32>
      %dot_general3A_79 = tpu.matmul %div3A_74, %get3A_77, %dot_general3A_78 {dimension_numbers = #tpu.dot_dimension_numbers<[1], [0], [0], [1], [0, 0, 1, 1], [], []>, transpose_lhs_hint = false} : vector<64x128xf32>, vector<128x64xf32>, vector<64x64xf32> -> vector<64x64xf32>
      %get3A_80 = arith.constant 0 : index
      %get3A_81 = arith.constant 0 : index
      %get3A_82 = vector.load %arg7[%get3A_80, %get3A_81] : memref<1x64xf32, #tpu.memory_space<vmem>>, vector<1x64xf32>
      %add3A_83 = vector.broadcast %get3A_82 : vector<1x64xf32> to vector<64x64xf32>
      %add3A_84 = arith.addf %dot_general3A_79, %add3A_83 : vector<64x64xf32>
      %max3A_85 = arith.constant 0.000000e+00 : f32
      %max3A_86 = vector.broadcast %max3A_85 : f32 to vector<64x64xf32>
      %max3A_87 = arith.maximumf %add3A_84, %max3A_86 : vector<64x64xf32>
      %get3A_88 = arith.constant 0 : index
      %get3A_89 = arith.constant 0 : index
      %get3A_90 = vector.load %arg8[%get3A_88, %get3A_89] : memref<64x64xf32, #tpu.memory_space<vmem>>, vector<64x64xf32>
      %dot_general3A_91 = arith.constant dense<0.000000e+00> : vector<64x64xf32>
      %dot_general3A_92 = tpu.matmul %max3A_87, %get3A_90, %dot_general3A_91 {dimension_numbers = #tpu.dot_dimension_numbers<[1], [0], [0], [1], [0, 0, 1, 1], [], []>, transpose_lhs_hint = false} : vector<64x64xf32>, vector<64x64xf32>, vector<64x64xf32> -> vector<64x64xf32>
      %get3A_93 = arith.constant 0 : index
      %get3A_94 = arith.constant 0 : index
      %get3A_95 = vector.load %arg9[%get3A_93, %get3A_94] : memref<1x64xf32, #tpu.memory_space<vmem>>, vector<1x64xf32>
      %add3A_96 = vector.broadcast %get3A_95 : vector<1x64xf32> to vector<64x64xf32>
      %add3A_97 = arith.addf %dot_general3A_92, %add3A_96 : vector<64x64xf32>
      %swap3A_98 = arith.constant 0 : index
      %swap3A_99 = arith.constant 0 : index
      %swap3A_100 = vector.load %arg10[%swap3A_98, %swap3A_99] : memref<64x64xf32, #tpu.memory_space<vmem>>, vector<64x64xf32>
      tpu.vector_store %arg10[%swap3A_98, %swap3A_99], %add3A_97 {strides = array<i32>} : memref<64x64xf32, #tpu.memory_space<vmem>>, vector<64x64xf32>,
    } else {
    }
    return
  }
  func.func @transform_0(%arg0: i32) -> (i32, i32, i32) {
    %c0_i32 = arith.constant 0 : i32
    %c0_i32_0 = arith.constant 0 : i32
    %c0_i32_1 = arith.constant 0 : i32
    return %c0_i32, %arg0, %c0_i32_0 : i32, i32, i32
  }
  func.func @transform_1(%arg0: i32) -> (i32, i32, i32) {
    %c0_i32 = arith.constant 0 : i32
    %c0_i32_0 = arith.constant 0 : i32
    %c0_i32_1 = arith.constant 0 : i32
    return %c0_i32, %arg0, %c0_i32_0 : i32, i32, i32
  }
  func.func @transform_2(%arg0: i32) -> (i32, i32) {
    %c0_i32 = arith.constant 0 : i32
    %c0_i32_0 = arith.constant 0 : i32
    return %arg0, %c0_i32 : i32, i32
  }
  func.func @transform_3(%arg0: i32) -> (i32, i32) {
    %c0_i32 = arith.constant 0 : i32
    %c0_i32_0 = arith.constant 0 : i32
    %c0_i32_1 = arith.constant 0 : i32
    return %c0_i32, %c0_i32_0 : i32, i32
  }
  func.func @transform_4(%arg0: i32) -> (i32, i32) {
    %c0_i32 = arith.constant 0 : i32
    %c0_i32_0 = arith.constant 0 : i32
    return %arg0, %c0_i32 : i32, i32
  }
  func.func @transform_5(%arg0: i32) -> (i32, i32) {
    %c0_i32 = arith.constant 0 : i32
    %c0_i32_0 = arith.constant 0 : i32
    %c0_i32_1 = arith.constant 0 : i32
    return %c0_i32, %c0_i32_0 : i32, i32
  }
  func.func @transform_6(%arg0: i32) -> (i32, i32) {
    %c0_i32 = arith.constant 0 : i32
    %c0_i32_0 = arith.constant 0 : i32
    %c0_i32_1 = arith.constant 0 : i32
    return %c0_i32, %c0_i32_0 : i32, i32
  }
  func.func @transform_7(%arg0: i32) -> (i32, i32) {
    %c0_i32 = arith.constant 0 : i32
    %c0_i32_0 = arith.constant 0 : i32
    %c0_i32_1 = arith.constant 0 : i32
    return %c0_i32, %c0_i32_0 : i32, i32
  }
  func.func @transform_8(%arg0: i32) -> (i32, i32) {
    %c0_i32 = arith.constant 0 : i32
    %c0_i32_0 = arith.constant 0 : i32
    %c0_i32_1 = arith.constant 0 : i32
    return %c0_i32, %c0_i32_0 : i32, i32
  }
  func.func @transform_9(%arg0: i32) -> (i32, i32) {
    %c0_i32 = arith.constant 0 : i32
    %c0_i32_0 = arith.constant 0 : i32
    %c0_i32_1 = arith.constant 0 : i32
    return %c0_i32, %c0_i32_0 : i32, i32
  }
}

</mosaic_0001>

<sc_bundles>
// kernel: kernel.10.cloned.1.call-start
scs
__scs_entry_jumppad:
0x0: {  	(pc) =	sbr.rel $0x88, $3  }
0x1: {  	(tag) =	ssettag $0x0;
	lr =	simm.s32 $0x1  }
0x2: {  	[smem:$0x3F94] =	sst lr;
	_ =	strace $0xD0000000  }
0x3: {  	_ = 	snop  }
0x4: {  	_ = 	snop  }
0x5: {  	_ = 	snop  }
0x6: {  	_ = 	snop  }
0x7: {  	_ = 	snop  }
__scs_overlays_trampoline_lowered:
0x8: {  	[smem:$0x3FA3] =	sst s0  }
0x9: {  	[smem:$0x3FA4] =	sst s1  }
0xa: {  	[smem:$0x3FA5] =	sst s2  }
0xb: {  	[smem:$0x3FA6] =	sst s3  }
0xc: {  	[smem:$0x3FA7] =	sst s4  }
0xd: {  	[smem:$0x3FA8] =	sst s5  }
0xe: {  	[smem:$0x3FA9] =	sst s6  }
0xf: {  	[smem:$0x3FAA] =	sst s7  }
0x10: {  	[smem:$0x3FAB] =	sst s8  }
0x11: {  	[smem:$0x3FAC] =	sst s9;
	s0 =	simm.s32 @!p0 $0x0  }
0x12: {  	s1 =	sld [smem:$0x3F92];
	s0 =	simm.s32 @p0 $0x1  }
0x13: {  	[smem:$0x3FAD] =	sst s0;
	s0 =	simm.s32 @!p1 $0x0  }
0x14: {  	s2 =	sld [smem:$0x3F91];
	s0 =	simm.s32 @p1 $0x1  }
0x15: {  	[smem:$0x3FAE] =	sst s0;
	s0 =	simm.s32 @!p2 $0x0  }
0x16: {  	s3 =	sld [smem:$0x3FDB];
	s0 =	simm.s32 @p2 $0x1  }
0x17: {  	s4 =	simm.s32 $0x1BF5;
	[smem:$0x3FB0] =	sst s0  }
0x18: {  	s0 =	sld [smem:$0x3F93];
	_ =	swait.ge [sflag:s4], $0x0  }
0x19: {  	s7 =	sld [smem:$0x3F94]  }
0x1a: {  	s8 =	sadd.s32 $0xFFFFE003, lr  }
0x1b: {  	s9 =	sadd.s32 $0xFFFFFEF7, lr;
	s5 =	simm.s32 $0xFFFFFFFF;
	p2 =	slt.u32 s8, $0xFFFFF086  }
0x1c: {  	p1 =	slt.u32 s9, $0xF7A;
	s5 =	simm.s32 @!p2 $0x0  }
0x1d: {  	s5 =	simm.s32 @p1 $0x1;
	p0 =	seq.s32 s7, s2  }
0x1e: {  	s7 =	smul.u32 @!p0 $0xF7A, s2;
	p2 =	seq.s32 @!p0 s5, $0x0  }
0x1f: {  	s9 =	smul.u32 $0xF7A, s1;
	s8 =	simm.s32 @!p0 $0x1BF5;
	p2 =	por !p2, p0  }
0x20: {  	[sflag:s8] =	ssyncset.s32 @!p0 $0xFFFFF086;
	s6 =	sadd.s32 @!p0 s3, s7;
	s7 =	simm.s32 @!p0 $0x108  }
0x21: {  	s3 =	sadd.s32 s3, s9;
	s6 =	sadd.s32 @!p0 $0x88, s6;
	s7 =	simm.s32 @p2 $0x1082  }
0x22: {  	[simem:s7], [sflag:s8] =	dma.local @!p0 [hbm:s6], $0xF7A  }
0x23: {  	s9 =	sor.u32 $0xD0000000, s2;
	s6 =	simm.s32 $0x108;
	_ =	swait.ge @!p0 [sflag:s8], $0x0  }
0x24: {  	s3 =	sadd.s32 $0x88, s3;
	s6 =	simm.s32 @!p1 $0x1082;
	[sflag:s4] =	ssyncset.s32 $0xFFFFF086  }
0x25: {  	[simem:s6], [sflag:s4] =	dma.local [hbm:s3], $0xF7A  }
0x26: {  	[smem:$0x3F94] =	sst s1;
	(tag) =	ssettag s2;
	_ =	strace s9  }
0x27: {  	s1 =	sld [smem:$0x3FA4]  }
0x28: {  	s2 =	sld [smem:$0x3FA5]  }
0x29: {  	s4 =	sld [smem:$0x3FA7]  }
0x2a: {  	p0 =	seq.s32 s5, $0x0;
	s5 =	sld [smem:$0x3FA8]  }
0x2b: {  	s6 =	sld [smem:$0x3FA9]  }
0x2c: {  	s7 =	sld [smem:$0x3FAA]  }
0x2d: {  	s3 =	simm.s32 $0x108;
	s8 =	sld [smem:$0x3FAB]  }
0x2e: {  	s3 =	simm.s32 @!p0 $0x1082;
	s9 =	sld [smem:$0x3FAC]  }
0x2f: {  	lr =	sadd.s32 s0, s3;
	s0 =	sld [smem:$0x3FA3]  }
0x30: {  	s3 =	sld [smem:$0x3FA6]  }
0x31: {  	[smem:$0x3FAF] =	sst s10  }
0x32: {  	s10 =	sld [smem:$0x3FAD];
	_ =	sdelay $0x3  }
0x33: {  	p0 =	seq.s32 s10, $0x1;
	s10 =	sld [smem:$0x3FAF];
	_ =	sdelay $0x3  }
0x34: {  	[smem:$0x3FAF] =	sst s10  }
0x35: {  	s10 =	sld [smem:$0x3FAE];
	_ =	sdelay $0x3  }
0x36: {  	p1 =	seq.s32 s10, $0x1;
	s10 =	sld [smem:$0x3FAF];
	_ =	sdelay $0x3  }
0x37: {  	[smem:$0x3FAF] =	sst s10  }
0x38: {  	s10 =	sld [smem:$0x3FB0]  }
0x39: {  	_ = 	snop;
	(pc) =	sbr.ind lr, $3  }
0x3a: {  	_ = 	snop  }
0x3b: {  	_ = 	snop  }
0x3c: {  	p2 =	seq.s32 s10, $0x1;
	s10 =	sld [smem:$0x3FAF]  }
0x3d: {  	_ =	shalt  }
0x3e: {  	_ =	shalt  }
0x3f: {  	_ =	shalt  }
0x40: {  	_ =	shalt  }
0x41: {  	_ =	shalt  }
0x42: {  	_ =	shalt  }
0x43: {  	_ =	shalt  }
0x44: {  	_ =	shalt  }
0x45: {  	_ =	shalt  }
0x46: {  	_ =	shalt  }
0x47: {  	_ =	shalt  }
0x48: {  	_ =	shalt  }
0x49: {  	_ =	shalt  }
0x4a: {  	_ =	shalt  }
0x4b: {  	_ =	shalt  }
0x4c: {  	_ =	shalt  }
0x4d: {  	_ =	shalt  }
0x4e: {  	_ =	shalt  }
0x4f: {  	_ =	shalt  }
0x50: {  	_ =	shalt  }
0x51: {  	_ =	shalt  }
0x52: {  	_ =	shalt  }
0x53: {  	_ =	shalt  }
0x54: {  	_ =	shalt  }
0x55: {  	_ =	shalt  }
0x56: {  	_ =	shalt  }
0x57: {  	_ =	shalt  }
0x58: {  	_ =	shalt  }
0x59: {  	_ =	shalt  }
0x5a: {  	_ =	shalt  }
0x5b: {  	_ =	shalt  }
0x5c: {  	_ =	shalt  }
0x5d: {  	_ =	shalt  }
0x5e: {  	_ =	shalt  }
0x5f: {  	_ =	shalt  }
0x60: {  	_ =	shalt  }
0x61: {  	_ =	shalt  }
0x62: {  	_ =	shalt  }
0x63: {  	_ =	shalt  }
0x64: {  	_ =	shalt  }
0x65: {  	_ =	shalt  }
0x66: {  	_ =	shalt  }
0x67: {  	_ =	shalt  }
0x68: {  	_ =	shalt  }
0x69: {  	_ =	shalt  }
0x6a: {  	_ =	shalt  }
0x6b: {  	_ =	shalt  }
0x6c: {  	_ =	shalt  }
0x6d: {  	_ =	shalt  }
0x6e: {  	_ =	shalt  }
0x6f: {  	_ =	shalt  }
0x70: {  	_ =	shalt  }
0x71: {  	_ =	shalt  }
0x72: {  	_ =	shalt  }
0x73: {  	_ =	shalt  }
0x74: {  	_ =	shalt  }
0x75: {  	_ =	shalt  }
0x76: {  	_ =	shalt  }
0x77: {  	_ =	shalt  }
0x78: {  	_ =	shalt  }
0x79: {  	_ =	shalt  }
0x7a: {  	_ =	shalt  }
0x7b: {  	_ =	shalt  }
0x7c: {  	_ =	shalt  }
0x7d: {  	_ =	shalt  }
0x7e: {  	_ =	shalt  }
0x7f: {  	_ =	shalt  }
0x80: {  	_ =	shalt  }
0x81: {  	_ =	shalt  }
0x82: {  	_ =	shalt  }
0x83: {  	_ =	shalt  }
0x84: {  	_ =	shalt  }
0x85: {  	_ =	shalt  }
0x86: {  	_ =	shalt  }
0x87: {  	_ =	shalt  }
.Lfunc_end0:
.L_simem_size_0:
called_computation_lowered:
.L_overlay_start_0:
0x88: {  	s2 =	sld [smem:$0x3FD9]  }
0x89: {  	s3 =	sld [smem:$0x3FFE];
	_ =	sdelay $0x1  }
0x8a: {  	s1 =	srdreg.scid  }
0x8b: {  	s0 =	sand.u32 $0x1, s1  }
0x8c: {  	s16 =	sshll.u32 s0, $0xA;
	s2 =	sadd.s32 s3, s2  }
0x8d: {  	s2 =	sadd.s32 s2, s16  }
0x8e: {  	[smem:$0x3FBB] =	sst s2  }
0x8f: {  	_ = 	snop  }
0x90: {  	(tm) =	ssettm $0x1  }
0x91: {  	s17 =	sld [smem:$0x3FFB];
	_ =	sdelay $0x3  }
0x92: {  	_ =	strace s17  }
0x93: {  	s2 =	sld [smem:$0x3FFC];
	_ =	sdelay $0x3  }
0x94: {  	_ =	strace s2  }
0x95: {  	s2 =	sld [smem:$0x3FFD];
	_ =	sdelay $0x3  }
0x96: {  	_ =	strace s2  }
0x97: {  	_ =	strace $0x8FFFFFFF  }
0x98: {  	s18 =	sld [smem:$0x3FDB];
	_ =	sdelay $0x1  }
0x99: {  	s19 =	simm.s32 $_scs_section_size  }
0x9a: {  	s4 =	simm.s32 $_size__tile_overlayer_lowered;
	s5 =	simm.s32 $_tile_overlayer_lowered  }
0x9b: {  	s22 =	simm.s32 $0x1BFF;
	s21 =	sshll.u32 s5, $0x1;
	s2 =	sadd.s32 s19, s18  }
0x9c: {  	s6 =	simm.s32 $0x0;
	s20 =	sshll.u32 s4, $0x1;
	s4 =	sadd.s32 s21, s2  }
0x9d: {  	[timem:s6], [sflag:s22] =	dma.local [hbm:s4], s20  }
0x9e: {  	_ =	swait.ge [sflag:s22], s20  }
0x9f: {  	s3 =	ssub.s32 $0x0, s20;
	[sflag:s22] =	ssyncset.done $0x0  }
0xa0: {  	[sflag:s22] =	ssyncadd.s32 s3;
	_ =	sdelay $0x1  }
0xa1: {  	s23 =	simm.s32 $0x1B8B  }
0xa2: {  	_ =	swait.ge [sflag:s23], $0x1  }
0xa3: {  	[sflag:s23] =	ssyncset.done $0x0  }
0xa4: {  	s25 =	simm.s32 $0x1B8E;
	s24 =	sld [smem:$0x3FFE];
	[sflag:s23] =	ssyncadd.s32 $0xFFFFFFFF  }
0xa5: {  	s26 =	simm.s32 $execute0_lowered;
	[smem:$0x3FD2] =	sst s25  }
0xa6: {  	s4 =	sshll.u32 s26, $0x1;
	_ =	strace $0x80000046;
	[dreg:$0x1] =	wrdreg $0xFFFFFFFF  }
0xa7: {  	s28 =	simm.s32 $_size_execute0_lowered;
	s2 =	sadd.s32 s2, s4;
	[dreg:$0x0] =	wrdreg $0x0  }
0xa8: {  	s4 =	sshll.u32 s28, $0x1;
	[dreg:$0x2] =	wrdreg s2  }
0xa9: {  	[dreg:$0x3] =	wrdreg s4  }
0xaa: {  	[dreg:$0x4] =	wrdreg $0xC0  }
0xab: {  	_ =	task [dreg:s6], $0x5FFFF  }
0xac: {  	[dreg:$0x1] =	wrdreg $0xFFFFFFFF  }
0xad: {  	[dreg:$0x0] =	wrdreg $0x60  }
0xae: {  	[dreg:$0x2] =	wrdreg s24  }
0xaf: {  	[dreg:$0x3] =	wrdreg $0x3E000  }
0xb0: {  	[dreg:$0x4] =	wrdreg $0x9  }
0xb1: {  	_ =	task.clear_ibuf [dreg:s6], $0x5FFFF;
	_ =	strace $0x90000046  }
0xb2: {  	s29 =	simm.s32 $0x9;
	_ =	strace $0x80000048  }
0xb3: {  	_ =	swait.ge [sflag:s29], $0x1  }
0xb4: {  	[sflag:s29] =	ssyncadd.s32 $0xFFFFFFFF  }
0xb5: {  	_ =	strace $0x90000048  }
0xb6: {  	_ =	sfence  }
0xb7: {  	s30 =	sld [smem:$0x0];
	_ =	sdelay $0x2  }
0xb8: {  	s31 =	sshll.u32 s1, $0xD;
	s1 =	sshrl.u32 s1, $0x2  }
0xb9: {  	s3 =	sand.u32 $0x4000, s31;
	s1 =	sadd.s32 s1, s30  }
0xba: {  	s0 =	sor.u32 s3, s0;
	s1 =	sshll.u32 s1, $0x11  }
0xbb: {  	s0 =	sor.u32 s1, s0  }
0xbc: {  	s0 =	sadd.s32 $0x8F2B, s0  }
0xbd: {  	[sflag:s0] =	ssyncadd.remote.s32 $0x1  }
0xbe: {  	_ =	sfence.sel $0xFFFF  }
0xbf: {  	[dreg:$0x0] =	wrdreg $0xFFFFFFFF;
	(pc) =	sbr.abs _section_cstart, $3  }
0xc0: {  	[dreg:$0x1] =	wrdreg $0xFFFFFFFF  }
0xc1: {  	_ =	task.clear_ibuf [dreg:s6], $0x2FFFF;
	_ =	strace $0x9FFFFFFF  }
0xc2: {  	(tm) =	ssettm $0x7FFFFFFF  }
0xc3: {  	_ =	shalt  }
tec
execute0_lowered:
.L_overlay_start_1:
0x0: {  	(tag) =	ssettag $0x1  }
0x1: {  	s5 =	rddreg [dreg:$0x0]  }
0x2: {  	s2 =	rddreg [dreg:$0x1]  }
0x3: {  	s0 =	rddreg [dreg:$0x2]  }
0x4: {  	s3 =	simm.s32 $0x0;
	s1 =	stileid.u32;
	s4 =	srdreg.scid  }
0x5: {  	s16 =	simm.s32 $0x100;
	s17 =	simm.s32 $0x1;
	s18 =	simm.s32 $0x78  }
0x6: {  	s19 =	simm.s32 $0x80;
	s20 =	simm.s32 $0x2;
	s6 =	smul.u32 $0x14000, s1  }
0x7: {  	s21 =	simm.s32 $0x180;
	s22 =	simm.s32 $0x0;
	s23 =	smul.u32 $0x5400, s1  }
0x8: {  	[smem:$0x7FF] =	sst s3;
	s7 =	sand.u32 $0x1, s4;
	s12 =	smul.u32 $0x50000, s1  }
0x9: {  	s11 =	sadd.s32 $0x3400, s5;
	s4 =	sadd.s32 $0x40400, s5;
	s8 =	smul.u32 $0x140000, s7  }
0xa: {  	s14 =	sshll.u32 s1, $0x6;
	_ =	strace $0x80000047;
	s10 =	smul.u32 $0x54000, s7  }
0xb: {  	s7 =	ssub.s32 $0x2, s7;
	s14 =	sor.u32 $0x1C03, s14;
	s9 =	sshrl.u32 s6, $0x3  }
0xc: {  	s24 =	sshrl.u32 s7, $0x1;
	s26 =	sshrl.u32 s12, $0x2;
	s9 =	sadd.s32 s9, s5  }
0xd: {  	s6 =	sadd.s32 s6, s8;
	s8 =	sadd.s32 s23, s10;
	s25 =	ssub.s32 s7, s24  }
0xe: {  	s15 =	sadd.s32 s26, s2;
	s6 =	sshrl.u32 s6, $0x3;
	s28 =	sshrl.u32 s8, $0x3  }
0xf: {  	s29 =	sor.u32 $0x300, s8;
	s30 =	sor.u32 $0x200, s8;
	s15 =	sshrl.u32 s15, $0x3  }
0x10: {  	s13 =	sadd.s32 s6, s5;
	s5 =	sadd.s32 $0x18400, s9;
	s6 =	sadd.s32 s11, s28  }
0x11: {  	s31 =	sshrl.u32 s29, $0x3;
	s12 =	sshrl.u32 s30, $0x3;
	s9 =	smax.u32 s25, $0x1  }
0x12: {  	s7 =	sadd.s32 $0x20, s6;
	s8 =	sadd.s32 $0x40C00, s13;
	s10 =	sadd.s32 s31, s11  }
0x13: {  	s11 =	sadd.s32 s12, s11;
	s12 =	simm.s32 $0x200;
	s13 =	simm.s32 $0x3  }
.LBB2_1:
0x14: {  	[tilespmem:s12], [sflag:$0x3] =	stream.linear.gather [hbm4b:s4+s3], $0x3C00, $0x38;
	[tilespmem:$0x17E00] =	vst v63  }
0x15: {  	_ =	swait.ge [sflag:s13], $0x3C00  }
0x16: {  	[sflag:s13] =	ssyncset.done $0x0  }
0x17: {  	[sflag:s13] =	ssyncadd.s32 $0xFFFFC400  }
0x18: {  	[spmem:s15], [sflag:s14] =	dma.local [hbm:s5], $0x2800  }
0x19: {  	_ =	swait.ge [sflag:s13], $0x2800  }
0x1a: {  	[sflag:s13] =	ssyncset.done $0x0  }
0x1b: {  	[sflag:s13] =	ssyncadd.s32 $0xFFFFD800  }
0x1c: {  	[tilespmem:s3], [sflag:$0x1] =	stream.linear.gather [hbm4b:s6+s3], $0x100, $0x38;
	[tilespmem:$0x17E00] =	vst v63  }
0x1d: {  	_ = 	snop  }
0x1e: {  	[tilespmem:s16], [sflag:$0x2] =	stream.linear.gather [hbm4b:s7+s3], $0x100, $0x38;
	[tilespmem:$0x17E00] =	vst v63  }
0x1f: {  	[bflag:$0x0] =	sbarrier.arrive $0xFFFF  }
0x20: {  	_ =	swait.ge [sflag:s17], $0x100  }
0x21: {  	[sflag:s17] =	ssyncset.done $0x0  }
0x22: {  	[sflag:s17] =	ssyncadd.s32 $0xFFFFFF00  }
0x23: {  	[spmem:s2] =	stream.indirect.scatter.add.f32 [tilespmem:s12], [sflag:$0x3], $0x80, s19, s18, $0xb8;
	[tilespmem:$0x17E00] =	vst v63  }
0x24: {  	_ =	swait.ge [sflag:s13], $0x3C00  }
0x25: {  	[sflag:s13] =	ssyncset.done $0x0  }
0x26: {  	s23 =	sadd.s32 $0x0, s11;
	[sflag:s13] =	ssyncadd.s32 $0xFFFFC400  }
0x27: {  	[tilespmem:s3], [sflag:$0x1] =	stream.linear.gather [hbm4b:s23+s3], $0x100, $0x38;
	[tilespmem:$0x17E00] =	vst v63  }
0x28: {  	_ =	swait.ge [sflag:s20], $0x100  }
0x29: {  	[sflag:s20] =	ssyncset.done $0x0  }
0x2a: {  	[sflag:s20] =	ssyncadd.s32 $0xFFFFFF00  }
0x2b: {  	[spmem:s2] =	stream.indirect.scatter.add.f32 [tilespmem:s12], [sflag:$0x3], $0x80, s21, s18, $0xb8;
	[tilespmem:$0x17E00] =	vst v63  }
0x2c: {  	_ =	swait.ge [sflag:s13], $0x3C00  }
0x2d: {  	[sflag:s13] =	ssyncset.done $0x0  }
0x2e: {  	s24 =	sadd.s32 $0x0, s10;
	s23 =	simm.s32 $0x40;
	[sflag:s13] =	ssyncadd.s32 $0xFFFFC400  }
.LBB2_2:
0x2f: {  	[tilespmem:s16], [sflag:$0x2] =	stream.linear.gather [hbm4b:s24+s3], $0x100, $0x38;
	[tilespmem:$0x17E00] =	vst v63  }
0x30: {  	s24 =	smov.u32 s23  }
0x31: {  	p0 =	sne.s32 s23, $0xA00;
	s23 =	sadd.s32 $0x40, s23;
	_ =	swait.ge [sflag:s17], $0x100  }
0x32: {  	[sflag:s17] =	ssyncset.done $0x0  }
0x33: {  	[sflag:s17] =	ssyncadd.s32 $0xFFFFFF00  }
0x34: {  	[spmem:s2] =	stream.indirect.scatter.add.f32 [tilespmem:s12], [sflag:$0x3], $0x80, s19, s18, $0xb8;
	[tilespmem:$0x17E00] =	vst v63  }
0x35: {  	_ =	swait.ge [sflag:s13], $0x3C00  }
0x36: {  	[sflag:s13] =	ssyncset.done $0x0  }
0x37: {  	s25 =	sadd.s32 s24, s11;
	[sflag:s13] =	ssyncadd.s32 $0xFFFFC400  }
0x38: {  	[tilespmem:s3], [sflag:$0x1] =	stream.linear.gather [hbm4b:s25+s3], $0x100, $0x38;
	[tilespmem:$0x17E00] =	vst v63  }
0x39: {  	_ =	swait.ge [sflag:s20], $0x100  }
0x3a: {  	[sflag:s20] =	ssyncset.done $0x0  }
.Ltmp0:
0x3b: {  	[sflag:s20] =	ssyncadd.s32 $0xFFFFFF00;
	(pc) =	sbr.rel @p0 .LBB2_2-.Ltmp0, $4  }
0x3c: {  	[spmem:s2] =	stream.indirect.scatter.add.f32 [tilespmem:s12], [sflag:$0x3], $0x80, s21, s18, $0xb8;
	[tilespmem:$0x17E00] =	vst v63  }
0x3d: {  	_ =	swait.ge [sflag:s13], $0x3C00  }
0x3e: {  	[sflag:s13] =	ssyncset.done $0x0  }
0x3f: {  	s24 =	sadd.s32 s24, s10;
	[sflag:s13] =	ssyncadd.s32 $0xFFFFC400  }
0x40: {  	[tilespmem:s16], [sflag:$0x2] =	stream.linear.gather [hbm4b:s24+s3], $0x100, $0x38;
	[tilespmem:$0x17E00] =	vst v63  }
0x41: {  	_ =	swait.ge [sflag:s17], $0x100  }
0x42: {  	[sflag:s17] =	ssyncset.done $0x0  }
0x43: {  	[sflag:s17] =	ssyncadd.s32 $0xFFFFFF00  }
0x44: {  	[spmem:s2] =	stream.indirect.scatter.add.f32 [tilespmem:s12], [sflag:$0x3], $0x80, s19, s18, $0xb8;
	[tilespmem:$0x17E00] =	vst v63  }
0x45: {  	_ =	swait.ge [sflag:s13], $0x3C00  }
0x46: {  	[sflag:s13] =	ssyncset.done $0x0  }
0x47: {  	[sflag:s13] =	ssyncadd.s32 $0xFFFFC400  }
0x48: {  	_ =	swait.ge [sflag:s20], $0x100  }
0x49: {  	[sflag:s20] =	ssyncset.done $0x0  }
0x4a: {  	[sflag:s20] =	ssyncadd.s32 $0xFFFFFF00  }
0x4b: {  	[spmem:s2] =	stream.indirect.scatter.add.f32 [tilespmem:s12], [sflag:$0x3], $0x80, s21, s18, $0xb8;
	[tilespmem:$0x17E00] =	vst v63  }
0x4c: {  	_ =	swait.ge [sflag:s13], $0x3C00  }
0x4d: {  	s22 =	sadd.s32 $0x1, s22;
	[sflag:s13] =	ssyncset.done $0x0  }
0x4e: {  	p0 =	sne.s32 s22, s9;
	[sflag:s13] =	ssyncadd.s32 $0xFFFFC400  }
.Ltmp1:
0x4f: {  	[bflag:$0x0] =	sbarrier.arrive $0xFFFF;
	(pc) =	sbr.rel @p0 .LBB2_1-.Ltmp1, $4  }
0x50: {  	[hbm:s8], [sflag:s14] =	dma.local [spmem:s15], $0x2800  }
0x51: {  	_ =	swait.ge [sflag:s13], $0x2800  }
0x52: {  	[sflag:s13] =	ssyncset.done $0x0  }
0x53: {  	[sflag:s13] =	ssyncadd.s32 $0xFFFFD800  }
0x54: {  	_ =	sfence.sel $0x180000  }
0x55: {  	[bflag:$0x0] =	sbarrier.arrive $0xFFFF  }
0x56: {  	p0 =	sne.s32 s1, $0x0;
	_ =	strace $0x90000047  }
0x57: {  	s0 =	sadd.s32 @!p0 $0x100000, s0;
	[bflag:$0x2] =	sbarrier.arrive $0xFFFF  }
0x58: {  	[sflag:s0] =	ssyncadd.tile.s32 @!p0 $0x1;
	_ =	shalt  }
.Lfunc_end2:
_tile_overlayer_lowered:
.L_overlay_start_2:
0x59: {  	(tag) =	ssettag $0x2  }
0x5a: {  	s0 =	rddreg [dreg:$0x0];
	s2 =	stileid.u32  }
0x5b: {  	s1 =	rddreg [dreg:$0x1];
	p0 =	sne.s32 s2, $0x0  }
0x5c: {  	s3 =	rddreg [dreg:$0x2];
	[bflag:$0x3] =	sbarrier.arrive $0xFFFF;
	s2 =	simm.s32 @!p0 $0x1C03  }
0x5d: {  	[timem:s3], [sflag:s2] =	dma.local @!p0 [hbm:s0], s1  }
0x5e: {  	s0 =	simm.s32 @!p0 $0x3  }
0x5f: {  	_ =	swait.ge @!p0 [sflag:s0], s1  }
0x60: {  	s1 =	ssub.s32 @!p0 $0x0, s1;
	[sflag:s0] =	ssyncset.done @!p0 $0x0  }
0x61: {  	[sflag:s0] =	ssyncadd.s32 @!p0 s1  }
0x62: {  	[bflag:$0x3] =	sbarrier.arrive $0xFFFF  }
0x63: {  	_ =	shalt  }

// kernel: kernel.13.cloned.1.call-start
scs
__scs_entry_jumppad:
0x0: {  	(pc) =	sbr.rel $0x88, $3  }
0x1: {  	(tag) =	ssettag $0x0;
	lr =	simm.s32 $0x1  }
0x2: {  	[smem:$0x3F94] =	sst lr;
	_ =	strace $0xD0000000  }
0x3: {  	_ = 	snop  }
0x4: {  	_ = 	snop  }
0x5: {  	_ = 	snop  }
0x6: {  	_ = 	snop  }
0x7: {  	_ = 	snop  }
__scs_overlays_trampoline_lowered:
0x8: {  	[smem:$0x3FA3] =	sst s0  }
0x9: {  	[smem:$0x3FA4] =	sst s1  }
0xa: {  	[smem:$0x3FA5] =	sst s2  }
0xb: {  	[smem:$0x3FA6] =	sst s3  }
0xc: {  	[smem:$0x3FA7] =	sst s4  }
0xd: {  	[smem:$0x3FA8] =	sst s5  }
0xe: {  	[smem:$0x3FA9] =	sst s6  }
0xf: {  	[smem:$0x3FAA] =	sst s7  }
0x10: {  	[smem:$0x3FAB] =	sst s8  }
0x11: {  	[smem:$0x3FAC] =	sst s9;
	s0 =	simm.s32 @!p0 $0x0  }
0x12: {  	s1 =	sld [smem:$0x3F92];
	s0 =	simm.s32 @p0 $0x1  }
0x13: {  	[smem:$0x3FAD] =	sst s0;
	s0 =	simm.s32 @!p1 $0x0  }
0x14: {  	s2 =	sld [smem:$0x3F91];
	s0 =	simm.s32 @p1 $0x1  }
0x15: {  	[smem:$0x3FAE] =	sst s0;
	s0 =	simm.s32 @!p2 $0x0  }
0x16: {  	s3 =	sld [smem:$0x3FDB];
	s0 =	simm.s32 @p2 $0x1  }
0x17: {  	s4 =	simm.s32 $0x1BF5;
	[smem:$0x3FB0] =	sst s0  }
0x18: {  	s0 =	sld [smem:$0x3F93];
	_ =	swait.ge [sflag:s4], $0x0  }
0x19: {  	s7 =	sld [smem:$0x3F94]  }
0x1a: {  	s8 =	sadd.s32 $0xFFFFE003, lr  }
0x1b: {  	s9 =	sadd.s32 $0xFFFFFEF7, lr;
	s5 =	simm.s32 $0xFFFFFFFF;
	p2 =	slt.u32 s8, $0xFFFFF086  }
0x1c: {  	p1 =	slt.u32 s9, $0xF7A;
	s5 =	simm.s32 @!p2 $0x0  }
0x1d: {  	s5 =	simm.s32 @p1 $0x1;
	p0 =	seq.s32 s7, s2  }
0x1e: {  	s7 =	smul.u32 @!p0 $0xF7A, s2;
	p2 =	seq.s32 @!p0 s5, $0x0  }
0x1f: {  	s9 =	smul.u32 $0xF7A, s1;
	s8 =	simm.s32 @!p0 $0x1BF5;
	p2 =	por !p2, p0  }
0x20: {  	[sflag:s8] =	ssyncset.s32 @!p0 $0xFFFFF086;
	s6 =	sadd.s32 @!p0 s3, s7;
	s7 =	simm.s32 @!p0 $0x108  }
0x21: {  	s3 =	sadd.s32 s3, s9;
	s6 =	sadd.s32 @!p0 $0x88, s6;
	s7 =	simm.s32 @p2 $0x1082  }
0x22: {  	[simem:s7], [sflag:s8] =	dma.local @!p0 [hbm:s6], $0xF7A  }
0x23: {  	s9 =	sor.u32 $0xD0000000, s2;
	s6 =	simm.s32 $0x108;
	_ =	swait.ge @!p0 [sflag:s8], $0x0  }
0x24: {  	s3 =	sadd.s32 $0x88, s3;
	s6 =	simm.s32 @!p1 $0x1082;
	[sflag:s4] =	ssyncset.s32 $0xFFFFF086  }
0x25: {  	[simem:s6], [sflag:s4] =	dma.local [hbm:s3], $0xF7A  }
0x26: {  	[smem:$0x3F94] =	sst s1;
	(tag) =	ssettag s2;
	_ =	strace s9  }
0x27: {  	s1 =	sld [smem:$0x3FA4]  }
0x28: {  	s2 =	sld [smem:$0x3FA5]  }
0x29: {  	s4 =	sld [smem:$0x3FA7]  }
0x2a: {  	p0 =	seq.s32 s5, $0x0;
	s5 =	sld [smem:$0x3FA8]  }
0x2b: {  	s6 =	sld [smem:$0x3FA9]  }
0x2c: {  	s7 =	sld [smem:$0x3FAA]  }
0x2d: {  	s3 =	simm.s32 $0x108;
	s8 =	sld [smem:$0x3FAB]  }
0x2e: {  	s3 =	simm.s32 @!p0 $0x1082;
	s9 =	sld [smem:$0x3FAC]  }
0x2f: {  	lr =	sadd.s32 s0, s3;
	s0 =	sld [smem:$0x3FA3]  }
0x30: {  	s3 =	sld [smem:$0x3FA6]  }
0x31: {  	[smem:$0x3FAF] =	sst s10  }
0x32: {  	s10 =	sld [smem:$0x3FAD];
	_ =	sdelay $0x3  }
0x33: {  	p0 =	seq.s32 s10, $0x1;
	s10 =	sld [smem:$0x3FAF];
	_ =	sdelay $0x3  }
0x34: {  	[smem:$0x3FAF] =	sst s10  }
0x35: {  	s10 =	sld [smem:$0x3FAE];
	_ =	sdelay $0x3  }
0x36: {  	p1 =	seq.s32 s10, $0x1;
	s10 =	sld [smem:$0x3FAF];
	_ =	sdelay $0x3  }
0x37: {  	[smem:$0x3FAF] =	sst s10  }
0x38: {  	s10 =	sld [smem:$0x3FB0]  }
0x39: {  	_ = 	snop;
	(pc) =	sbr.ind lr, $3  }
0x3a: {  	_ = 	snop  }
0x3b: {  	_ = 	snop  }
0x3c: {  	p2 =	seq.s32 s10, $0x1;
	s10 =	sld [smem:$0x3FAF]  }
0x3d: {  	_ =	shalt  }
0x3e: {  	_ =	shalt  }
0x3f: {  	_ =	shalt  }
0x40: {  	_ =	shalt  }
0x41: {  	_ =	shalt  }
0x42: {  	_ =	shalt  }
0x43: {  	_ =	shalt  }
0x44: {  	_ =	shalt  }
0x45: {  	_ =	shalt  }
0x46: {  	_ =	shalt  }
0x47: {  	_ =	shalt  }
0x48: {  	_ =	shalt  }
0x49: {  	_ =	shalt  }
0x4a: {  	_ =	shalt  }
0x4b: {  	_ =	shalt  }
0x4c: {  	_ =	shalt  }
0x4d: {  	_ =	shalt  }
0x4e: {  	_ =	shalt  }
0x4f: {  	_ =	shalt  }
0x50: {  	_ =	shalt  }
0x51: {  	_ =	shalt  }
0x52: {  	_ =	shalt  }
0x53: {  	_ =	shalt  }
0x54: {  	_ =	shalt  }
0x55: {  	_ =	shalt  }
0x56: {  	_ =	shalt  }
0x57: {  	_ =	shalt  }
0x58: {  	_ =	shalt  }
0x59: {  	_ =	shalt  }
0x5a: {  	_ =	shalt  }
0x5b: {  	_ =	shalt  }
0x5c: {  	_ =	shalt  }
0x5d: {  	_ =	shalt  }
0x5e: {  	_ =	shalt  }
0x5f: {  	_ =	shalt  }
0x60: {  	_ =	shalt  }
0x61: {  	_ =	shalt  }
0x62: {  	_ =	shalt  }
0x63: {  	_ =	shalt  }
0x64: {  	_ =	shalt  }
0x65: {  	_ =	shalt  }
0x66: {  	_ =	shalt  }
0x67: {  	_ =	shalt  }
0x68: {  	_ =	shalt  }
0x69: {  	_ =	shalt  }
0x6a: {  	_ =	shalt  }
0x6b: {  	_ =	shalt  }
0x6c: {  	_ =	shalt  }
0x6d: {  	_ =	shalt  }
0x6e: {  	_ =	shalt  }
0x6f: {  	_ =	shalt  }
0x70: {  	_ =	shalt  }
0x71: {  	_ =	shalt  }
0x72: {  	_ =	shalt  }
0x73: {  	_ =	shalt  }
0x74: {  	_ =	shalt  }
0x75: {  	_ =	shalt  }
0x76: {  	_ =	shalt  }
0x77: {  	_ =	shalt  }
0x78: {  	_ =	shalt  }
0x79: {  	_ =	shalt  }
0x7a: {  	_ =	shalt  }
0x7b: {  	_ =	shalt  }
0x7c: {  	_ =	shalt  }
0x7d: {  	_ =	shalt  }
0x7e: {  	_ =	shalt  }
0x7f: {  	_ =	shalt  }
0x80: {  	_ =	shalt  }
0x81: {  	_ =	shalt  }
0x82: {  	_ =	shalt  }
0x83: {  	_ =	shalt  }
0x84: {  	_ =	shalt  }
0x85: {  	_ =	shalt  }
0x86: {  	_ =	shalt  }
0x87: {  	_ =	shalt  }
.Lfunc_end0:
.L_simem_size_0:
called_computation.1_lowered:
.L_overlay_start_0:
0x88: {  	s2 =	sld [smem:$0x3FD9]  }
0x89: {  	s3 =	sld [smem:$0x3FFE];
	_ =	sdelay $0x1  }
0x8a: {  	s1 =	srdreg.scid  }
0x8b: {  	s0 =	sand.u32 $0x1, s1  }
0x8c: {  	s16 =	sshll.u32 s0, $0xA;
	s2 =	sadd.s32 s3, s2  }
0x8d: {  	s2 =	sadd.s32 s2, s16  }
0x8e: {  	[smem:$0x3FBB] =	sst s2  }
0x8f: {  	_ = 	snop  }
0x90: {  	(tm) =	ssettm $0x1  }
0x91: {  	s17 =	sld [smem:$0x3FFB];
	_ =	sdelay $0x3  }
0x92: {  	_ =	strace s17  }
0x93: {  	s2 =	sld [smem:$0x3FFC];
	_ =	sdelay $0x3  }
0x94: {  	_ =	strace s2  }
0x95: {  	s2 =	sld [smem:$0x3FFD];
	_ =	sdelay $0x3  }
0x96: {  	_ =	strace s2  }
0x97: {  	_ =	strace $0x8FFFFFFF  }
0x98: {  	s18 =	sld [smem:$0x3FDB];
	_ =	sdelay $0x1  }
0x99: {  	s19 =	simm.s32 $_scs_section_size  }
0x9a: {  	s4 =	simm.s32 $_size__tile_overlayer_lowered;
	s5 =	simm.s32 $_tile_overlayer_lowered  }
0x9b: {  	s22 =	simm.s32 $0x1BFF;
	s21 =	sshll.u32 s5, $0x1;
	s2 =	sadd.s32 s19, s18  }
0x9c: {  	s6 =	simm.s32 $0x0;
	s20 =	sshll.u32 s4, $0x1;
	s4 =	sadd.s32 s21, s2  }
0x9d: {  	[timem:s6], [sflag:s22] =	dma.local [hbm:s4], s20  }
0x9e: {  	_ =	swait.ge [sflag:s22], s20  }
0x9f: {  	s3 =	ssub.s32 $0x0, s20;
	[sflag:s22] =	ssyncset.done $0x0  }
0xa0: {  	[sflag:s22] =	ssyncadd.s32 s3;
	_ =	sdelay $0x1  }
0xa1: {  	s23 =	simm.s32 $0x1B8B  }
0xa2: {  	_ =	swait.ge [sflag:s23], $0x1  }
0xa3: {  	[sflag:s23] =	ssyncset.done $0x0  }
0xa4: {  	s25 =	simm.s32 $0x1B8E;
	s24 =	sld [smem:$0x3FFE];
	[sflag:s23] =	ssyncadd.s32 $0xFFFFFFFF  }
0xa5: {  	s26 =	simm.s32 $execute0_lowered;
	[smem:$0x3FD2] =	sst s25  }
0xa6: {  	s4 =	sshll.u32 s26, $0x1;
	_ =	strace $0x80000049;
	[dreg:$0x1] =	wrdreg $0xFFFFFFFF  }
0xa7: {  	s28 =	simm.s32 $_size_execute0_lowered;
	s2 =	sadd.s32 s2, s4;
	[dreg:$0x0] =	wrdreg $0x0  }
0xa8: {  	s4 =	sshll.u32 s28, $0x1;
	[dreg:$0x2] =	wrdreg s2  }
0xa9: {  	[dreg:$0x3] =	wrdreg s4  }
0xaa: {  	[dreg:$0x4] =	wrdreg $0xC0  }
0xab: {  	_ =	task [dreg:s6], $0x5FFFF  }
0xac: {  	[dreg:$0x1] =	wrdreg $0xFFFFFFFF  }
0xad: {  	[dreg:$0x0] =	wrdreg $0x60  }
0xae: {  	[dreg:$0x2] =	wrdreg s24  }
0xaf: {  	[dreg:$0x3] =	wrdreg $0xB7000  }
0xb0: {  	[dreg:$0x4] =	wrdreg $0x9  }
0xb1: {  	_ =	task.clear_ibuf [dreg:s6], $0x5FFFF;
	_ =	strace $0x90000049  }
0xb2: {  	s29 =	simm.s32 $0x9;
	_ =	strace $0x8000004B  }
0xb3: {  	_ =	swait.ge [sflag:s29], $0x1  }
0xb4: {  	[sflag:s29] =	ssyncadd.s32 $0xFFFFFFFF  }
0xb5: {  	_ =	strace $0x9000004B  }
0xb6: {  	_ =	sfence  }
0xb7: {  	s30 =	sld [smem:$0x0];
	_ =	sdelay $0x2  }
0xb8: {  	s31 =	sshll.u32 s1, $0xD;
	s1 =	sshrl.u32 s1, $0x2  }
0xb9: {  	s3 =	sand.u32 $0x4000, s31;
	s1 =	sadd.s32 s1, s30  }
0xba: {  	s0 =	sor.u32 s3, s0;
	s1 =	sshll.u32 s1, $0x11  }
0xbb: {  	s0 =	sor.u32 s1, s0  }
0xbc: {  	s0 =	sadd.s32 $0x8F2B, s0  }
0xbd: {  	[sflag:s0] =	ssyncadd.remote.s32 $0x1  }
0xbe: {  	_ =	sfence.sel $0xFFFF  }
0xbf: {  	[dreg:$0x0] =	wrdreg $0xFFFFFFFF;
	(pc) =	sbr.abs _section_cstart, $3  }
0xc0: {  	[dreg:$0x1] =	wrdreg $0xFFFFFFFF  }
0xc1: {  	_ =	task.clear_ibuf [dreg:s6], $0x2FFFF;
	_ =	strace $0x9FFFFFFF  }
0xc2: {  	(tm) =	ssettm $0x7FFFFFFF  }
0xc3: {  	_ =	shalt  }
tec
execute0_lowered:
.L_overlay_start_1:
0x0: {  	(tag) =	ssettag $0x1  }
0x1: {  	s0 =	rddreg [dreg:$0x0]  }
0x2: {  	s2 =	rddreg [dreg:$0x1]  }
0x3: {  	s3 =	simm.s32 $0x0;
	s11 =	stileid.u32;
	s1 =	srdreg.scid  }
0x4: {  	s16 =	simm.s32 $0x7;
	s17 =	simm.s32 $0x100;
	s18 =	simm.s32 $0x200  }
0x5: {  	s19 =	simm.s32 $0x1;
	s28 =	simm.s32 $0x80;
	s29 =	simm.s32 $0x5  }
0x6: {  	s30 =	simm.s32 $0x180;
	s31 =	simm.s32 $0x6;
	s5 =	smul.u32 $0x14000, s11  }
0x7: {  	[smem:$0x7FF] =	sst s3;
	s1 =	sand.u32 $0x1, s1;
	s20 =	smul.u32 $0x5400, s11  }
0x8: {  	s4 =	sadd.s32 $0x40400, s0;
	s8 =	sadd.s32 $0x3400, s0;
	s10 =	smul.u32 $0x50000, s11  }
0x9: {  	s23 =	sshll.u32 s11, $0x6;
	_ =	strace $0x8000004A;
	s6 =	smul.u32 $0x140000, s1  }
0xa: {  	s9 =	smul.u32 $0x54000, s1;
	s1 =	ssub.s32 $0x2, s1;
	s7 =	sshrl.u32 s5, $0x3  }
0xb: {  	s21 =	sshrl.u32 s1, $0x1;
	s22 =	sshrl.u32 s10, $0x2;
	s7 =	sadd.s32 s7, s0  }
0xc: {  	s5 =	sadd.s32 s5, s6;
	s6 =	sadd.s32 s20, s9;
	s1 =	ssub.s32 s1, s21  }
0xd: {  	s15 =	sadd.s32 s22, s2;
	s20 =	simm.s32 $0x78;
	s21 =	simm.s32 $0x300  }
0xe: {  	s22 =	simm.s32 $0x2;
	s5 =	sshrl.u32 s5, $0x3;
	s9 =	sshrl.u32 s6, $0x3  }
0xf: {  	s7 =	sadd.s32 $0x18400, s7;
	s11 =	smax.u32 s1, $0x1;
	s25 =	sadd.s32 $0x500, s6  }
0x10: {  	s26 =	sadd.s32 $0x400, s6;
	s6 =	sor.u32 $0x300, s6;
	s15 =	sshrl.u32 s15, $0x3  }
0x11: {  	s0 =	sadd.s32 s5, s0;
	s5 =	sadd.s32 s8, s9;
	[dreg:$0x3] =	wrdreg s7  }
0x12: {  	s7 =	sor.u32 $0x1C07, s23;
	s1 =	sshrl.u32 s26, $0x3;
	s6 =	sshrl.u32 s6, $0x3  }
0x13: {  	s23 =	simm.s32 $0x3F00;
	s26 =	simm.s32 $0x4;
	s9 =	sadd.s32 $0x20, s5  }
0x14: {  	s24 =	sadd.s32 $0x40, s5;
	s10 =	sadd.s32 $0x67600, s0;
	s0 =	sshrl.u32 s25, $0x3  }
0x15: {  	s13 =	sadd.s32 s1, s8;
	s14 =	sadd.s32 s6, s8;
	[dreg:$0x4] =	wrdreg s9  }
0x16: {  	s25 =	simm.s32 $0x7B00;
	s1 =	simm.s32 $0x0;
	[dreg:$0x5] =	wrdreg s24  }
0x17: {  	s12 =	sadd.s32 s0, s8;
	s24 =	simm.s32 $0x3;
	s0 =	simm.s32 $0x280  }
.LBB2_1:
0x18: {  	s6 =	rddreg [dreg:$0x3]  }
0x19: {  	[spmem:s15], [sflag:s7] =	dma.local [hbm:s6], $0x2800  }
0x1a: {  	_ =	swait.ge [sflag:s16], $0x2800  }
0x1b: {  	[sflag:s16] =	ssyncset.done $0x0  }
0x1c: {  	[sflag:s16] =	ssyncadd.s32 $0xFFFFD800  }
0x1d: {  	[tilespmem:s3], [sflag:$0x1] =	stream.linear.gather [hbm4b:s5+s3], $0x100, $0x38;
	[tilespmem:$0x1F700] =	vst v63  }
0x1e: {  	s8 =	rddreg [dreg:$0x4]  }
0x1f: {  	[tilespmem:s17], [sflag:$0x2] =	stream.linear.gather [hbm4b:s8+s3], $0x100, $0x38;
	[tilespmem:$0x1F700] =	vst v63  }
0x20: {  	s9 =	rddreg [dreg:$0x5]  }
0x21: {  	[tilespmem:s18], [sflag:$0x3] =	stream.linear.gather [hbm4b:s9+s3], $0x100, $0x38;
	[tilespmem:$0x1F700] =	vst v63  }
0x22: {  	_ =	swait.ge [sflag:s19], $0x100  }
0x23: {  	[sflag:s19] =	ssyncset.done $0x0  }
0x24: {  	[sflag:s19] =	ssyncadd.s32 $0xFFFFFF00  }
0x25: {  	[tilespmem:s21], [sflag:$0x4] =	stream.indirect.gather [hbm4b:s4+s20], $0x80, s3, s20, $0xb8;
	[tilespmem:$0x1F700] =	vst v63  }
0x26: {  	_ =	swait.ge [sflag:s22], $0x100  }
0x27: {  	[sflag:s22] =	ssyncset.done $0x0  }
0x28: {  	[sflag:s22] =	ssyncadd.s32 $0xFFFFFF00  }
0x29: {  	[tilespmem:s23], [sflag:$0x5] =	stream.indirect.gather [hbm4b:s4+s20], $0x80, s17, s20, $0xb8;
	[tilespmem:$0x1F700] =	vst v63  }
0x2a: {  	[bflag:$0x0] =	sbarrier.arrive $0xFFFF  }
0x2b: {  	_ =	swait.ge [sflag:s24], $0x100  }
0x2c: {  	[sflag:s24] =	ssyncset.done $0x0  }
0x2d: {  	[sflag:s24] =	ssyncadd.s32 $0xFFFFFF00  }
0x2e: {  	[tilespmem:s25], [sflag:$0x6] =	stream.indirect.gather [hbm4b:s4+s20], $0x80, s18, s20, $0xb8;
	[tilespmem:$0x1F700] =	vst v63  }
0x2f: {  	_ =	swait.ge [sflag:s26], $0x3C00  }
0x30: {  	[sflag:s26] =	ssyncset.done $0x0  }
0x31: {  	[sflag:s26] =	ssyncadd.s32 $0xFFFFC400  }
0x32: {  	[spmem:s2] =	stream.indirect.scatter.add.f32 [tilespmem:s21], [sflag:$0x7], $0x80, s28, s20, $0xb8;
	[tilespmem:$0x1F700] =	vst v63  }
0x33: {  	_ =	swait.ge [sflag:s16], $0x3C00  }
0x34: {  	[sflag:s16] =	ssyncset.done $0x0  }
0x35: {  	s8 =	sadd.s32 $0x0, s14;
	[sflag:s16] =	ssyncadd.s32 $0xFFFFC400  }
0x36: {  	[tilespmem:s3], [sflag:$0x1] =	stream.linear.gather [hbm4b:s8+s3], $0x100, $0x38;
	[tilespmem:$0x1F700] =	vst v63  }
0x37: {  	_ =	swait.ge [sflag:s19], $0x100  }
0x38: {  	[sflag:s19] =	ssyncset.done $0x0  }
0x39: {  	[sflag:s19] =	ssyncadd.s32 $0xFFFFFF00  }
0x3a: {  	[tilespmem:s21], [sflag:$0x4] =	stream.indirect.gather [hbm4b:s4+s20], $0x80, s3, s20, $0xb8;
	[tilespmem:$0x1F700] =	vst v63  }
0x3b: {  	_ =	swait.ge [sflag:s29], $0x3C00  }
0x3c: {  	[sflag:s29] =	ssyncset.done $0x0  }
0x3d: {  	[sflag:s29] =	ssyncadd.s32 $0xFFFFC400  }
0x3e: {  	[spmem:s2] =	stream.indirect.scatter.add.f32 [tilespmem:s23], [sflag:$0x7], $0x80, s30, s20, $0xb8;
	[tilespmem:$0x1F700] =	vst v63  }
0x3f: {  	_ =	swait.ge [sflag:s16], $0x3C00  }
0x40: {  	[sflag:s16] =	ssyncset.done $0x0  }
0x41: {  	s9 =	sadd.s32 $0x0, s13;
	[sflag:s16] =	ssyncadd.s32 $0xFFFFC400  }
0x42: {  	[tilespmem:s17], [sflag:$0x2] =	stream.linear.gather [hbm4b:s9+s3], $0x100, $0x38;
	[tilespmem:$0x1F700] =	vst v63  }
0x43: {  	_ =	swait.ge [sflag:s22], $0x100  }
0x44: {  	[sflag:s22] =	ssyncset.done $0x0  }
0x45: {  	[sflag:s22] =	ssyncadd.s32 $0xFFFFFF00  }
0x46: {  	[tilespmem:s23], [sflag:$0x5] =	stream.indirect.gather [hbm4b:s4+s20], $0x80, s17, s20, $0xb8;
	[tilespmem:$0x1F700] =	vst v63  }
0x47: {  	_ =	swait.ge [sflag:s31], $0x3C00  }
0x48: {  	[sflag:s31] =	ssyncset.done $0x0  }
0x49: {  	[sflag:s31] =	ssyncadd.s32 $0xFFFFC400  }
0x4a: {  	[spmem:s2] =	stream.indirect.scatter.add.f32 [tilespmem:s25], [sflag:$0x7], $0x80, s0, s20, $0xb8;
	[tilespmem:$0x1F700] =	vst v63  }
0x4b: {  	_ =	swait.ge [sflag:s16], $0x3C00  }
0x4c: {  	[sflag:s16] =	ssyncset.done $0x0  }
0x4d: {  	s6 =	simm.s32 $0x60;
	s8 =	sadd.s32 $0x0, s12;
	[sflag:s16] =	ssyncadd.s32 $0xFFFFC400  }
.LBB2_2:
0x4e: {  	[tilespmem:s18], [sflag:$0x3] =	stream.linear.gather [hbm4b:s8+s3], $0x100, $0x38;
	[tilespmem:$0x1F700] =	vst v63  }
0x4f: {  	s8 =	smov.u32 s6  }
0x50: {  	p0 =	sne.s32 s6, $0x9C0;
	s6 =	sadd.s32 $0x60, s6;
	_ =	swait.ge [sflag:s24], $0x100  }
0x51: {  	[sflag:s24] =	ssyncset.done $0x0  }
0x52: {  	[sflag:s24] =	ssyncadd.s32 $0xFFFFFF00  }
0x53: {  	[tilespmem:s25], [sflag:$0x6] =	stream.indirect.gather [hbm4b:s4+s20], $0x80, s18, s20, $0xb8;
	[tilespmem:$0x1F700] =	vst v63  }
0x54: {  	_ =	swait.ge [sflag:s26], $0x3C00  }
0x55: {  	[sflag:s26] =	ssyncset.done $0x0  }
0x56: {  	[sflag:s26] =	ssyncadd.s32 $0xFFFFC400  }
0x57: {  	[spmem:s2] =	stream.indirect.scatter.add.f32 [tilespmem:s21], [sflag:$0x7], $0x80, s28, s20, $0xb8;
	[tilespmem:$0x1F700] =	vst v63  }
0x58: {  	_ =	swait.ge [sflag:s16], $0x3C00  }
0x59: {  	[sflag:s16] =	ssyncset.done $0x0  }
0x5a: {  	s9 =	sadd.s32 s8, s14;
	[sflag:s16] =	ssyncadd.s32 $0xFFFFC400  }
0x5b: {  	[tilespmem:s3], [sflag:$0x1] =	stream.linear.gather [hbm4b:s9+s3], $0x100, $0x38;
	[tilespmem:$0x1F700] =	vst v63  }
0x5c: {  	_ =	swait.ge [sflag:s19], $0x100  }
0x5d: {  	[sflag:s19] =	ssyncset.done $0x0  }
0x5e: {  	[sflag:s19] =	ssyncadd.s32 $0xFFFFFF00  }
0x5f: {  	[tilespmem:s21], [sflag:$0x4] =	stream.indirect.gather [hbm4b:s4+s20], $0x80, s3, s20, $0xb8;
	[tilespmem:$0x1F700] =	vst v63  }
0x60: {  	_ =	swait.ge [sflag:s29], $0x3C00  }
0x61: {  	[sflag:s29] =	ssyncset.done $0x0  }
0x62: {  	[sflag:s29] =	ssyncadd.s32 $0xFFFFC400  }
0x63: {  	[spmem:s2] =	stream.indirect.scatter.add.f32 [tilespmem:s23], [sflag:$0x7], $0x80, s30, s20, $0xb8;
	[tilespmem:$0x1F700] =	vst v63  }
0x64: {  	_ =	swait.ge [sflag:s16], $0x3C00  }
0x65: {  	[sflag:s16] =	ssyncset.done $0x0  }
0x66: {  	s9 =	sadd.s32 s8, s13;
	[sflag:s16] =	ssyncadd.s32 $0xFFFFC400  }
0x67: {  	[tilespmem:s17], [sflag:$0x2] =	stream.linear.gather [hbm4b:s9+s3], $0x100, $0x38;
	[tilespmem:$0x1F700] =	vst v63  }
0x68: {  	_ =	swait.ge [sflag:s22], $0x100  }
0x69: {  	[sflag:s22] =	ssyncset.done $0x0  }
0x6a: {  	[sflag:s22] =	ssyncadd.s32 $0xFFFFFF00  }
0x6b: {  	[tilespmem:s23], [sflag:$0x5] =	stream.indirect.gather [hbm4b:s4+s20], $0x80, s17, s20, $0xb8;
	[tilespmem:$0x1F700] =	vst v63  }
0x6c: {  	_ =	swait.ge [sflag:s31], $0x3C00  }
0x6d: {  	[sflag:s31] =	ssyncset.done $0x0  }
.Ltmp0:
0x6e: {  	[sflag:s31] =	ssyncadd.s32 $0xFFFFC400;
	(pc) =	sbr.rel @p0 .LBB2_2-.Ltmp0, $4  }
0x6f: {  	[spmem:s2] =	stream.indirect.scatter.add.f32 [tilespmem:s25], [sflag:$0x7], $0x80, s0, s20, $0xb8;
	[tilespmem:$0x1F700] =	vst v63  }
0x70: {  	_ =	swait.ge [sflag:s16], $0x3C00  }
0x71: {  	[sflag:s16] =	ssyncset.done $0x0  }
0x72: {  	s8 =	sadd.s32 s8, s12;
	[sflag:s16] =	ssyncadd.s32 $0xFFFFC400  }
0x73: {  	[tilespmem:s18], [sflag:$0x3] =	stream.linear.gather [hbm4b:s8+s3], $0x100, $0x38;
	[tilespmem:$0x1F700] =	vst v63  }
0x74: {  	_ =	swait.ge [sflag:s24], $0x100  }
0x75: {  	[sflag:s24] =	ssyncset.done $0x0  }
0x76: {  	[sflag:s24] =	ssyncadd.s32 $0xFFFFFF00  }
0x77: {  	[tilespmem:s25], [sflag:$0x6] =	stream.indirect.gather [hbm4b:s4+s20], $0x80, s18, s20, $0xb8;
	[tilespmem:$0x1F700] =	vst v63  }
0x78: {  	_ =	swait.ge [sflag:s26], $0x3C00  }
0x79: {  	[sflag:s26] =	ssyncset.done $0x0  }
0x7a: {  	[sflag:s26] =	ssyncadd.s32 $0xFFFFC400  }
0x7b: {  	[spmem:s2] =	stream.indirect.scatter.add.f32 [tilespmem:s21], [sflag:$0x7], $0x80, s28, s20, $0xb8;
	[tilespmem:$0x1F700] =	vst v63  }
0x7c: {  	_ =	swait.ge [sflag:s16], $0x3C00  }
0x7d: {  	[sflag:s16] =	ssyncset.done $0x0  }
0x7e: {  	[sflag:s16] =	ssyncadd.s32 $0xFFFFC400  }
0x7f: {  	_ =	swait.ge [sflag:s29], $0x3C00  }
0x80: {  	[sflag:s29] =	ssyncset.done $0x0  }
0x81: {  	[sflag:s29] =	ssyncadd.s32 $0xFFFFC400  }
0x82: {  	[spmem:s2] =	stream.indirect.scatter.add.f32 [tilespmem:s23], [sflag:$0x7], $0x80, s30, s20, $0xb8;
	[tilespmem:$0x1F700] =	vst v63  }
0x83: {  	_ =	swait.ge [sflag:s16], $0x3C00  }
0x84: {  	[sflag:s16] =	ssyncset.done $0x0  }
0x85: {  	[sflag:s16] =	ssyncadd.s32 $0xFFFFC400  }
0x86: {  	_ =	swait.ge [sflag:s31], $0x3C00  }
0x87: {  	[sflag:s31] =	ssyncset.done $0x0  }
0x88: {  	[sflag:s31] =	ssyncadd.s32 $0xFFFFC400  }
0x89: {  	[spmem:s2] =	stream.indirect.scatter.add.f32 [tilespmem:s25], [sflag:$0x7], $0x80, s0, s20, $0xb8;
	[tilespmem:$0x1F700] =	vst v63  }
0x8a: {  	_ =	swait.ge [sflag:s16], $0x3C00  }
0x8b: {  	s1 =	sadd.s32 $0x1, s1;
	[sflag:s16] =	ssyncset.done $0x0  }
0x8c: {  	p0 =	sne.s32 s1, s11;
	[sflag:s16] =	ssyncadd.s32 $0xFFFFC400  }
.Ltmp1:
0x8d: {  	[bflag:$0x0] =	sbarrier.arrive $0xFFFF;
	(pc) =	sbr.rel @p0 .LBB2_1-.Ltmp1, $4  }
0x8e: {  	[hbm:s10], [sflag:s7] =	dma.local [spmem:s15], $0x2800  }
0x8f: {  	_ =	swait.ge [sflag:s16], $0x2800  }
0x90: {  	[sflag:s16] =	ssyncset.done $0x0  }
0x91: {  	[sflag:s16] =	ssyncadd.s32 $0xFFFFD800  }
0x92: {  	_ =	sfence.sel $0x180000  }
0x93: {  	[bflag:$0x0] =	sbarrier.arrive $0xFFFF  }
0x94: {  	_ =	strace $0x9000004A  }
0x95: {  	s0 =	stileid.u32;
	[bflag:$0x2] =	sbarrier.arrive $0xFFFF  }
0x96: {  	p0 =	sne.s32 s0, $0x0;
	s0 =	rddreg [dreg:$0x2]  }
0x97: {  	s0 =	sadd.s32 @!p0 $0x100000, s0  }
0x98: {  	[sflag:s0] =	ssyncadd.tile.s32 @!p0 $0x1;
	_ =	shalt  }
.Lfunc_end2:
_tile_overlayer_lowered:
.L_overlay_start_2:
0x99: {  	(tag) =	ssettag $0x2  }
0x9a: {  	s0 =	rddreg [dreg:$0x0];
	s2 =	stileid.u32  }
0x9b: {  	s1 =	rddreg [dreg:$0x1];
	p0 =	sne.s32 s2, $0x0  }
0x9c: {  	s3 =	rddreg [dreg:$0x2];
	[bflag:$0x3] =	sbarrier.arrive $0xFFFF;
	s2 =	simm.s32 @!p0 $0x1C07  }
0x9d: {  	[timem:s3], [sflag:s2] =	dma.local @!p0 [hbm:s0], s1  }
0x9e: {  	s0 =	simm.s32 @!p0 $0x7  }
0x9f: {  	_ =	swait.ge @!p0 [sflag:s0], s1  }
0xa0: {  	s1 =	ssub.s32 @!p0 $0x0, s1;
	[sflag:s0] =	ssyncset.done @!p0 $0x0  }
0xa1: {  	[sflag:s0] =	ssyncadd.s32 @!p0 s1  }
0xa2: {  	[bflag:$0x3] =	sbarrier.arrive $0xFFFF  }
0xa3: {  	_ =	shalt  }

// kernel: kernel.16.cloned.1.call-start
scs
__scs_entry_jumppad:
0x0: {  	(pc) =	sbr.rel $0x88, $3  }
0x1: {  	(tag) =	ssettag $0x0;
	lr =	simm.s32 $0x1  }
0x2: {  	[smem:$0x3F94] =	sst lr;
	_ =	strace $0xD0000000  }
0x3: {  	_ = 	snop  }
0x4: {  	_ = 	snop  }
0x5: {  	_ = 	snop  }
0x6: {  	_ = 	snop  }
0x7: {  	_ = 	snop  }
__scs_overlays_trampoline_lowered:
0x8: {  	[smem:$0x3FA3] =	sst s0  }
0x9: {  	[smem:$0x3FA4] =	sst s1  }
0xa: {  	[smem:$0x3FA5] =	sst s2  }
0xb: {  	[smem:$0x3FA6] =	sst s3  }
0xc: {  	[smem:$0x3FA7] =	sst s4  }
0xd: {  	[smem:$0x3FA8] =	sst s5  }
0xe: {  	[smem:$0x3FA9] =	sst s6  }
0xf: {  	[smem:$0x3FAA] =	sst s7  }
0x10: {  	[smem:$0x3FAB] =	sst s8  }
0x11: {  	[smem:$0x3FAC] =	sst s9;
	s0 =	simm.s32 @!p0 $0x0  }
0x12: {  	s1 =	sld [smem:$0x3F92];
	s0 =	simm.s32 @p0 $0x1  }
0x13: {  	[smem:$0x3FAD] =	sst s0;
	s0 =	simm.s32 @!p1 $0x0  }
0x14: {  	s2 =	sld [smem:$0x3F91];
	s0 =	simm.s32 @p1 $0x1  }
0x15: {  	[smem:$0x3FAE] =	sst s0;
	s0 =	simm.s32 @!p2 $0x0  }
0x16: {  	s3 =	sld [smem:$0x3FDB];
	s0 =	simm.s32 @p2 $0x1  }
0x17: {  	s4 =	simm.s32 $0x1BF5;
	[smem:$0x3FB0] =	sst s0  }
0x18: {  	s0 =	sld [smem:$0x3F93];
	_ =	swait.ge [sflag:s4], $0x0  }
0x19: {  	s7 =	sld [smem:$0x3F94]  }
0x1a: {  	s8 =	sadd.s32 $0xFFFFE003, lr  }
0x1b: {  	s9 =	sadd.s32 $0xFFFFFEF7, lr;
	s5 =	simm.s32 $0xFFFFFFFF;
	p2 =	slt.u32 s8, $0xFFFFF086  }
0x1c: {  	p1 =	slt.u32 s9, $0xF7A;
	s5 =	simm.s32 @!p2 $0x0  }
0x1d: {  	s5 =	simm.s32 @p1 $0x1;
	p0 =	seq.s32 s7, s2  }
0x1e: {  	s7 =	smul.u32 @!p0 $0xF7A, s2;
	p2 =	seq.s32 @!p0 s5, $0x0  }
0x1f: {  	s9 =	smul.u32 $0xF7A, s1;
	s8 =	simm.s32 @!p0 $0x1BF5;
	p2 =	por !p2, p0  }
0x20: {  	[sflag:s8] =	ssyncset.s32 @!p0 $0xFFFFF086;
	s6 =	sadd.s32 @!p0 s3, s7;
	s7 =	simm.s32 @!p0 $0x108  }
0x21: {  	s3 =	sadd.s32 s3, s9;
	s6 =	sadd.s32 @!p0 $0x88, s6;
	s7 =	simm.s32 @p2 $0x1082  }
0x22: {  	[simem:s7], [sflag:s8] =	dma.local @!p0 [hbm:s6], $0xF7A  }
0x23: {  	s9 =	sor.u32 $0xD0000000, s2;
	s6 =	simm.s32 $0x108;
	_ =	swait.ge @!p0 [sflag:s8], $0x0  }
0x24: {  	s3 =	sadd.s32 $0x88, s3;
	s6 =	simm.s32 @!p1 $0x1082;
	[sflag:s4] =	ssyncset.s32 $0xFFFFF086  }
0x25: {  	[simem:s6], [sflag:s4] =	dma.local [hbm:s3], $0xF7A  }
0x26: {  	[smem:$0x3F94] =	sst s1;
	(tag) =	ssettag s2;
	_ =	strace s9  }
0x27: {  	s1 =	sld [smem:$0x3FA4]  }
0x28: {  	s2 =	sld [smem:$0x3FA5]  }
0x29: {  	s4 =	sld [smem:$0x3FA7]  }
0x2a: {  	p0 =	seq.s32 s5, $0x0;
	s5 =	sld [smem:$0x3FA8]  }
0x2b: {  	s6 =	sld [smem:$0x3FA9]  }
0x2c: {  	s7 =	sld [smem:$0x3FAA]  }
0x2d: {  	s3 =	simm.s32 $0x108;
	s8 =	sld [smem:$0x3FAB]  }
0x2e: {  	s3 =	simm.s32 @!p0 $0x1082;
	s9 =	sld [smem:$0x3FAC]  }
0x2f: {  	lr =	sadd.s32 s0, s3;
	s0 =	sld [smem:$0x3FA3]  }
0x30: {  	s3 =	sld [smem:$0x3FA6]  }
0x31: {  	[smem:$0x3FAF] =	sst s10  }
0x32: {  	s10 =	sld [smem:$0x3FAD];
	_ =	sdelay $0x3  }
0x33: {  	p0 =	seq.s32 s10, $0x1;
	s10 =	sld [smem:$0x3FAF];
	_ =	sdelay $0x3  }
0x34: {  	[smem:$0x3FAF] =	sst s10  }
0x35: {  	s10 =	sld [smem:$0x3FAE];
	_ =	sdelay $0x3  }
0x36: {  	p1 =	seq.s32 s10, $0x1;
	s10 =	sld [smem:$0x3FAF];
	_ =	sdelay $0x3  }
0x37: {  	[smem:$0x3FAF] =	sst s10  }
0x38: {  	s10 =	sld [smem:$0x3FB0]  }
0x39: {  	_ = 	snop;
	(pc) =	sbr.ind lr, $3  }
0x3a: {  	_ = 	snop  }
0x3b: {  	_ = 	snop  }
0x3c: {  	p2 =	seq.s32 s10, $0x1;
	s10 =	sld [smem:$0x3FAF]  }
0x3d: {  	_ =	shalt  }
0x3e: {  	_ =	shalt  }
0x3f: {  	_ =	shalt  }
0x40: {  	_ =	shalt  }
0x41: {  	_ =	shalt  }
0x42: {  	_ =	shalt  }
0x43: {  	_ =	shalt  }
0x44: {  	_ =	shalt  }
0x45: {  	_ =	shalt  }
0x46: {  	_ =	shalt  }
0x47: {  	_ =	shalt  }
0x48: {  	_ =	shalt  }
0x49: {  	_ =	shalt  }
0x4a: {  	_ =	shalt  }
0x4b: {  	_ =	shalt  }
0x4c: {  	_ =	shalt  }
0x4d: {  	_ =	shalt  }
0x4e: {  	_ =	shalt  }
0x4f: {  	_ =	shalt  }
0x50: {  	_ =	shalt  }
0x51: {  	_ =	shalt  }
0x52: {  	_ =	shalt  }
0x53: {  	_ =	shalt  }
0x54: {  	_ =	shalt  }
0x55: {  	_ =	shalt  }
0x56: {  	_ =	shalt  }
0x57: {  	_ =	shalt  }
0x58: {  	_ =	shalt  }
0x59: {  	_ =	shalt  }
0x5a: {  	_ =	shalt  }
0x5b: {  	_ =	shalt  }
0x5c: {  	_ =	shalt  }
0x5d: {  	_ =	shalt  }
0x5e: {  	_ =	shalt  }
0x5f: {  	_ =	shalt  }
0x60: {  	_ =	shalt  }
0x61: {  	_ =	shalt  }
0x62: {  	_ =	shalt  }
0x63: {  	_ =	shalt  }
0x64: {  	_ =	shalt  }
0x65: {  	_ =	shalt  }
0x66: {  	_ =	shalt  }
0x67: {  	_ =	shalt  }
0x68: {  	_ =	shalt  }
0x69: {  	_ =	shalt  }
0x6a: {  	_ =	shalt  }
0x6b: {  	_ =	shalt  }
0x6c: {  	_ =	shalt  }
0x6d: {  	_ =	shalt  }
0x6e: {  	_ =	shalt  }
0x6f: {  	_ =	shalt  }
0x70: {  	_ =	shalt  }
0x71: {  	_ =	shalt  }
0x72: {  	_ =	shalt  }
0x73: {  	_ =	shalt  }
0x74: {  	_ =	shalt  }
0x75: {  	_ =	shalt  }
0x76: {  	_ =	shalt  }
0x77: {  	_ =	shalt  }
0x78: {  	_ =	shalt  }
0x79: {  	_ =	shalt  }
0x7a: {  	_ =	shalt  }
0x7b: {  	_ =	shalt  }
0x7c: {  	_ =	shalt  }
0x7d: {  	_ =	shalt  }
0x7e: {  	_ =	shalt  }
0x7f: {  	_ =	shalt  }
0x80: {  	_ =	shalt  }
0x81: {  	_ =	shalt  }
0x82: {  	_ =	shalt  }
0x83: {  	_ =	shalt  }
0x84: {  	_ =	shalt  }
0x85: {  	_ =	shalt  }
0x86: {  	_ =	shalt  }
0x87: {  	_ =	shalt  }
.Lfunc_end0:
.L_simem_size_0:
called_computation.2_lowered:
.L_overlay_start_0:
0x88: {  	s2 =	sld [smem:$0x3FD9]  }
0x89: {  	s3 =	sld [smem:$0x3FFE];
	_ =	sdelay $0x1  }
0x8a: {  	s1 =	srdreg.scid  }
0x8b: {  	s0 =	sand.u32 $0x1, s1  }
0x8c: {  	s16 =	sshll.u32 s0, $0xA;
	s2 =	sadd.s32 s3, s2  }
0x8d: {  	s2 =	sadd.s32 s2, s16  }
0x8e: {  	[smem:$0x3FBB] =	sst s2  }
0x8f: {  	_ = 	snop  }
0x90: {  	(tm) =	ssettm $0x1  }
0x91: {  	s17 =	sld [smem:$0x3FFB];
	_ =	sdelay $0x3  }
0x92: {  	_ =	strace s17  }
0x93: {  	s2 =	sld [smem:$0x3FFC];
	_ =	sdelay $0x3  }
0x94: {  	_ =	strace s2  }
0x95: {  	s2 =	sld [smem:$0x3FFD];
	_ =	sdelay $0x3  }
0x96: {  	_ =	strace s2  }
0x97: {  	_ =	strace $0x8FFFFFFF  }
0x98: {  	s18 =	sld [smem:$0x3FDB];
	_ =	sdelay $0x1  }
0x99: {  	s19 =	simm.s32 $_scs_section_size  }
0x9a: {  	s4 =	simm.s32 $_size__tile_overlayer_lowered;
	s5 =	simm.s32 $_tile_overlayer_lowered  }
0x9b: {  	s22 =	simm.s32 $0x1BFF;
	s21 =	sshll.u32 s5, $0x1;
	s2 =	sadd.s32 s19, s18  }
0x9c: {  	s6 =	simm.s32 $0x0;
	s20 =	sshll.u32 s4, $0x1;
	s4 =	sadd.s32 s21, s2  }
0x9d: {  	[timem:s6], [sflag:s22] =	dma.local [hbm:s4], s20  }
0x9e: {  	_ =	swait.ge [sflag:s22], s20  }
0x9f: {  	s3 =	ssub.s32 $0x0, s20;
	[sflag:s22] =	ssyncset.done $0x0  }
0xa0: {  	[sflag:s22] =	ssyncadd.s32 s3;
	_ =	sdelay $0x1  }
0xa1: {  	s23 =	simm.s32 $0x1B8B  }
0xa2: {  	_ =	swait.ge [sflag:s23], $0x1  }
0xa3: {  	[sflag:s23] =	ssyncset.done $0x0  }
0xa4: {  	s25 =	simm.s32 $0x1B8E;
	s24 =	sld [smem:$0x3FFE];
	[sflag:s23] =	ssyncadd.s32 $0xFFFFFFFF  }
0xa5: {  	s26 =	simm.s32 $execute0_lowered;
	[smem:$0x3FD2] =	sst s25  }
0xa6: {  	s4 =	sshll.u32 s26, $0x1;
	_ =	strace $0x8000004C;
	[dreg:$0x1] =	wrdreg $0xFFFFFFFF  }
0xa7: {  	s28 =	simm.s32 $_size_execute0_lowered;
	s2 =	sadd.s32 s2, s4;
	[dreg:$0x0] =	wrdreg $0x0  }
0xa8: {  	s4 =	sshll.u32 s28, $0x1;
	[dreg:$0x2] =	wrdreg s2  }
0xa9: {  	[dreg:$0x3] =	wrdreg s4  }
0xaa: {  	[dreg:$0x4] =	wrdreg $0xC0  }
0xab: {  	_ =	task [dreg:s6], $0x5FFFF  }
0xac: {  	[dreg:$0x1] =	wrdreg $0xFFFFFFFF  }
0xad: {  	[dreg:$0x0] =	wrdreg $0x60  }
0xae: {  	[dreg:$0x2] =	wrdreg s24  }
0xaf: {  	[dreg:$0x3] =	wrdreg $0xB7000  }
0xb0: {  	[dreg:$0x4] =	wrdreg $0x9  }
0xb1: {  	_ =	task.clear_ibuf [dreg:s6], $0x5FFFF;
	_ =	strace $0x9000004C  }
0xb2: {  	s29 =	simm.s32 $0x9;
	_ =	strace $0x8000004E  }
0xb3: {  	_ =	swait.ge [sflag:s29], $0x1  }
0xb4: {  	[sflag:s29] =	ssyncadd.s32 $0xFFFFFFFF  }
0xb5: {  	_ =	strace $0x9000004E  }
0xb6: {  	_ =	sfence  }
0xb7: {  	s30 =	sld [smem:$0x0];
	_ =	sdelay $0x2  }
0xb8: {  	s31 =	sshll.u32 s1, $0xD;
	s1 =	sshrl.u32 s1, $0x2  }
0xb9: {  	s3 =	sand.u32 $0x4000, s31;
	s1 =	sadd.s32 s1, s30  }
0xba: {  	s0 =	sor.u32 s3, s0;
	s1 =	sshll.u32 s1, $0x11  }
0xbb: {  	s0 =	sor.u32 s1, s0  }
0xbc: {  	s0 =	sadd.s32 $0x8F2B, s0  }
0xbd: {  	[sflag:s0] =	ssyncadd.remote.s32 $0x1  }
0xbe: {  	_ =	sfence.sel $0xFFFF  }
0xbf: {  	[dreg:$0x0] =	wrdreg $0xFFFFFFFF;
	(pc) =	sbr.abs _section_cstart, $3  }
0xc0: {  	[dreg:$0x1] =	wrdreg $0xFFFFFFFF  }
0xc1: {  	_ =	task.clear_ibuf [dreg:s6], $0x2FFFF;
	_ =	strace $0x9FFFFFFF  }
0xc2: {  	(tm) =	ssettm $0x7FFFFFFF  }
0xc3: {  	_ =	shalt  }
tec
execute0_lowered:
.L_overlay_start_1:
0x0: {  	(tag) =	ssettag $0x1  }
0x1: {  	s0 =	rddreg [dreg:$0x0]  }
0x2: {  	s2 =	rddreg [dreg:$0x1]  }
0x3: {  	s3 =	simm.s32 $0x0;
	s11 =	stileid.u32;
	s1 =	srdreg.scid  }
0x4: {  	s16 =	simm.s32 $0x7;
	s17 =	simm.s32 $0x100;
	s18 =	simm.s32 $0x200  }
0x5: {  	s19 =	simm.s32 $0x1;
	s28 =	simm.s32 $0x80;
	s29 =	simm.s32 $0x5  }
0x6: {  	s30 =	simm.s32 $0x180;
	s31 =	simm.s32 $0x6;
	s5 =	smul.u32 $0x14000, s11  }
0x7: {  	[smem:$0x7FF] =	sst s3;
	s1 =	sand.u32 $0x1, s1;
	s20 =	smul.u32 $0x5400, s11  }
0x8: {  	s4 =	sadd.s32 $0x40400, s0;
	s8 =	sadd.s32 $0x3400, s0;
	s10 =	smul.u32 $0x50000, s11  }
0x9: {  	s23 =	sshll.u32 s11, $0x6;
	_ =	strace $0x8000004D;
	s6 =	smul.u32 $0x140000, s1  }
0xa: {  	s9 =	smul.u32 $0x54000, s1;
	s1 =	ssub.s32 $0x2, s1;
	s7 =	sshrl.u32 s5, $0x3  }
0xb: {  	s21 =	sshrl.u32 s1, $0x1;
	s22 =	sshrl.u32 s10, $0x2;
	s7 =	sadd.s32 s7, s0  }
0xc: {  	s5 =	sadd.s32 s5, s6;
	s6 =	sadd.s32 s20, s9;
	s1 =	ssub.s32 s1, s21  }
0xd: {  	s15 =	sadd.s32 s22, s2;
	s20 =	simm.s32 $0x78;
	s21 =	simm.s32 $0x300  }
0xe: {  	s22 =	simm.s32 $0x2;
	s5 =	sshrl.u32 s5, $0x3;
	s9 =	sshrl.u32 s6, $0x3  }
0xf: {  	s7 =	sadd.s32 $0x18400, s7;
	s11 =	smax.u32 s1, $0x1;
	s25 =	sadd.s32 $0x500, s6  }
0x10: {  	s26 =	sadd.s32 $0x400, s6;
	s6 =	sor.u32 $0x300, s6;
	s15 =	sshrl.u32 s15, $0x3  }
0x11: {  	s0 =	sadd.s32 s5, s0;
	s5 =	sadd.s32 s8, s9;
	[dreg:$0x3] =	wrdreg s7  }
0x12: {  	s7 =	sor.u32 $0x1C07, s23;
	s1 =	sshrl.u32 s26, $0x3;
	s6 =	sshrl.u32 s6, $0x3  }
0x13: {  	s23 =	simm.s32 $0x3F00;
	s26 =	simm.s32 $0x4;
	s9 =	sadd.s32 $0x20, s5  }
0x14: {  	s24 =	sadd.s32 $0x40, s5;
	s10 =	sadd.s32 $0x67600, s0;
	s0 =	sshrl.u32 s25, $0x3  }
0x15: {  	s13 =	sadd.s32 s1, s8;
	s14 =	sadd.s32 s6, s8;
	[dreg:$0x4] =	wrdreg s9  }
0x16: {  	s25 =	simm.s32 $0x7B00;
	s1 =	simm.s32 $0x0;
	[dreg:$0x5] =	wrdreg s24  }
0x17: {  	s12 =	sadd.s32 s0, s8;
	s24 =	simm.s32 $0x3;
	s0 =	simm.s32 $0x280  }
.LBB2_1:
0x18: {  	s6 =	rddreg [dreg:$0x3]  }
0x19: {  	[spmem:s15], [sflag:s7] =	dma.local [hbm:s6], $0x2800  }
0x1a: {  	_ =	swait.ge [sflag:s16], $0x2800  }
0x1b: {  	[sflag:s16] =	ssyncset.done $0x0  }
0x1c: {  	[sflag:s16] =	ssyncadd.s32 $0xFFFFD800  }
0x1d: {  	[tilespmem:s3], [sflag:$0x1] =	stream.linear.gather [hbm4b:s5+s3], $0x100, $0x38;
	[tilespmem:$0x1F700] =	vst v63  }
0x1e: {  	s8 =	rddreg [dreg:$0x4]  }
0x1f: {  	[tilespmem:s17], [sflag:$0x2] =	stream.linear.gather [hbm4b:s8+s3], $0x100, $0x38;
	[tilespmem:$0x1F700] =	vst v63  }
0x20: {  	s9 =	rddreg [dreg:$0x5]  }
0x21: {  	[tilespmem:s18], [sflag:$0x3] =	stream.linear.gather [hbm4b:s9+s3], $0x100, $0x38;
	[tilespmem:$0x1F700] =	vst v63  }
0x22: {  	_ =	swait.ge [sflag:s19], $0x100  }
0x23: {  	[sflag:s19] =	ssyncset.done $0x0  }
0x24: {  	[sflag:s19] =	ssyncadd.s32 $0xFFFFFF00  }
0x25: {  	[tilespmem:s21], [sflag:$0x4] =	stream.indirect.gather [hbm4b:s4+s20], $0x80, s3, s20, $0xb8;
	[tilespmem:$0x1F700] =	vst v63  }
0x26: {  	_ =	swait.ge [sflag:s22], $0x100  }
0x27: {  	[sflag:s22] =	ssyncset.done $0x0  }
0x28: {  	[sflag:s22] =	ssyncadd.s32 $0xFFFFFF00  }
0x29: {  	[tilespmem:s23], [sflag:$0x5] =	stream.indirect.gather [hbm4b:s4+s20], $0x80, s17, s20, $0xb8;
	[tilespmem:$0x1F700] =	vst v63  }
0x2a: {  	[bflag:$0x0] =	sbarrier.arrive $0xFFFF  }
0x2b: {  	_ =	swait.ge [sflag:s24], $0x100  }
0x2c: {  	[sflag:s24] =	ssyncset.done $0x0  }
0x2d: {  	[sflag:s24] =	ssyncadd.s32 $0xFFFFFF00  }
0x2e: {  	[tilespmem:s25], [sflag:$0x6] =	stream.indirect.gather [hbm4b:s4+s20], $0x80, s18, s20, $0xb8;
	[tilespmem:$0x1F700] =	vst v63  }
0x2f: {  	_ =	swait.ge [sflag:s26], $0x3C00  }
0x30: {  	[sflag:s26] =	ssyncset.done $0x0  }
0x31: {  	[sflag:s26] =	ssyncadd.s32 $0xFFFFC400  }
0x32: {  	[spmem:s2] =	stream.indirect.scatter.add.f32 [tilespmem:s21], [sflag:$0x7], $0x80, s28, s20, $0xb8;
	[tilespmem:$0x1F700] =	vst v63  }
0x33: {  	_ =	swait.ge [sflag:s16], $0x3C00  }
0x34: {  	[sflag:s16] =	ssyncset.done $0x0  }
0x35: {  	s8 =	sadd.s32 $0x0, s14;
	[sflag:s16] =	ssyncadd.s32 $0xFFFFC400  }
0x36: {  	[tilespmem:s3], [sflag:$0x1] =	stream.linear.gather [hbm4b:s8+s3], $0x100, $0x38;
	[tilespmem:$0x1F700] =	vst v63  }
0x37: {  	_ =	swait.ge [sflag:s19], $0x100  }
0x38: {  	[sflag:s19] =	ssyncset.done $0x0  }
0x39: {  	[sflag:s19] =	ssyncadd.s32 $0xFFFFFF00  }
0x3a: {  	[tilespmem:s21], [sflag:$0x4] =	stream.indirect.gather [hbm4b:s4+s20], $0x80, s3, s20, $0xb8;
	[tilespmem:$0x1F700] =	vst v63  }
0x3b: {  	_ =	swait.ge [sflag:s29], $0x3C00  }
0x3c: {  	[sflag:s29] =	ssyncset.done $0x0  }
0x3d: {  	[sflag:s29] =	ssyncadd.s32 $0xFFFFC400  }
0x3e: {  	[spmem:s2] =	stream.indirect.scatter.add.f32 [tilespmem:s23], [sflag:$0x7], $0x80, s30, s20, $0xb8;
	[tilespmem:$0x1F700] =	vst v63  }
0x3f: {  	_ =	swait.ge [sflag:s16], $0x3C00  }
0x40: {  	[sflag:s16] =	ssyncset.done $0x0  }
0x41: {  	s9 =	sadd.s32 $0x0, s13;
	[sflag:s16] =	ssyncadd.s32 $0xFFFFC400  }
0x42: {  	[tilespmem:s17], [sflag:$0x2] =	stream.linear.gather [hbm4b:s9+s3], $0x100, $0x38;
	[tilespmem:$0x1F700] =	vst v63  }
0x43: {  	_ =	swait.ge [sflag:s22], $0x100  }
0x44: {  	[sflag:s22] =	ssyncset.done $0x0  }
0x45: {  	[sflag:s22] =	ssyncadd.s32 $0xFFFFFF00  }
0x46: {  	[tilespmem:s23], [sflag:$0x5] =	stream.indirect.gather [hbm4b:s4+s20], $0x80, s17, s20, $0xb8;
	[tilespmem:$0x1F700] =	vst v63  }
0x47: {  	_ =	swait.ge [sflag:s31], $0x3C00  }
0x48: {  	[sflag:s31] =	ssyncset.done $0x0  }
0x49: {  	[sflag:s31] =	ssyncadd.s32 $0xFFFFC400  }
0x4a: {  	[spmem:s2] =	stream.indirect.scatter.add.f32 [tilespmem:s25], [sflag:$0x7], $0x80, s0, s20, $0xb8;
	[tilespmem:$0x1F700] =	vst v63  }
0x4b: {  	_ =	swait.ge [sflag:s16], $0x3C00  }
0x4c: {  	[sflag:s16] =	ssyncset.done $0x0  }
0x4d: {  	s6 =	simm.s32 $0x60;
	s8 =	sadd.s32 $0x0, s12;
	[sflag:s16] =	ssyncadd.s32 $0xFFFFC400  }
.LBB2_2:
0x4e: {  	[tilespmem:s18], [sflag:$0x3] =	stream.linear.gather [hbm4b:s8+s3], $0x100, $0x38;
	[tilespmem:$0x1F700] =	vst v63  }
0x4f: {  	s8 =	smov.u32 s6  }
0x50: {  	p0 =	sne.s32 s6, $0x9C0;
	s6 =	sadd.s32 $0x60, s6;
	_ =	swait.ge [sflag:s24], $0x100  }
0x51: {  	[sflag:s24] =	ssyncset.done $0x0  }
0x52: {  	[sflag:s24] =	ssyncadd.s32 $0xFFFFFF00  }
0x53: {  	[tilespmem:s25], [sflag:$0x6] =	stream.indirect.gather [hbm4b:s4+s20], $0x80, s18, s20, $0xb8;
	[tilespmem:$0x1F700] =	vst v63  }
0x54: {  	_ =	swait.ge [sflag:s26], $0x3C00  }
0x55: {  	[sflag:s26] =	ssyncset.done $0x0  }
0x56: {  	[sflag:s26] =	ssyncadd.s32 $0xFFFFC400  }
0x57: {  	[spmem:s2] =	stream.indirect.scatter.add.f32 [tilespmem:s21], [sflag:$0x7], $0x80, s28, s20, $0xb8;
	[tilespmem:$0x1F700] =	vst v63  }
0x58: {  	_ =	swait.ge [sflag:s16], $0x3C00  }
0x59: {  	[sflag:s16] =	ssyncset.done $0x0  }
0x5a: {  	s9 =	sadd.s32 s8, s14;
	[sflag:s16] =	ssyncadd.s32 $0xFFFFC400  }
0x5b: {  	[tilespmem:s3], [sflag:$0x1] =	stream.linear.gather [hbm4b:s9+s3], $0x100, $0x38;
	[tilespmem:$0x1F700] =	vst v63  }
0x5c: {  	_ =	swait.ge [sflag:s19], $0x100  }
0x5d: {  	[sflag:s19] =	ssyncset.done $0x0  }
0x5e: {  	[sflag:s19] =	ssyncadd.s32 $0xFFFFFF00  }
0x5f: {  	[tilespmem:s21], [sflag:$0x4] =	stream.indirect.gather [hbm4b:s4+s20], $0x80, s3, s20, $0xb8;
	[tilespmem:$0x1F700] =	vst v63  }
0x60: {  	_ =	swait.ge [sflag:s29], $0x3C00  }
0x61: {  	[sflag:s29] =	ssyncset.done $0x0  }
0x62: {  	[sflag:s29] =	ssyncadd.s32 $0xFFFFC400  }
0x63: {  	[spmem:s2] =	stream.indirect.scatter.add.f32 [tilespmem:s23], [sflag:$0x7], $0x80, s30, s20, $0xb8;
	[tilespmem:$0x1F700] =	vst v63  }
0x64: {  	_ =	swait.ge [sflag:s16], $0x3C00  }
0x65: {  	[sflag:s16] =	ssyncset.done $0x0  }
0x66: {  	s9 =	sadd.s32 s8, s13;
	[sflag:s16] =	ssyncadd.s32 $0xFFFFC400  }
0x67: {  	[tilespmem:s17], [sflag:$0x2] =	stream.linear.gather [hbm4b:s9+s3], $0x100, $0x38;
	[tilespmem:$0x1F700] =	vst v63  }
0x68: {  	_ =	swait.ge [sflag:s22], $0x100  }
0x69: {  	[sflag:s22] =	ssyncset.done $0x0  }
0x6a: {  	[sflag:s22] =	ssyncadd.s32 $0xFFFFFF00  }
0x6b: {  	[tilespmem:s23], [sflag:$0x5] =	stream.indirect.gather [hbm4b:s4+s20], $0x80, s17, s20, $0xb8;
	[tilespmem:$0x1F700] =	vst v63  }
0x6c: {  	_ =	swait.ge [sflag:s31], $0x3C00  }
0x6d: {  	[sflag:s31] =	ssyncset.done $0x0  }
.Ltmp0:
0x6e: {  	[sflag:s31] =	ssyncadd.s32 $0xFFFFC400;
	(pc) =	sbr.rel @p0 .LBB2_2-.Ltmp0, $4  }
0x6f: {  	[spmem:s2] =	stream.indirect.scatter.add.f32 [tilespmem:s25], [sflag:$0x7], $0x80, s0, s20, $0xb8;
	[tilespmem:$0x1F700] =	vst v63  }
0x70: {  	_ =	swait.ge [sflag:s16], $0x3C00  }
0x71: {  	[sflag:s16] =	ssyncset.done $0x0  }
0x72: {  	s8 =	sadd.s32 s8, s12;
	[sflag:s16] =	ssyncadd.s32 $0xFFFFC400  }
0x73: {  	[tilespmem:s18], [sflag:$0x3] =	stream.linear.gather [hbm4b:s8+s3], $0x100, $0x38;
	[tilespmem:$0x1F700] =	vst v63  }
0x74: {  	_ =	swait.ge [sflag:s24], $0x100  }
0x75: {  	[sflag:s24] =	ssyncset.done $0x0  }
0x76: {  	[sflag:s24] =	ssyncadd.s32 $0xFFFFFF00  }
0x77: {  	[tilespmem:s25], [sflag:$0x6] =	stream.indirect.gather [hbm4b:s4+s20], $0x80, s18, s20, $0xb8;
	[tilespmem:$0x1F700] =	vst v63  }
0x78: {  	_ =	swait.ge [sflag:s26], $0x3C00  }
0x79: {  	[sflag:s26] =	ssyncset.done $0x0  }
0x7a: {  	[sflag:s26] =	ssyncadd.s32 $0xFFFFC400  }
0x7b: {  	[spmem:s2] =	stream.indirect.scatter.add.f32 [tilespmem:s21], [sflag:$0x7], $0x80, s28, s20, $0xb8;
	[tilespmem:$0x1F700] =	vst v63  }
0x7c: {  	_ =	swait.ge [sflag:s16], $0x3C00  }
0x7d: {  	[sflag:s16] =	ssyncset.done $0x0  }
0x7e: {  	[sflag:s16] =	ssyncadd.s32 $0xFFFFC400  }
0x7f: {  	_ =	swait.ge [sflag:s29], $0x3C00  }
0x80: {  	[sflag:s29] =	ssyncset.done $0x0  }
0x81: {  	[sflag:s29] =	ssyncadd.s32 $0xFFFFC400  }
0x82: {  	[spmem:s2] =	stream.indirect.scatter.add.f32 [tilespmem:s23], [sflag:$0x7], $0x80, s30, s20, $0xb8;
	[tilespmem:$0x1F700] =	vst v63  }
0x83: {  	_ =	swait.ge [sflag:s16], $0x3C00  }
0x84: {  	[sflag:s16] =	ssyncset.done $0x0  }
0x85: {  	[sflag:s16] =	ssyncadd.s32 $0xFFFFC400  }
0x86: {  	_ =	swait.ge [sflag:s31], $0x3C00  }
0x87: {  	[sflag:s31] =	ssyncset.done $0x0  }
0x88: {  	[sflag:s31] =	ssyncadd.s32 $0xFFFFC400  }
0x89: {  	[spmem:s2] =	stream.indirect.scatter.add.f32 [tilespmem:s25], [sflag:$0x7], $0x80, s0, s20, $0xb8;
	[tilespmem:$0x1F700] =	vst v63  }
0x8a: {  	_ =	swait.ge [sflag:s16], $0x3C00  }
0x8b: {  	s1 =	sadd.s32 $0x1, s1;
	[sflag:s16] =	ssyncset.done $0x0  }
0x8c: {  	p0 =	sne.s32 s1, s11;
	[sflag:s16] =	ssyncadd.s32 $0xFFFFC400  }
.Ltmp1:
0x8d: {  	[bflag:$0x0] =	sbarrier.arrive $0xFFFF;
	(pc) =	sbr.rel @p0 .LBB2_1-.Ltmp1, $4  }
0x8e: {  	[hbm:s10], [sflag:s7] =	dma.local [spmem:s15], $0x2800  }
0x8f: {  	_ =	swait.ge [sflag:s16], $0x2800  }
0x90: {  	[sflag:s16] =	ssyncset.done $0x0  }
0x91: {  	[sflag:s16] =	ssyncadd.s32 $0xFFFFD800  }
0x92: {  	_ =	sfence.sel $0x180000  }
0x93: {  	[bflag:$0x0] =	sbarrier.arrive $0xFFFF  }
0x94: {  	_ =	strace $0x9000004D  }
0x95: {  	s0 =	stileid.u32;
	[bflag:$0x2] =	sbarrier.arrive $0xFFFF  }
0x96: {  	p0 =	sne.s32 s0, $0x0;
	s0 =	rddreg [dreg:$0x2]  }
0x97: {  	s0 =	sadd.s32 @!p0 $0x100000, s0  }
0x98: {  	[sflag:s0] =	ssyncadd.tile.s32 @!p0 $0x1;
	_ =	shalt  }
.Lfunc_end2:
_tile_overlayer_lowered:
.L_overlay_start_2:
0x99: {  	(tag) =	ssettag $0x2  }
0x9a: {  	s0 =	rddreg [dreg:$0x0];
	s2 =	stileid.u32  }
0x9b: {  	s1 =	rddreg [dreg:$0x1];
	p0 =	sne.s32 s2, $0x0  }
0x9c: {  	s3 =	rddreg [dreg:$0x2];
	[bflag:$0x3] =	sbarrier.arrive $0xFFFF;
	s2 =	simm.s32 @!p0 $0x1C07  }
0x9d: {  	[timem:s3], [sflag:s2] =	dma.local @!p0 [hbm:s0], s1  }
0x9e: {  	s0 =	simm.s32 @!p0 $0x7  }
0x9f: {  	_ =	swait.ge @!p0 [sflag:s0], s1  }
0xa0: {  	s1 =	ssub.s32 @!p0 $0x0, s1;
	[sflag:s0] =	ssyncset.done @!p0 $0x0  }
0xa1: {  	[sflag:s0] =	ssyncadd.s32 @!p0 s1  }
0xa2: {  	[bflag:$0x3] =	sbarrier.arrive $0xFFFF  }
0xa3: {  	_ =	shalt  }

// kernel: kernel.19.cloned.1.call-start
scs
__scs_entry_jumppad:
0x0: {  	(pc) =	sbr.rel $0x88, $3  }
0x1: {  	(tag) =	ssettag $0x0;
	lr =	simm.s32 $0x1  }
0x2: {  	[smem:$0x3F94] =	sst lr;
	_ =	strace $0xD0000000  }
0x3: {  	_ = 	snop  }
0x4: {  	_ = 	snop  }
0x5: {  	_ = 	snop  }
0x6: {  	_ = 	snop  }
0x7: {  	_ = 	snop  }
__scs_overlays_trampoline_lowered:
0x8: {  	[smem:$0x3FA3] =	sst s0  }
0x9: {  	[smem:$0x3FA4] =	sst s1  }
0xa: {  	[smem:$0x3FA5] =	sst s2  }
0xb: {  	[smem:$0x3FA6] =	sst s3  }
0xc: {  	[smem:$0x3FA7] =	sst s4  }
0xd: {  	[smem:$0x3FA8] =	sst s5  }
0xe: {  	[smem:$0x3FA9] =	sst s6  }
0xf: {  	[smem:$0x3FAA] =	sst s7  }
0x10: {  	[smem:$0x3FAB] =	sst s8  }
0x11: {  	[smem:$0x3FAC] =	sst s9;
	s0 =	simm.s32 @!p0 $0x0  }
0x12: {  	s1 =	sld [smem:$0x3F92];
	s0 =	simm.s32 @p0 $0x1  }
0x13: {  	[smem:$0x3FAD] =	sst s0;
	s0 =	simm.s32 @!p1 $0x0  }
0x14: {  	s2 =	sld [smem:$0x3F91];
	s0 =	simm.s32 @p1 $0x1  }
0x15: {  	[smem:$0x3FAE] =	sst s0;
	s0 =	simm.s32 @!p2 $0x0  }
0x16: {  	s3 =	sld [smem:$0x3FDB];
	s0 =	simm.s32 @p2 $0x1  }
0x17: {  	s4 =	simm.s32 $0x1BF5;
	[smem:$0x3FB0] =	sst s0  }
0x18: {  	s0 =	sld [smem:$0x3F93];
	_ =	swait.ge [sflag:s4], $0x0  }
0x19: {  	s7 =	sld [smem:$0x3F94]  }
0x1a: {  	s8 =	sadd.s32 $0xFFFFE003, lr  }
0x1b: {  	s9 =	sadd.s32 $0xFFFFFEF7, lr;
	s5 =	simm.s32 $0xFFFFFFFF;
	p2 =	slt.u32 s8, $0xFFFFF086  }
0x1c: {  	p1 =	slt.u32 s9, $0xF7A;
	s5 =	simm.s32 @!p2 $0x0  }
0x1d: {  	s5 =	simm.s32 @p1 $0x1;
	p0 =	seq.s32 s7, s2  }
0x1e: {  	s7 =	smul.u32 @!p0 $0xF7A, s2;
	p2 =	seq.s32 @!p0 s5, $0x0  }
0x1f: {  	s9 =	smul.u32 $0xF7A, s1;
	s8 =	simm.s32 @!p0 $0x1BF5;
	p2 =	por !p2, p0  }
0x20: {  	[sflag:s8] =	ssyncset.s32 @!p0 $0xFFFFF086;
	s6 =	sadd.s32 @!p0 s3, s7;
	s7 =	simm.s32 @!p0 $0x108  }
0x21: {  	s3 =	sadd.s32 s3, s9;
	s6 =	sadd.s32 @!p0 $0x88, s6;
	s7 =	simm.s32 @p2 $0x1082  }
0x22: {  	[simem:s7], [sflag:s8] =	dma.local @!p0 [hbm:s6], $0xF7A  }
0x23: {  	s9 =	sor.u32 $0xD0000000, s2;
	s6 =	simm.s32 $0x108;
	_ =	swait.ge @!p0 [sflag:s8], $0x0  }
0x24: {  	s3 =	sadd.s32 $0x88, s3;
	s6 =	simm.s32 @!p1 $0x1082;
	[sflag:s4] =	ssyncset.s32 $0xFFFFF086  }
0x25: {  	[simem:s6], [sflag:s4] =	dma.local [hbm:s3], $0xF7A  }
0x26: {  	[smem:$0x3F94] =	sst s1;
	(tag) =	ssettag s2;
	_ =	strace s9  }
0x27: {  	s1 =	sld [smem:$0x3FA4]  }
0x28: {  	s2 =	sld [smem:$0x3FA5]  }
0x29: {  	s4 =	sld [smem:$0x3FA7]  }
0x2a: {  	p0 =	seq.s32 s5, $0x0;
	s5 =	sld [smem:$0x3FA8]  }
0x2b: {  	s6 =	sld [smem:$0x3FA9]  }
0x2c: {  	s7 =	sld [smem:$0x3FAA]  }
0x2d: {  	s3 =	simm.s32 $0x108;
	s8 =	sld [smem:$0x3FAB]  }
0x2e: {  	s3 =	simm.s32 @!p0 $0x1082;
	s9 =	sld [smem:$0x3FAC]  }
0x2f: {  	lr =	sadd.s32 s0, s3;
	s0 =	sld [smem:$0x3FA3]  }
0x30: {  	s3 =	sld [smem:$0x3FA6]  }
0x31: {  	[smem:$0x3FAF] =	sst s10  }
0x32: {  	s10 =	sld [smem:$0x3FAD];
	_ =	sdelay $0x3  }
0x33: {  	p0 =	seq.s32 s10, $0x1;
	s10 =	sld [smem:$0x3FAF];
	_ =	sdelay $0x3  }
0x34: {  	[smem:$0x3FAF] =	sst s10  }
0x35: {  	s10 =	sld [smem:$0x3FAE];
	_ =	sdelay $0x3  }
0x36: {  	p1 =	seq.s32 s10, $0x1;
	s10 =	sld [smem:$0x3FAF];
	_ =	sdelay $0x3  }
0x37: {  	[smem:$0x3FAF] =	sst s10  }
0x38: {  	s10 =	sld [smem:$0x3FB0]  }
0x39: {  	_ = 	snop;
	(pc) =	sbr.ind lr, $3  }
0x3a: {  	_ = 	snop  }
0x3b: {  	_ = 	snop  }
0x3c: {  	p2 =	seq.s32 s10, $0x1;
	s10 =	sld [smem:$0x3FAF]  }
0x3d: {  	_ =	shalt  }
0x3e: {  	_ =	shalt  }
0x3f: {  	_ =	shalt  }
0x40: {  	_ =	shalt  }
0x41: {  	_ =	shalt  }
0x42: {  	_ =	shalt  }
0x43: {  	_ =	shalt  }
0x44: {  	_ =	shalt  }
0x45: {  	_ =	shalt  }
0x46: {  	_ =	shalt  }
0x47: {  	_ =	shalt  }
0x48: {  	_ =	shalt  }
0x49: {  	_ =	shalt  }
0x4a: {  	_ =	shalt  }
0x4b: {  	_ =	shalt  }
0x4c: {  	_ =	shalt  }
0x4d: {  	_ =	shalt  }
0x4e: {  	_ =	shalt  }
0x4f: {  	_ =	shalt  }
0x50: {  	_ =	shalt  }
0x51: {  	_ =	shalt  }
0x52: {  	_ =	shalt  }
0x53: {  	_ =	shalt  }
0x54: {  	_ =	shalt  }
0x55: {  	_ =	shalt  }
0x56: {  	_ =	shalt  }
0x57: {  	_ =	shalt  }
0x58: {  	_ =	shalt  }
0x59: {  	_ =	shalt  }
0x5a: {  	_ =	shalt  }
0x5b: {  	_ =	shalt  }
0x5c: {  	_ =	shalt  }
0x5d: {  	_ =	shalt  }
0x5e: {  	_ =	shalt  }
0x5f: {  	_ =	shalt  }
0x60: {  	_ =	shalt  }
0x61: {  	_ =	shalt  }
0x62: {  	_ =	shalt  }
0x63: {  	_ =	shalt  }
0x64: {  	_ =	shalt  }
0x65: {  	_ =	shalt  }
0x66: {  	_ =	shalt  }
0x67: {  	_ =	shalt  }
0x68: {  	_ =	shalt  }
0x69: {  	_ =	shalt  }
0x6a: {  	_ =	shalt  }
0x6b: {  	_ =	shalt  }
0x6c: {  	_ =	shalt  }
0x6d: {  	_ =	shalt  }
0x6e: {  	_ =	shalt  }
0x6f: {  	_ =	shalt  }
0x70: {  	_ =	shalt  }
0x71: {  	_ =	shalt  }
0x72: {  	_ =	shalt  }
0x73: {  	_ =	shalt  }
0x74: {  	_ =	shalt  }
0x75: {  	_ =	shalt  }
0x76: {  	_ =	shalt  }
0x77: {  	_ =	shalt  }
0x78: {  	_ =	shalt  }
0x79: {  	_ =	shalt  }
0x7a: {  	_ =	shalt  }
0x7b: {  	_ =	shalt  }
0x7c: {  	_ =	shalt  }
0x7d: {  	_ =	shalt  }
0x7e: {  	_ =	shalt  }
0x7f: {  	_ =	shalt  }
0x80: {  	_ =	shalt  }
0x81: {  	_ =	shalt  }
0x82: {  	_ =	shalt  }
0x83: {  	_ =	shalt  }
0x84: {  	_ =	shalt  }
0x85: {  	_ =	shalt  }
0x86: {  	_ =	shalt  }
0x87: {  	_ =	shalt  }
.Lfunc_end0:
.L_simem_size_0:
called_computation.3_lowered:
.L_overlay_start_0:
0x88: {  	s2 =	sld [smem:$0x3FD9]  }
0x89: {  	s3 =	sld [smem:$0x3FFE];
	_ =	sdelay $0x1  }
0x8a: {  	s1 =	srdreg.scid  }
0x8b: {  	s0 =	sand.u32 $0x1, s1  }
0x8c: {  	s16 =	sshll.u32 s0, $0xA;
	s2 =	sadd.s32 s3, s2  }
0x8d: {  	s2 =	sadd.s32 s2, s16  }
0x8e: {  	[smem:$0x3FBB] =	sst s2  }
0x8f: {  	_ = 	snop  }
0x90: {  	(tm) =	ssettm $0x1  }
0x91: {  	s17 =	sld [smem:$0x3FFB];
	_ =	sdelay $0x3  }
0x92: {  	_ =	strace s17  }
0x93: {  	s2 =	sld [smem:$0x3FFC];
	_ =	sdelay $0x3  }
0x94: {  	_ =	strace s2  }
0x95: {  	s2 =	sld [smem:$0x3FFD];
	_ =	sdelay $0x3  }
0x96: {  	_ =	strace s2  }
0x97: {  	_ =	strace $0x8FFFFFFF  }
0x98: {  	s18 =	sld [smem:$0x3FDB];
	_ =	sdelay $0x1  }
0x99: {  	s19 =	simm.s32 $_scs_section_size  }
0x9a: {  	s4 =	simm.s32 $_size__tile_overlayer_lowered;
	s5 =	simm.s32 $_tile_overlayer_lowered  }
0x9b: {  	s22 =	simm.s32 $0x1BFF;
	s21 =	sshll.u32 s5, $0x1;
	s2 =	sadd.s32 s19, s18  }
0x9c: {  	s6 =	simm.s32 $0x0;
	s20 =	sshll.u32 s4, $0x1;
	s4 =	sadd.s32 s21, s2  }
0x9d: {  	[timem:s6], [sflag:s22] =	dma.local [hbm:s4], s20  }
0x9e: {  	_ =	swait.ge [sflag:s22], s20  }
0x9f: {  	s3 =	ssub.s32 $0x0, s20;
	[sflag:s22] =	ssyncset.done $0x0  }
0xa0: {  	[sflag:s22] =	ssyncadd.s32 s3;
	_ =	sdelay $0x1  }
0xa1: {  	s23 =	simm.s32 $0x1B8B  }
0xa2: {  	_ =	swait.ge [sflag:s23], $0x1  }
0xa3: {  	[sflag:s23] =	ssyncset.done $0x0  }
0xa4: {  	s25 =	simm.s32 $0x1B8E;
	s24 =	sld [smem:$0x3FFE];
	[sflag:s23] =	ssyncadd.s32 $0xFFFFFFFF  }
0xa5: {  	s26 =	simm.s32 $execute0_lowered;
	[smem:$0x3FD2] =	sst s25  }
0xa6: {  	s4 =	sshll.u32 s26, $0x1;
	_ =	strace $0x8000004F;
	[dreg:$0x1] =	wrdreg $0xFFFFFFFF  }
0xa7: {  	s28 =	simm.s32 $_size_execute0_lowered;
	s2 =	sadd.s32 s2, s4;
	[dreg:$0x0] =	wrdreg $0x0  }
0xa8: {  	s4 =	sshll.u32 s28, $0x1;
	[dreg:$0x2] =	wrdreg s2  }
0xa9: {  	[dreg:$0x3] =	wrdreg s4  }
0xaa: {  	[dreg:$0x4] =	wrdreg $0xC0  }
0xab: {  	_ =	task [dreg:s6], $0x5FFFF  }
0xac: {  	[dreg:$0x1] =	wrdreg $0xFFFFFFFF  }
0xad: {  	[dreg:$0x0] =	wrdreg $0x60  }
0xae: {  	[dreg:$0x2] =	wrdreg s24  }
0xaf: {  	[dreg:$0x3] =	wrdreg $0xB7000  }
0xb0: {  	[dreg:$0x4] =	wrdreg $0x9  }
0xb1: {  	_ =	task.clear_ibuf [dreg:s6], $0x5FFFF;
	_ =	strace $0x9000004F  }
0xb2: {  	s29 =	simm.s32 $0x9;
	_ =	strace $0x80000051  }
0xb3: {  	_ =	swait.ge [sflag:s29], $0x1  }
0xb4: {  	[sflag:s29] =	ssyncadd.s32 $0xFFFFFFFF  }
0xb5: {  	_ =	strace $0x90000051  }
0xb6: {  	_ =	sfence  }
0xb7: {  	s30 =	sld [smem:$0x0];
	_ =	sdelay $0x2  }
0xb8: {  	s31 =	sshll.u32 s1, $0xD;
	s1 =	sshrl.u32 s1, $0x2  }
0xb9: {  	s3 =	sand.u32 $0x4000, s31;
	s1 =	sadd.s32 s1, s30  }
0xba: {  	s0 =	sor.u32 s3, s0;
	s1 =	sshll.u32 s1, $0x11  }
0xbb: {  	s0 =	sor.u32 s1, s0  }
0xbc: {  	s0 =	sadd.s32 $0x8F2B, s0  }
0xbd: {  	[sflag:s0] =	ssyncadd.remote.s32 $0x1  }
0xbe: {  	_ =	sfence.sel $0xFFFF  }
0xbf: {  	[dreg:$0x0] =	wrdreg $0xFFFFFFFF;
	(pc) =	sbr.abs _section_cstart, $3  }
0xc0: {  	[dreg:$0x1] =	wrdreg $0xFFFFFFFF  }
0xc1: {  	_ =	task.clear_ibuf [dreg:s6], $0x2FFFF;
	_ =	strace $0x9FFFFFFF  }
0xc2: {  	(tm) =	ssettm $0x7FFFFFFF  }
0xc3: {  	_ =	shalt  }
tec
execute0_lowered:
.L_overlay_start_1:
0x0: {  	(tag) =	ssettag $0x1  }
0x1: {  	s0 =	rddreg [dreg:$0x0]  }
0x2: {  	s2 =	rddreg [dreg:$0x1]  }
0x3: {  	s3 =	simm.s32 $0x0;
	s11 =	stileid.u32;
	s1 =	srdreg.scid  }
0x4: {  	s16 =	simm.s32 $0x7;
	s17 =	simm.s32 $0x100;
	s18 =	simm.s32 $0x200  }
0x5: {  	s19 =	simm.s32 $0x1;
	s28 =	simm.s32 $0x80;
	s29 =	simm.s32 $0x5  }
0x6: {  	s30 =	simm.s32 $0x180;
	s31 =	simm.s32 $0x6;
	s5 =	smul.u32 $0x14000, s11  }
0x7: {  	[smem:$0x7FF] =	sst s3;
	s1 =	sand.u32 $0x1, s1;
	s20 =	smul.u32 $0x5400, s11  }
0x8: {  	s4 =	sadd.s32 $0x40400, s0;
	s8 =	sadd.s32 $0x3400, s0;
	s10 =	smul.u32 $0x50000, s11  }
0x9: {  	s23 =	sshll.u32 s11, $0x6;
	_ =	strace $0x80000050;
	s6 =	smul.u32 $0x140000, s1  }
0xa: {  	s9 =	smul.u32 $0x54000, s1;
	s1 =	ssub.s32 $0x2, s1;
	s7 =	sshrl.u32 s5, $0x3  }
0xb: {  	s21 =	sshrl.u32 s1, $0x1;
	s22 =	sshrl.u32 s10, $0x2;
	s7 =	sadd.s32 s7, s0  }
0xc: {  	s5 =	sadd.s32 s5, s6;
	s6 =	sadd.s32 s20, s9;
	s1 =	ssub.s32 s1, s21  }
0xd: {  	s15 =	sadd.s32 s22, s2;
	s20 =	simm.s32 $0x78;
	s21 =	simm.s32 $0x300  }
0xe: {  	s22 =	simm.s32 $0x2;
	s5 =	sshrl.u32 s5, $0x3;
	s9 =	sshrl.u32 s6, $0x3  }
0xf: {  	s7 =	sadd.s32 $0x18400, s7;
	s11 =	smax.u32 s1, $0x1;
	s25 =	sadd.s32 $0x500, s6  }
0x10: {  	s26 =	sadd.s32 $0x400, s6;
	s6 =	sor.u32 $0x300, s6;
	s15 =	sshrl.u32 s15, $0x3  }
0x11: {  	s0 =	sadd.s32 s5, s0;
	s5 =	sadd.s32 s8, s9;
	[dreg:$0x3] =	wrdreg s7  }
0x12: {  	s7 =	sor.u32 $0x1C07, s23;
	s1 =	sshrl.u32 s26, $0x3;
	s6 =	sshrl.u32 s6, $0x3  }
0x13: {  	s23 =	simm.s32 $0x3F00;
	s26 =	simm.s32 $0x4;
	s9 =	sadd.s32 $0x20, s5  }
0x14: {  	s24 =	sadd.s32 $0x40, s5;
	s10 =	sadd.s32 $0x67600, s0;
	s0 =	sshrl.u32 s25, $0x3  }
0x15: {  	s13 =	sadd.s32 s1, s8;
	s14 =	sadd.s32 s6, s8;
	[dreg:$0x4] =	wrdreg s9  }
0x16: {  	s25 =	simm.s32 $0x7B00;
	s1 =	simm.s32 $0x0;
	[dreg:$0x5] =	wrdreg s24  }
0x17: {  	s12 =	sadd.s32 s0, s8;
	s24 =	simm.s32 $0x3;
	s0 =	simm.s32 $0x280  }
.LBB2_1:
0x18: {  	s6 =	rddreg [dreg:$0x3]  }
0x19: {  	[spmem:s15], [sflag:s7] =	dma.local [hbm:s6], $0x2800  }
0x1a: {  	_ =	swait.ge [sflag:s16], $0x2800  }
0x1b: {  	[sflag:s16] =	ssyncset.done $0x0  }
0x1c: {  	[sflag:s16] =	ssyncadd.s32 $0xFFFFD800  }
0x1d: {  	[tilespmem:s3], [sflag:$0x1] =	stream.linear.gather [hbm4b:s5+s3], $0x100, $0x38;
	[tilespmem:$0x1F700] =	vst v63  }
0x1e: {  	s8 =	rddreg [dreg:$0x4]  }
0x1f: {  	[tilespmem:s17], [sflag:$0x2] =	stream.linear.gather [hbm4b:s8+s3], $0x100, $0x38;
	[tilespmem:$0x1F700] =	vst v63  }
0x20: {  	s9 =	rddreg [dreg:$0x5]  }
0x21: {  	[tilespmem:s18], [sflag:$0x3] =	stream.linear.gather [hbm4b:s9+s3], $0x100, $0x38;
	[tilespmem:$0x1F700] =	vst v63  }
0x22: {  	_ =	swait.ge [sflag:s19], $0x100  }
0x23: {  	[sflag:s19] =	ssyncset.done $0x0  }
0x24: {  	[sflag:s19] =	ssyncadd.s32 $0xFFFFFF00  }
0x25: {  	[tilespmem:s21], [sflag:$0x4] =	stream.indirect.gather [hbm4b:s4+s20], $0x80, s3, s20, $0xb8;
	[tilespmem:$0x1F700] =	vst v63  }
0x26: {  	_ =	swait.ge [sflag:s22], $0x100  }
0x27: {  	[sflag:s22] =	ssyncset.done $0x0  }
0x28: {  	[sflag:s22] =	ssyncadd.s32 $0xFFFFFF00  }
0x29: {  	[tilespmem:s23], [sflag:$0x5] =	stream.indirect.gather [hbm4b:s4+s20], $0x80, s17, s20, $0xb8;
	[tilespmem:$0x1F700] =	vst v63  }
0x2a: {  	[bflag:$0x0] =	sbarrier.arrive $0xFFFF  }
0x2b: {  	_ =	swait.ge [sflag:s24], $0x100  }
0x2c: {  	[sflag:s24] =	ssyncset.done $0x0  }
0x2d: {  	[sflag:s24] =	ssyncadd.s32 $0xFFFFFF00  }
0x2e: {  	[tilespmem:s25], [sflag:$0x6] =	stream.indirect.gather [hbm4b:s4+s20], $0x80, s18, s20, $0xb8;
	[tilespmem:$0x1F700] =	vst v63  }
0x2f: {  	_ =	swait.ge [sflag:s26], $0x3C00  }
0x30: {  	[sflag:s26] =	ssyncset.done $0x0  }
0x31: {  	[sflag:s26] =	ssyncadd.s32 $0xFFFFC400  }
0x32: {  	[spmem:s2] =	stream.indirect.scatter.add.f32 [tilespmem:s21], [sflag:$0x7], $0x80, s28, s20, $0xb8;
	[tilespmem:$0x1F700] =	vst v63  }
0x33: {  	_ =	swait.ge [sflag:s16], $0x3C00  }
0x34: {  	[sflag:s16] =	ssyncset.done $0x0  }
0x35: {  	s8 =	sadd.s32 $0x0, s14;
	[sflag:s16] =	ssyncadd.s32 $0xFFFFC400  }
0x36: {  	[tilespmem:s3], [sflag:$0x1] =	stream.linear.gather [hbm4b:s8+s3], $0x100, $0x38;
	[tilespmem:$0x1F700] =	vst v63  }
0x37: {  	_ =	swait.ge [sflag:s19], $0x100  }
0x38: {  	[sflag:s19] =	ssyncset.done $0x0  }
0x39: {  	[sflag:s19] =	ssyncadd.s32 $0xFFFFFF00  }
0x3a: {  	[tilespmem:s21], [sflag:$0x4] =	stream.indirect.gather [hbm4b:s4+s20], $0x80, s3, s20, $0xb8;
	[tilespmem:$0x1F700] =	vst v63  }
0x3b: {  	_ =	swait.ge [sflag:s29], $0x3C00  }
0x3c: {  	[sflag:s29] =	ssyncset.done $0x0  }
0x3d: {  	[sflag:s29] =	ssyncadd.s32 $0xFFFFC400  }
0x3e: {  	[spmem:s2] =	stream.indirect.scatter.add.f32 [tilespmem:s23], [sflag:$0x7], $0x80, s30, s20, $0xb8;
	[tilespmem:$0x1F700] =	vst v63  }
0x3f: {  	_ =	swait.ge [sflag:s16], $0x3C00  }
0x40: {  	[sflag:s16] =	ssyncset.done $0x0  }
0x41: {  	s9 =	sadd.s32 $0x0, s13;
	[sflag:s16] =	ssyncadd.s32 $0xFFFFC400  }
0x42: {  	[tilespmem:s17], [sflag:$0x2] =	stream.linear.gather [hbm4b:s9+s3], $0x100, $0x38;
	[tilespmem:$0x1F700] =	vst v63  }
0x43: {  	_ =	swait.ge [sflag:s22], $0x100  }
0x44: {  	[sflag:s22] =	ssyncset.done $0x0  }
0x45: {  	[sflag:s22] =	ssyncadd.s32 $0xFFFFFF00  }
0x46: {  	[tilespmem:s23], [sflag:$0x5] =	stream.indirect.gather [hbm4b:s4+s20], $0x80, s17, s20, $0xb8;
	[tilespmem:$0x1F700] =	vst v63  }
0x47: {  	_ =	swait.ge [sflag:s31], $0x3C00  }
0x48: {  	[sflag:s31] =	ssyncset.done $0x0  }
0x49: {  	[sflag:s31] =	ssyncadd.s32 $0xFFFFC400  }
0x4a: {  	[spmem:s2] =	stream.indirect.scatter.add.f32 [tilespmem:s25], [sflag:$0x7], $0x80, s0, s20, $0xb8;
	[tilespmem:$0x1F700] =	vst v63  }
0x4b: {  	_ =	swait.ge [sflag:s16], $0x3C00  }
0x4c: {  	[sflag:s16] =	ssyncset.done $0x0  }
0x4d: {  	s6 =	simm.s32 $0x60;
	s8 =	sadd.s32 $0x0, s12;
	[sflag:s16] =	ssyncadd.s32 $0xFFFFC400  }
.LBB2_2:
0x4e: {  	[tilespmem:s18], [sflag:$0x3] =	stream.linear.gather [hbm4b:s8+s3], $0x100, $0x38;
	[tilespmem:$0x1F700] =	vst v63  }
0x4f: {  	s8 =	smov.u32 s6  }
0x50: {  	p0 =	sne.s32 s6, $0x9C0;
	s6 =	sadd.s32 $0x60, s6;
	_ =	swait.ge [sflag:s24], $0x100  }
0x51: {  	[sflag:s24] =	ssyncset.done $0x0  }
0x52: {  	[sflag:s24] =	ssyncadd.s32 $0xFFFFFF00  }
0x53: {  	[tilespmem:s25], [sflag:$0x6] =	stream.indirect.gather [hbm4b:s4+s20], $0x80, s18, s20, $0xb8;
	[tilespmem:$0x1F700] =	vst v63  }
0x54: {  	_ =	swait.ge [sflag:s26], $0x3C00  }
0x55: {  	[sflag:s26] =	ssyncset.done $0x0  }
0x56: {  	[sflag:s26] =	ssyncadd.s32 $0xFFFFC400  }
0x57: {  	[spmem:s2] =	stream.indirect.scatter.add.f32 [tilespmem:s21], [sflag:$0x7], $0x80, s28, s20, $0xb8;
	[tilespmem:$0x1F700] =	vst v63  }
0x58: {  	_ =	swait.ge [sflag:s16], $0x3C00  }
0x59: {  	[sflag:s16] =	ssyncset.done $0x0  }
0x5a: {  	s9 =	sadd.s32 s8, s14;
	[sflag:s16] =	ssyncadd.s32 $0xFFFFC400  }
0x5b: {  	[tilespmem:s3], [sflag:$0x1] =	stream.linear.gather [hbm4b:s9+s3], $0x100, $0x38;
	[tilespmem:$0x1F700] =	vst v63  }
0x5c: {  	_ =	swait.ge [sflag:s19], $0x100  }
0x5d: {  	[sflag:s19] =	ssyncset.done $0x0  }
0x5e: {  	[sflag:s19] =	ssyncadd.s32 $0xFFFFFF00  }
0x5f: {  	[tilespmem:s21], [sflag:$0x4] =	stream.indirect.gather [hbm4b:s4+s20], $0x80, s3, s20, $0xb8;
	[tilespmem:$0x1F700] =	vst v63  }
0x60: {  	_ =	swait.ge [sflag:s29], $0x3C00  }
0x61: {  	[sflag:s29] =	ssyncset.done $0x0  }
0x62: {  	[sflag:s29] =	ssyncadd.s32 $0xFFFFC400  }
0x63: {  	[spmem:s2] =	stream.indirect.scatter.add.f32 [tilespmem:s23], [sflag:$0x7], $0x80, s30, s20, $0xb8;
	[tilespmem:$0x1F700] =	vst v63  }
0x64: {  	_ =	swait.ge [sflag:s16], $0x3C00  }
0x65: {  	[sflag:s16] =	ssyncset.done $0x0  }
0x66: {  	s9 =	sadd.s32 s8, s13;
	[sflag:s16] =	ssyncadd.s32 $0xFFFFC400  }
0x67: {  	[tilespmem:s17], [sflag:$0x2] =	stream.linear.gather [hbm4b:s9+s3], $0x100, $0x38;
	[tilespmem:$0x1F700] =	vst v63  }
0x68: {  	_ =	swait.ge [sflag:s22], $0x100  }
0x69: {  	[sflag:s22] =	ssyncset.done $0x0  }
0x6a: {  	[sflag:s22] =	ssyncadd.s32 $0xFFFFFF00  }
0x6b: {  	[tilespmem:s23], [sflag:$0x5] =	stream.indirect.gather [hbm4b:s4+s20], $0x80, s17, s20, $0xb8;
	[tilespmem:$0x1F700] =	vst v63  }
0x6c: {  	_ =	swait.ge [sflag:s31], $0x3C00  }
0x6d: {  	[sflag:s31] =	ssyncset.done $0x0  }
.Ltmp0:
0x6e: {  	[sflag:s31] =	ssyncadd.s32 $0xFFFFC400;
	(pc) =	sbr.rel @p0 .LBB2_2-.Ltmp0, $4  }
0x6f: {  	[spmem:s2] =	stream.indirect.scatter.add.f32 [tilespmem:s25], [sflag:$0x7], $0x80, s0, s20, $0xb8;
	[tilespmem:$0x1F700] =	vst v63  }
0x70: {  	_ =	swait.ge [sflag:s16], $0x3C00  }
0x71: {  	[sflag:s16] =	ssyncset.done $0x0  }
0x72: {  	s8 =	sadd.s32 s8, s12;
	[sflag:s16] =	ssyncadd.s32 $0xFFFFC400  }
0x73: {  	[tilespmem:s18], [sflag:$0x3] =	stream.linear.gather [hbm4b:s8+s3], $0x100, $0x38;
	[tilespmem:$0x1F700] =	vst v63  }
0x74: {  	_ =	swait.ge [sflag:s24], $0x100  }
0x75: {  	[sflag:s24] =	ssyncset.done $0x0  }
0x76: {  	[sflag:s24] =	ssyncadd.s32 $0xFFFFFF00  }
0x77: {  	[tilespmem:s25], [sflag:$0x6] =	stream.indirect.gather [hbm4b:s4+s20], $0x80, s18, s20, $0xb8;
	[tilespmem:$0x1F700] =	vst v63  }
0x78: {  	_ =	swait.ge [sflag:s26], $0x3C00  }
0x79: {  	[sflag:s26] =	ssyncset.done $0x0  }
0x7a: {  	[sflag:s26] =	ssyncadd.s32 $0xFFFFC400  }
0x7b: {  	[spmem:s2] =	stream.indirect.scatter.add.f32 [tilespmem:s21], [sflag:$0x7], $0x80, s28, s20, $0xb8;
	[tilespmem:$0x1F700] =	vst v63  }
0x7c: {  	_ =	swait.ge [sflag:s16], $0x3C00  }
0x7d: {  	[sflag:s16] =	ssyncset.done $0x0  }
0x7e: {  	[sflag:s16] =	ssyncadd.s32 $0xFFFFC400  }
0x7f: {  	_ =	swait.ge [sflag:s29], $0x3C00  }
0x80: {  	[sflag:s29] =	ssyncset.done $0x0  }
0x81: {  	[sflag:s29] =	ssyncadd.s32 $0xFFFFC400  }
0x82: {  	[spmem:s2] =	stream.indirect.scatter.add.f32 [tilespmem:s23], [sflag:$0x7], $0x80, s30, s20, $0xb8;
	[tilespmem:$0x1F700] =	vst v63  }
0x83: {  	_ =	swait.ge [sflag:s16], $0x3C00  }
0x84: {  	[sflag:s16] =	ssyncset.done $0x0  }
0x85: {  	[sflag:s16] =	ssyncadd.s32 $0xFFFFC400  }
0x86: {  	_ =	swait.ge [sflag:s31], $0x3C00  }
0x87: {  	[sflag:s31] =	ssyncset.done $0x0  }
0x88: {  	[sflag:s31] =	ssyncadd.s32 $0xFFFFC400  }
0x89: {  	[spmem:s2] =	stream.indirect.scatter.add.f32 [tilespmem:s25], [sflag:$0x7], $0x80, s0, s20, $0xb8;
	[tilespmem:$0x1F700] =	vst v63  }
0x8a: {  	_ =	swait.ge [sflag:s16], $0x3C00  }
0x8b: {  	s1 =	sadd.s32 $0x1, s1;
	[sflag:s16] =	ssyncset.done $0x0  }
0x8c: {  	p0 =	sne.s32 s1, s11;
	[sflag:s16] =	ssyncadd.s32 $0xFFFFC400  }
.Ltmp1:
0x8d: {  	[bflag:$0x0] =	sbarrier.arrive $0xFFFF;
	(pc) =	sbr.rel @p0 .LBB2_1-.Ltmp1, $4  }
0x8e: {  	[hbm:s10], [sflag:s7] =	dma.local [spmem:s15], $0x2800  }
0x8f: {  	_ =	swait.ge [sflag:s16], $0x2800  }
0x90: {  	[sflag:s16] =	ssyncset.done $0x0  }
0x91: {  	[sflag:s16] =	ssyncadd.s32 $0xFFFFD800  }
0x92: {  	_ =	sfence.sel $0x180000  }
0x93: {  	[bflag:$0x0] =	sbarrier.arrive $0xFFFF  }
0x94: {  	_ =	strace $0x90000050  }
0x95: {  	s0 =	stileid.u32;
	[bflag:$0x2] =	sbarrier.arrive $0xFFFF  }
0x96: {  	p0 =	sne.s32 s0, $0x0;
	s0 =	rddreg [dreg:$0x2]  }
0x97: {  	s0 =	sadd.s32 @!p0 $0x100000, s0  }
0x98: {  	[sflag:s0] =	ssyncadd.tile.s32 @!p0 $0x1;
	_ =	shalt  }
.Lfunc_end2:
_tile_overlayer_lowered:
.L_overlay_start_2:
0x99: {  	(tag) =	ssettag $0x2  }
0x9a: {  	s0 =	rddreg [dreg:$0x0];
	s2 =	stileid.u32  }
0x9b: {  	s1 =	rddreg [dreg:$0x1];
	p0 =	sne.s32 s2, $0x0  }
0x9c: {  	s3 =	rddreg [dreg:$0x2];
	[bflag:$0x3] =	sbarrier.arrive $0xFFFF;
	s2 =	simm.s32 @!p0 $0x1C07  }
0x9d: {  	[timem:s3], [sflag:s2] =	dma.local @!p0 [hbm:s0], s1  }
0x9e: {  	s0 =	simm.s32 @!p0 $0x7  }
0x9f: {  	_ =	swait.ge @!p0 [sflag:s0], s1  }
0xa0: {  	s1 =	ssub.s32 @!p0 $0x0, s1;
	[sflag:s0] =	ssyncset.done @!p0 $0x0  }
0xa1: {  	[sflag:s0] =	ssyncadd.s32 @!p0 s1  }
0xa2: {  	[bflag:$0x3] =	sbarrier.arrive $0xFFFF  }
0xa3: {  	_ =	shalt  }

</sc_bundles>
